<compile_context>
chip_gen: v7x
topology: tpu7x:2x2x1
jax: 0.10.2.dev20260603
libtpu: 0.0.44.dev20260713+nightly
codegen_flags: <defaults>
</compile_context>

<pallas_src>
import functools

import jax
import jax.numpy as jnp
from jax import lax
from jax.experimental import pallas as pl
from jax.experimental.pallas import tpu as pltpu
from jax.experimental.pallas import tpu_sc as plsc

_NC = 2
_NS = 16
_NW = _NC * _NS
_L = 16

_R = 128
_C = 8192
_K = 3
_R_SC = 64
_RPW = _R_SC // _NW
_R_TC = _R - _R_SC
_NQ = 4
_QC = _C // _NQ
_NVQ = _QC // _L
_OPAD = 16


def _insert(state, v, iv):
  m1, m2, m3, i1, i2, i3 = state
  c1 = v > m1
  c2 = v > m2
  c3 = v > m3
  t1 = jnp.minimum(m1, v)
  n1 = jnp.maximum(m1, v)
  t2 = jnp.minimum(m2, t1)
  n2 = jnp.maximum(m2, t1)
  n3 = jnp.maximum(m3, t2)
  j1 = jnp.where(c1, iv, i1)
  j2 = jnp.where(c1, i1, jnp.where(c2, iv, i2))
  j3 = jnp.where(c2, i2, jnp.where(c3, iv, i3))
  return n1, n2, n3, j1, j2, j3




def _bcast_max(x):
  return plsc.cummax(jnp.flip(plsc.cummax(x)))


def _bcast_min_i32(x):
  return -_bcast_max(-x)


def _sc_body(x_hbm, out_hbm, xin, vout):
  w = lax.axis_index("s") * _NC + lax.axis_index("c")
  base = w * _RPW
  pltpu.sync_copy(x_hbm.at[pl.ds(base, _RPW)], xin)

  neg_inf = jnp.full((_L,), -jnp.inf, jnp.float32)
  zeros_i = jnp.zeros((_L,), jnp.int32)
  iota = lax.iota(jnp.int32, _L)
  big = jnp.full((_L,), jnp.int32(2**30))

  for r in range(_RPW):
    def body(t, carry):
      new = []
      iv = carry[-1]
      for q in range(_NQ):
        v = xin[r, pl.ds(q * _QC + t * _L, _L)]
        new.append(_insert(carry[q], v, iv + q * _QC))
      return (*new, iv + _L)

    init = tuple((neg_inf, neg_inf, neg_inf, zeros_i, zeros_i, zeros_i)
                 for _ in range(_NQ))
    carry = lax.fori_loop(0, _NVQ, body, (*init, iota), unroll=2)

    st = carry[0]
    for q in range(1, _NQ):
      m1, m2, m3, i1, i2, i3 = carry[q]
      st = _insert(st, m1, i1)
      st = _insert(st, m2, i2)
      st = _insert(st, m3, i3)
    m1, m2, m3, i1, i2, i3 = st

    vacc = neg_inf
    iacc = zeros_i
    for k in range(_K):
      s = _bcast_max(m1)
      cand = _bcast_min_i32(jnp.where(m1 == s, i1, big))
      vacc = jnp.where(iota == k, s, vacc)
      iacc = jnp.where(iota == k, cand, iacc)
      hit = (m1 == s) & (i1 == cand)
      m1 = jnp.where(hit, m2, m1)
      i1 = jnp.where(hit, i2, i1)
      m2 = jnp.where(hit, m3, m2)
      i2 = jnp.where(hit, i3, i2)
      m3 = jnp.where(hit, neg_inf, m3)
    vout[0, r, :] = vacc
    vout[1, r, :] = plsc.bitcast(iacc, jnp.float32)

  pltpu.sync_copy(vout.at[0], out_hbm.at[0, pl.ds(base, _RPW)])
  pltpu.sync_copy(vout.at[1], out_hbm.at[1, pl.ds(base, _RPW)])


_topk_sc = functools.partial(
    pl.kernel,
    out_type=jax.ShapeDtypeStruct((2, _R_SC, _OPAD), jnp.float32),
    mesh=plsc.VectorSubcoreMesh(
        core_axis_name="c", subcore_axis_name="s",
        num_cores=_NC, num_subcores=_NS),
    compiler_params=pltpu.CompilerParams(needs_layout_passes=False),
    scratch_types=[
        pltpu.VMEM((_RPW, _C), jnp.float32),
        pltpu.VMEM((2, _RPW, _OPAD), jnp.float32),
    ],
)(_sc_body)



_TB = 8
_TL = 128
_NVT = _C // _TL


_TG = 4
_NVG = _NVT // _TG


def _tc_kernel(x_ref, v_ref, i_ref):
  neg_inf = jnp.full((_TB, _TL), -jnp.inf, jnp.float32)
  zeros_i = jnp.zeros((_TB, _TL), jnp.int32)
  lane = lax.broadcasted_iota(jnp.int32, (_TB, _TL), 1)
  big = jnp.full((_TB, _TL), jnp.int32(2**30))

  carry = [
      (neg_inf, neg_inf, neg_inf, zeros_i, zeros_i, zeros_i)
      for _ in range(_TG)
  ]
  for t in range(_NVG):
    for g in range(_TG):
      c = g * _NVG + t
      v = x_ref[:, pl.ds(c * _TL, _TL)]
      carry[g] = _insert(carry[g], v, lane + c * _TL)

  st = carry[0]
  for g in range(1, _TG):
    m1, m2, m3, i1, i2, i3 = carry[g]
    st = _insert(st, m1, i1)
    st = _insert(st, m2, i2)
    st = _insert(st, m3, i3)
  m1, m2, m3, i1, i2, i3 = st

  vcols = []
  icols = []
  for _ in range(_K):
    s = jnp.max(m1, axis=1, keepdims=True)
    cand = jnp.min(jnp.where(m1 == s, i1, big), axis=1, keepdims=True)
    vcols.append(s)
    icols.append(cand)
    hit = (m1 == s) & (i1 == cand)
    m1 = jnp.where(hit, m2, m1)
    i1 = jnp.where(hit, i2, i1)
    m2 = jnp.where(hit, m3, m2)
    i2 = jnp.where(hit, i3, i2)
    m3 = jnp.where(hit, neg_inf, m3)
  v_ref[...] = jnp.concatenate(vcols, axis=1)
  i_ref[...] = jnp.concatenate(icols, axis=1)


_topk_tc = pl.pallas_call(
    _tc_kernel,
    grid=(_R_TC // _TB,),
    in_specs=[pl.BlockSpec((_TB, _C), lambda i: (i + _R_SC // _TB, 0))],
    out_specs=[
        pl.BlockSpec((_TB, _K), lambda i: (i, 0)),
        pl.BlockSpec((_TB, _K), lambda i: (i, 0)),
    ],
    out_shape=[
        jax.ShapeDtypeStruct((_R_TC, _K), jnp.float32),
        jax.ShapeDtypeStruct((_R_TC, _K), jnp.int32),
    ],
)


@jax.jit
def kernel(x):
  sc_out = _topk_sc(x)
  tc_vals, tc_idxs = _topk_tc(x)
  sc_sliced = sc_out[:, :, :_K]
  vals = jnp.concatenate([sc_sliced[0], tc_vals], axis=0)
  idxs = jnp.concatenate(
      [lax.bitcast_convert_type(sc_sliced[1], jnp.int32), tc_idxs], axis=0)
  return vals, idxs

# --- scband reference (transcript-rebuilt; emitter-appended) ---
"""Pipeline reference for scband-top-kmodule-6399501271761 (READ-ONLY COPY).

The authoritative reference and input builder live on the scoring server;
editing this copy changes nothing except your own understanding.
"""

import jax, jax.numpy as jnp
import numpy as np

def setup_inputs(seed: int = 0) -> dict:
    key = jax.random.key(seed)
    x = jax.random.normal(key, (128, 8192), dtype=jnp.float32)
    return {"x": x}

def reference(x):
    # torch.topk(x, 3, dim=1) on a 2D tensor -> top-3 along last axis
    values, indices = jax.lax.top_k(x, 3)
    return (values, indices)

if __name__ == "__main__":
    import jax
    _d = setup_inputs()
    print(jax.jit(kernel)(*tuple(_d.values())))

</pallas_src>

<mosaic_0001>
#map = affine_map<(d0, d1) -> (0, 0)>
#map1 = affine_map<(d0, d1) -> (0, 0, 0)>
module attributes {stable_mosaic.version = 14 : i64} {
  func.func @_sc_body(%arg0: i32, %arg1: i32, %arg2: memref<128x8192xf32, #tpu.memory_space<hbm>>, %arg3: memref<2x64x16xf32, #tpu.memory_space<hbm>>, %arg4: memref<2x8192xf32, #tpu.memory_space<vmem>>, %arg5: memref<2x2x16xf32, #tpu.memory_space<vmem>>) attributes {dimension_semantics = [#tpu.dimension_semantics<core_parallel>, #tpu.dimension_semantics<subcore_parallel>], iteration_bounds = array<i64: 2, 16>, scalar_prefetch = 0 : i64, scratch_operands = 2 : i64, tpu.core_type = #tpu.core_type<sc_vector_subcore>, window_params = [{transform_indices = #map}, {transform_indices = #map1}]} {
    %mul3A = arith.constant 2 : i32
    %mul3A_0 = arith.muli %arg1, %mul3A : i32
    %add3A = arith.addi %mul3A_0, %arg0 : i32
    %mul3A_1 = arith.constant 2 : i32
    %mul3A_2 = arith.muli %add3A, %mul3A_1 : i32
    "tpu.region"() ({
      %run_scoped3A_595 = tpu.sem_alloc : memref<!tpu.dma_semaphore, #tpu.memory_space<semaphore_mem>>
      %dma_start3A = arith.constant 0 : i32
      %dma_start3A_596 = tpu.memref_slice %arg2[%mul3A_2, %dma_start3A] : memref<128x8192xf32, #tpu.memory_space<hbm>> -> memref<2x8192xf32, #tpu.memory_space<hbm>>
      %dma_start3A_597 = arith.constant 0 : i32
      %dma_start3A_598 = tpu.memref_slice %arg2[%mul3A_2, %dma_start3A_597] : memref<128x8192xf32, #tpu.memory_space<hbm>> -> memref<2x8192xf32, #tpu.memory_space<hbm>>
      tpu.enqueue_dma source(%dma_start3A_598 : memref<2x8192xf32, #tpu.memory_space<hbm>>) target(%arg4 : memref<2x8192xf32, #tpu.memory_space<vmem>>) target_semaphore(%run_scoped3A_595 : memref<!tpu.dma_semaphore, #tpu.memory_space<semaphore_mem>>)
      %dma_wait3A = arith.constant 0 : i32
      %dma_wait3A_599 = tpu.memref_slice %arg2[%mul3A_2, %dma_wait3A] : memref<128x8192xf32, #tpu.memory_space<hbm>> -> memref<2x8192xf32, #tpu.memory_space<hbm>>
      %dma_wait3A_600 = arith.constant 0 : i32
      %dma_wait3A_601 = tpu.memref_slice %arg2[%mul3A_2, %dma_wait3A_600] : memref<128x8192xf32, #tpu.memory_space<hbm>> -> memref<2x8192xf32, #tpu.memory_space<hbm>>
      tpu.wait_dma2 semaphore(%run_scoped3A_595 : memref<!tpu.dma_semaphore, #tpu.memory_space<semaphore_mem>>) src(%dma_wait3A_601 : memref<2x8192xf32, #tpu.memory_space<hbm>>) dst(%arg4 : memref<2x8192xf32, #tpu.memory_space<vmem>>)
      tpu.yield
    }) : () -> ()
    %broadcast_in_dim3A = arith.constant 0xFF800000 : f32
    %broadcast_in_dim3A_3 = vector.broadcast %broadcast_in_dim3A : f32 to vector<16xf32>
    %broadcast_in_dim3A_4 = arith.constant 0 : i32
    %broadcast_in_dim3A_5 = vector.broadcast %broadcast_in_dim3A_4 : i32 to vector<16xi32>
    %iota3A = tpu.iota {dimensions = array<i32: 0>} : vector<16xi32>
    %broadcast_in_dim3A_6 = arith.constant 1073741824 : i32
    %broadcast_in_dim3A_7 = vector.broadcast %broadcast_in_dim3A_6 : i32 to vector<16xi32>
    %scan3A = arith.constant 0 : i32
    %scan3A_8 = arith.constant 128 : i32
    %scan3A_9 = arith.addi %scan3A, %scan3A_8 : i32
    %scan3A_10 = arith.constant 2 : i32
    %scan3A_11:25 = scf.for %scan3A_595 = %scan3A to %scan3A_9 step %scan3A_10 iter_args(%scan3A_596 = %broadcast_in_dim3A_3, %scan3A_597 = %broadcast_in_dim3A_3, %scan3A_598 = %broadcast_in_dim3A_3, %scan3A_599 = %broadcast_in_dim3A_5, %scan3A_600 = %broadcast_in_dim3A_5, %scan3A_601 = %broadcast_in_dim3A_5, %scan3A_602 = %broadcast_in_dim3A_3, %scan3A_603 = %broadcast_in_dim3A_3, %scan3A_604 = %broadcast_in_dim3A_3, %scan3A_605 = %broadcast_in_dim3A_5, %scan3A_606 = %broadcast_in_dim3A_5, %scan3A_607 = %broadcast_in_dim3A_5, %scan3A_608 = %broadcast_in_dim3A_3, %scan3A_609 = %broadcast_in_dim3A_3, %scan3A_610 = %broadcast_in_dim3A_3, %scan3A_611 = %broadcast_in_dim3A_5, %scan3A_612 = %broadcast_in_dim3A_5, %scan3A_613 = %broadcast_in_dim3A_5, %scan3A_614 = %broadcast_in_dim3A_3, %scan3A_615 = %broadcast_in_dim3A_3, %scan3A_616 = %broadcast_in_dim3A_3, %scan3A_617 = %broadcast_in_dim3A_5, %scan3A_618 = %broadcast_in_dim3A_5, %scan3A_619 = %broadcast_in_dim3A_5, %scan3A_620 = %iota3A) -> (vector<16xf32>, vector<16xf32>, vector<16xf32>, vector<16xi32>, vector<16xi32>, vector<16xi32>, vector<16xf32>, vector<16xf32>, vector<16xf32>, vector<16xi32>, vector<16xi32>, vector<16xi32>, vector<16xf32>, vector<16xf32>, vector<16xf32>, vector<16xi32>, vector<16xi32>, vector<16xi32>, vector<16xf32>, vector<16xf32>, vector<16xf32>, vector<16xi32>, vector<16xi32>, vector<16xi32>, vector<16xi32>)  : i32 {
      %mul3A_621 = arith.constant 16 : i32
      %mul3A_622 = arith.muli %scan3A_595, %mul3A_621 : i32
      %add3A_623 = arith.constant 0 : i32
      %add3A_624 = arith.addi %add3A_623, %mul3A_622 : i32
      %get3A = arith.constant 0 : i32
      %get3A_625 = arith.index_cast %get3A : i32 to index
      %get3A_626 = arith.index_cast %add3A_624 : i32 to index
      %get3A_627 = tpu.vector_load %arg4[%get3A_625, %get3A_626] {strides = array<i32>} : memref<2x8192xf32, #tpu.memory_space<vmem>>, vector<16xf32>,
      %add3A_628 = arith.constant 0 : i32
      %add3A_629 = vector.broadcast %add3A_628 : i32 to vector<16xi32>
      %add3A_630 = arith.addi %scan3A_620, %add3A_629 : vector<16xi32>
      %gt3A_631 = arith.cmpf ogt, %get3A_627, %scan3A_596 : vector<16xf32>
      %gt3A_632 = arith.cmpf ogt, %get3A_627, %scan3A_597 : vector<16xf32>
      %gt3A_633 = arith.cmpf ogt, %get3A_627, %scan3A_598 : vector<16xf32>
      %min3A_634 = arith.minimumf %scan3A_596, %get3A_627 : vector<16xf32>
      %max3A_635 = arith.maximumf %scan3A_596, %get3A_627 : vector<16xf32>
      %min3A_636 = arith.minimumf %scan3A_597, %min3A_634 : vector<16xf32>
      %max3A_637 = arith.maximumf %scan3A_597, %min3A_634 : vector<16xf32>
      %max3A_638 = arith.maximumf %scan3A_598, %min3A_636 : vector<16xf32>
      %select_n3A_639 = arith.select %gt3A_631, %add3A_630, %scan3A_599 : vector<16xi1>, vector<16xi32>
      %select_n3A_640 = arith.select %gt3A_632, %add3A_630, %scan3A_600 : vector<16xi1>, vector<16xi32>
      %select_n3A_641 = arith.select %gt3A_631, %scan3A_599, %select_n3A_640 : vector<16xi1>, vector<16xi32>
      %select_n3A_642 = arith.select %gt3A_633, %add3A_630, %scan3A_601 : vector<16xi1>, vector<16xi32>
      %select_n3A_643 = arith.select %gt3A_632, %scan3A_600, %select_n3A_642 : vector<16xi1>, vector<16xi32>
      %mul3A_644 = arith.constant 16 : i32
      %mul3A_645 = arith.muli %scan3A_595, %mul3A_644 : i32
      %add3A_646 = arith.constant 2048 : i32
      %add3A_647 = arith.addi %add3A_646, %mul3A_645 : i32
      %get3A_648 = arith.constant 0 : i32
      %get3A_649 = arith.index_cast %get3A_648 : i32 to index
      %get3A_650 = arith.index_cast %add3A_647 : i32 to index
      %get3A_651 = tpu.vector_load %arg4[%get3A_649, %get3A_650] {strides = array<i32>} : memref<2x8192xf32, #tpu.memory_space<vmem>>, vector<16xf32>,
      %add3A_652 = arith.constant 2048 : i32
      %add3A_653 = vector.broadcast %add3A_652 : i32 to vector<16xi32>
      %add3A_654 = arith.addi %scan3A_620, %add3A_653 : vector<16xi32>
      %gt3A_655 = arith.cmpf ogt, %get3A_651, %scan3A_602 : vector<16xf32>
      %gt3A_656 = arith.cmpf ogt, %get3A_651, %scan3A_603 : vector<16xf32>
      %gt3A_657 = arith.cmpf ogt, %get3A_651, %scan3A_604 : vector<16xf32>
      %min3A_658 = arith.minimumf %scan3A_602, %get3A_651 : vector<16xf32>
      %max3A_659 = arith.maximumf %scan3A_602, %get3A_651 : vector<16xf32>
      %min3A_660 = arith.minimumf %scan3A_603, %min3A_658 : vector<16xf32>
      %max3A_661 = arith.maximumf %scan3A_603, %min3A_658 : vector<16xf32>
      %max3A_662 = arith.maximumf %scan3A_604, %min3A_660 : vector<16xf32>
      %select_n3A_663 = arith.select %gt3A_655, %add3A_654, %scan3A_605 : vector<16xi1>, vector<16xi32>
      %select_n3A_664 = arith.select %gt3A_656, %add3A_654, %scan3A_606 : vector<16xi1>, vector<16xi32>
      %select_n3A_665 = arith.select %gt3A_655, %scan3A_605, %select_n3A_664 : vector<16xi1>, vector<16xi32>
      %select_n3A_666 = arith.select %gt3A_657, %add3A_654, %scan3A_607 : vector<16xi1>, vector<16xi32>
      %select_n3A_667 = arith.select %gt3A_656, %scan3A_606, %select_n3A_666 : vector<16xi1>, vector<16xi32>
      %mul3A_668 = arith.constant 16 : i32
      %mul3A_669 = arith.muli %scan3A_595, %mul3A_668 : i32
      %add3A_670 = arith.constant 4096 : i32
      %add3A_671 = arith.addi %add3A_670, %mul3A_669 : i32
      %get3A_672 = arith.constant 0 : i32
      %get3A_673 = arith.index_cast %get3A_672 : i32 to index
      %get3A_674 = arith.index_cast %add3A_671 : i32 to index
      %get3A_675 = tpu.vector_load %arg4[%get3A_673, %get3A_674] {strides = array<i32>} : memref<2x8192xf32, #tpu.memory_space<vmem>>, vector<16xf32>,
      %add3A_676 = arith.constant 4096 : i32
      %add3A_677 = vector.broadcast %add3A_676 : i32 to vector<16xi32>
      %add3A_678 = arith.addi %scan3A_620, %add3A_677 : vector<16xi32>
      %gt3A_679 = arith.cmpf ogt, %get3A_675, %scan3A_608 : vector<16xf32>
      %gt3A_680 = arith.cmpf ogt, %get3A_675, %scan3A_609 : vector<16xf32>
      %gt3A_681 = arith.cmpf ogt, %get3A_675, %scan3A_610 : vector<16xf32>
      %min3A_682 = arith.minimumf %scan3A_608, %get3A_675 : vector<16xf32>
      %max3A_683 = arith.maximumf %scan3A_608, %get3A_675 : vector<16xf32>
      %min3A_684 = arith.minimumf %scan3A_609, %min3A_682 : vector<16xf32>
      %max3A_685 = arith.maximumf %scan3A_609, %min3A_682 : vector<16xf32>
      %max3A_686 = arith.maximumf %scan3A_610, %min3A_684 : vector<16xf32>
      %select_n3A_687 = arith.select %gt3A_679, %add3A_678, %scan3A_611 : vector<16xi1>, vector<16xi32>
      %select_n3A_688 = arith.select %gt3A_680, %add3A_678, %scan3A_612 : vector<16xi1>, vector<16xi32>
      %select_n3A_689 = arith.select %gt3A_679, %scan3A_611, %select_n3A_688 : vector<16xi1>, vector<16xi32>
      %select_n3A_690 = arith.select %gt3A_681, %add3A_678, %scan3A_613 : vector<16xi1>, vector<16xi32>
      %select_n3A_691 = arith.select %gt3A_680, %scan3A_612, %select_n3A_690 : vector<16xi1>, vector<16xi32>
      %mul3A_692 = arith.constant 16 : i32
      %mul3A_693 = arith.muli %scan3A_595, %mul3A_692 : i32
      %add3A_694 = arith.constant 6144 : i32
      %add3A_695 = arith.addi %add3A_694, %mul3A_693 : i32
      %get3A_696 = arith.constant 0 : i32
      %get3A_697 = arith.index_cast %get3A_696 : i32 to index
      %get3A_698 = arith.index_cast %add3A_695 : i32 to index
      %get3A_699 = tpu.vector_load %arg4[%get3A_697, %get3A_698] {strides = array<i32>} : memref<2x8192xf32, #tpu.memory_space<vmem>>, vector<16xf32>,
      %add3A_700 = arith.constant 6144 : i32
      %add3A_701 = vector.broadcast %add3A_700 : i32 to vector<16xi32>
      %add3A_702 = arith.addi %scan3A_620, %add3A_701 : vector<16xi32>
      %gt3A_703 = arith.cmpf ogt, %get3A_699, %scan3A_614 : vector<16xf32>
      %gt3A_704 = arith.cmpf ogt, %get3A_699, %scan3A_615 : vector<16xf32>
      %gt3A_705 = arith.cmpf ogt, %get3A_699, %scan3A_616 : vector<16xf32>
      %min3A_706 = arith.minimumf %scan3A_614, %get3A_699 : vector<16xf32>
      %max3A_707 = arith.maximumf %scan3A_614, %get3A_699 : vector<16xf32>
      %min3A_708 = arith.minimumf %scan3A_615, %min3A_706 : vector<16xf32>
      %max3A_709 = arith.maximumf %scan3A_615, %min3A_706 : vector<16xf32>
      %max3A_710 = arith.maximumf %scan3A_616, %min3A_708 : vector<16xf32>
      %select_n3A_711 = arith.select %gt3A_703, %add3A_702, %scan3A_617 : vector<16xi1>, vector<16xi32>
      %select_n3A_712 = arith.select %gt3A_704, %add3A_702, %scan3A_618 : vector<16xi1>, vector<16xi32>
      %select_n3A_713 = arith.select %gt3A_703, %scan3A_617, %select_n3A_712 : vector<16xi1>, vector<16xi32>
      %select_n3A_714 = arith.select %gt3A_705, %add3A_702, %scan3A_619 : vector<16xi1>, vector<16xi32>
      %select_n3A_715 = arith.select %gt3A_704, %scan3A_618, %select_n3A_714 : vector<16xi1>, vector<16xi32>
      %add3A_716 = arith.constant 16 : i32
      %add3A_717 = vector.broadcast %add3A_716 : i32 to vector<16xi32>
      %add3A_718 = arith.addi %scan3A_620, %add3A_717 : vector<16xi32>
      %scan3A_719 = arith.constant 1 : i32
      %scan3A_720 = arith.addi %scan3A_595, %scan3A_719 : i32
      %mul3A_721 = arith.constant 16 : i32
      %mul3A_722 = arith.muli %scan3A_720, %mul3A_721 : i32
      %add3A_723 = arith.constant 0 : i32
      %add3A_724 = arith.addi %add3A_723, %mul3A_722 : i32
      %get3A_725 = arith.constant 0 : i32
      %get3A_726 = arith.index_cast %get3A_725 : i32 to index
      %get3A_727 = arith.index_cast %add3A_724 : i32 to index
      %get3A_728 = tpu.vector_load %arg4[%get3A_726, %get3A_727] {strides = array<i32>} : memref<2x8192xf32, #tpu.memory_space<vmem>>, vector<16xf32>,
      %add3A_729 = arith.constant 0 : i32
      %add3A_730 = vector.broadcast %add3A_729 : i32 to vector<16xi32>
      %add3A_731 = arith.addi %add3A_718, %add3A_730 : vector<16xi32>
      %gt3A_732 = arith.cmpf ogt, %get3A_728, %max3A_635 : vector<16xf32>
      %gt3A_733 = arith.cmpf ogt, %get3A_728, %max3A_637 : vector<16xf32>
      %gt3A_734 = arith.cmpf ogt, %get3A_728, %max3A_638 : vector<16xf32>
      %min3A_735 = arith.minimumf %max3A_635, %get3A_728 : vector<16xf32>
      %max3A_736 = arith.maximumf %max3A_635, %get3A_728 : vector<16xf32>
      %min3A_737 = arith.minimumf %max3A_637, %min3A_735 : vector<16xf32>
      %max3A_738 = arith.maximumf %max3A_637, %min3A_735 : vector<16xf32>
      %max3A_739 = arith.maximumf %max3A_638, %min3A_737 : vector<16xf32>
      %select_n3A_740 = arith.select %gt3A_732, %add3A_731, %select_n3A_639 : vector<16xi1>, vector<16xi32>
      %select_n3A_741 = arith.select %gt3A_733, %add3A_731, %select_n3A_641 : vector<16xi1>, vector<16xi32>
      %select_n3A_742 = arith.select %gt3A_732, %select_n3A_639, %select_n3A_741 : vector<16xi1>, vector<16xi32>
      %select_n3A_743 = arith.select %gt3A_734, %add3A_731, %select_n3A_643 : vector<16xi1>, vector<16xi32>
      %select_n3A_744 = arith.select %gt3A_733, %select_n3A_641, %select_n3A_743 : vector<16xi1>, vector<16xi32>
      %mul3A_745 = arith.constant 16 : i32
      %mul3A_746 = arith.muli %scan3A_720, %mul3A_745 : i32
      %add3A_747 = arith.constant 2048 : i32
      %add3A_748 = arith.addi %add3A_747, %mul3A_746 : i32
      %get3A_749 = arith.constant 0 : i32
      %get3A_750 = arith.index_cast %get3A_749 : i32 to index
      %get3A_751 = arith.index_cast %add3A_748 : i32 to index
      %get3A_752 = tpu.vector_load %arg4[%get3A_750, %get3A_751] {strides = array<i32>} : memref<2x8192xf32, #tpu.memory_space<vmem>>, vector<16xf32>,
      %add3A_753 = arith.constant 2048 : i32
      %add3A_754 = vector.broadcast %add3A_753 : i32 to vector<16xi32>
      %add3A_755 = arith.addi %add3A_718, %add3A_754 : vector<16xi32>
      %gt3A_756 = arith.cmpf ogt, %get3A_752, %max3A_659 : vector<16xf32>
      %gt3A_757 = arith.cmpf ogt, %get3A_752, %max3A_661 : vector<16xf32>
      %gt3A_758 = arith.cmpf ogt, %get3A_752, %max3A_662 : vector<16xf32>
      %min3A_759 = arith.minimumf %max3A_659, %get3A_752 : vector<16xf32>
      %max3A_760 = arith.maximumf %max3A_659, %get3A_752 : vector<16xf32>
      %min3A_761 = arith.minimumf %max3A_661, %min3A_759 : vector<16xf32>
      %max3A_762 = arith.maximumf %max3A_661, %min3A_759 : vector<16xf32>
      %max3A_763 = arith.maximumf %max3A_662, %min3A_761 : vector<16xf32>
      %select_n3A_764 = arith.select %gt3A_756, %add3A_755, %select_n3A_663 : vector<16xi1>, vector<16xi32>
      %select_n3A_765 = arith.select %gt3A_757, %add3A_755, %select_n3A_665 : vector<16xi1>, vector<16xi32>
      %select_n3A_766 = arith.select %gt3A_756, %select_n3A_663, %select_n3A_765 : vector<16xi1>, vector<16xi32>
      %select_n3A_767 = arith.select %gt3A_758, %add3A_755, %select_n3A_667 : vector<16xi1>, vector<16xi32>
      %select_n3A_768 = arith.select %gt3A_757, %select_n3A_665, %select_n3A_767 : vector<16xi1>, vector<16xi32>
      %mul3A_769 = arith.constant 16 : i32
      %mul3A_770 = arith.muli %scan3A_720, %mul3A_769 : i32
      %add3A_771 = arith.constant 4096 : i32
      %add3A_772 = arith.addi %add3A_771, %mul3A_770 : i32
      %get3A_773 = arith.constant 0 : i32
      %get3A_774 = arith.index_cast %get3A_773 : i32 to index
      %get3A_775 = arith.index_cast %add3A_772 : i32 to index
      %get3A_776 = tpu.vector_load %arg4[%get3A_774, %get3A_775] {strides = array<i32>} : memref<2x8192xf32, #tpu.memory_space<vmem>>, vector<16xf32>,
      %add3A_777 = arith.constant 4096 : i32
      %add3A_778 = vector.broadcast %add3A_777 : i32 to vector<16xi32>
      %add3A_779 = arith.addi %add3A_718, %add3A_778 : vector<16xi32>
      %gt3A_780 = arith.cmpf ogt, %get3A_776, %max3A_683 : vector<16xf32>
      %gt3A_781 = arith.cmpf ogt, %get3A_776, %max3A_685 : vector<16xf32>
      %gt3A_782 = arith.cmpf ogt, %get3A_776, %max3A_686 : vector<16xf32>
      %min3A_783 = arith.minimumf %max3A_683, %get3A_776 : vector<16xf32>
      %max3A_784 = arith.maximumf %max3A_683, %get3A_776 : vector<16xf32>
      %min3A_785 = arith.minimumf %max3A_685, %min3A_783 : vector<16xf32>
      %max3A_786 = arith.maximumf %max3A_685, %min3A_783 : vector<16xf32>
      %max3A_787 = arith.maximumf %max3A_686, %min3A_785 : vector<16xf32>
      %select_n3A_788 = arith.select %gt3A_780, %add3A_779, %select_n3A_687 : vector<16xi1>, vector<16xi32>
      %select_n3A_789 = arith.select %gt3A_781, %add3A_779, %select_n3A_689 : vector<16xi1>, vector<16xi32>
      %select_n3A_790 = arith.select %gt3A_780, %select_n3A_687, %select_n3A_789 : vector<16xi1>, vector<16xi32>
      %select_n3A_791 = arith.select %gt3A_782, %add3A_779, %select_n3A_691 : vector<16xi1>, vector<16xi32>
      %select_n3A_792 = arith.select %gt3A_781, %select_n3A_689, %select_n3A_791 : vector<16xi1>, vector<16xi32>
      %mul3A_793 = arith.constant 16 : i32
      %mul3A_794 = arith.muli %scan3A_720, %mul3A_793 : i32
      %add3A_795 = arith.constant 6144 : i32
      %add3A_796 = arith.addi %add3A_795, %mul3A_794 : i32
      %get3A_797 = arith.constant 0 : i32
      %get3A_798 = arith.index_cast %get3A_797 : i32 to index
      %get3A_799 = arith.index_cast %add3A_796 : i32 to index
      %get3A_800 = tpu.vector_load %arg4[%get3A_798, %get3A_799] {strides = array<i32>} : memref<2x8192xf32, #tpu.memory_space<vmem>>, vector<16xf32>,
      %add3A_801 = arith.constant 6144 : i32
      %add3A_802 = vector.broadcast %add3A_801 : i32 to vector<16xi32>
      %add3A_803 = arith.addi %add3A_718, %add3A_802 : vector<16xi32>
      %gt3A_804 = arith.cmpf ogt, %get3A_800, %max3A_707 : vector<16xf32>
      %gt3A_805 = arith.cmpf ogt, %get3A_800, %max3A_709 : vector<16xf32>
      %gt3A_806 = arith.cmpf ogt, %get3A_800, %max3A_710 : vector<16xf32>
      %min3A_807 = arith.minimumf %max3A_707, %get3A_800 : vector<16xf32>
      %max3A_808 = arith.maximumf %max3A_707, %get3A_800 : vector<16xf32>
      %min3A_809 = arith.minimumf %max3A_709, %min3A_807 : vector<16xf32>
      %max3A_810 = arith.maximumf %max3A_709, %min3A_807 : vector<16xf32>
      %max3A_811 = arith.maximumf %max3A_710, %min3A_809 : vector<16xf32>
      %select_n3A_812 = arith.select %gt3A_804, %add3A_803, %select_n3A_711 : vector<16xi1>, vector<16xi32>
      %select_n3A_813 = arith.select %gt3A_805, %add3A_803, %select_n3A_713 : vector<16xi1>, vector<16xi32>
      %select_n3A_814 = arith.select %gt3A_804, %select_n3A_711, %select_n3A_813 : vector<16xi1>, vector<16xi32>
      %select_n3A_815 = arith.select %gt3A_806, %add3A_803, %select_n3A_715 : vector<16xi1>, vector<16xi32>
      %select_n3A_816 = arith.select %gt3A_805, %select_n3A_713, %select_n3A_815 : vector<16xi1>, vector<16xi32>
      %add3A_817 = arith.constant 16 : i32
      %add3A_818 = vector.broadcast %add3A_817 : i32 to vector<16xi32>
      %add3A_819 = arith.addi %add3A_718, %add3A_818 : vector<16xi32>
      scf.yield %max3A_736, %max3A_738, %max3A_739, %select_n3A_740, %select_n3A_742, %select_n3A_744, %max3A_760, %max3A_762, %max3A_763, %select_n3A_764, %select_n3A_766, %select_n3A_768, %max3A_784, %max3A_786, %max3A_787, %select_n3A_788, %select_n3A_790, %select_n3A_792, %max3A_808, %max3A_810, %max3A_811, %select_n3A_812, %select_n3A_814, %select_n3A_816, %add3A_819 : vector<16xf32>, vector<16xf32>, vector<16xf32>, vector<16xi32>, vector<16xi32>, vector<16xi32>, vector<16xf32>, vector<16xf32>, vector<16xf32>, vector<16xi32>, vector<16xi32>, vector<16xi32>, vector<16xf32>, vector<16xf32>, vector<16xf32>, vector<16xi32>, vector<16xi32>, vector<16xi32>, vector<16xf32>, vector<16xf32>, vector<16xf32>, vector<16xi32>, vector<16xi32>, vector<16xi32>, vector<16xi32>
    }
    %scan3A_12 = arith.constant 128 : i32
    %gt3A = arith.cmpf ogt, %scan3A_11#6, %scan3A_11#0 : vector<16xf32>
    %gt3A_13 = arith.cmpf ogt, %scan3A_11#6, %scan3A_11#1 : vector<16xf32>
    %gt3A_14 = arith.cmpf ogt, %scan3A_11#6, %scan3A_11#2 : vector<16xf32>
    %min3A = arith.minimumf %scan3A_11#0, %scan3A_11#6 : vector<16xf32>
    %max3A = arith.maximumf %scan3A_11#0, %scan3A_11#6 : vector<16xf32>
    %min3A_15 = arith.minimumf %scan3A_11#1, %min3A : vector<16xf32>
    %max3A_16 = arith.maximumf %scan3A_11#1, %min3A : vector<16xf32>
    %max3A_17 = arith.maximumf %scan3A_11#2, %min3A_15 : vector<16xf32>
    %select_n3A = arith.select %gt3A, %scan3A_11#9, %scan3A_11#3 : vector<16xi1>, vector<16xi32>
    %select_n3A_18 = arith.select %gt3A_13, %scan3A_11#9, %scan3A_11#4 : vector<16xi1>, vector<16xi32>
    %select_n3A_19 = arith.select %gt3A, %scan3A_11#3, %select_n3A_18 : vector<16xi1>, vector<16xi32>
    %select_n3A_20 = arith.select %gt3A_14, %scan3A_11#9, %scan3A_11#5 : vector<16xi1>, vector<16xi32>
    %select_n3A_21 = arith.select %gt3A_13, %scan3A_11#4, %select_n3A_20 : vector<16xi1>, vector<16xi32>
    %gt3A_22 = arith.cmpf ogt, %scan3A_11#7, %max3A : vector<16xf32>
    %gt3A_23 = arith.cmpf ogt, %scan3A_11#7, %max3A_16 : vector<16xf32>
    %gt3A_24 = arith.cmpf ogt, %scan3A_11#7, %max3A_17 : vector<16xf32>
    %min3A_25 = arith.minimumf %max3A, %scan3A_11#7 : vector<16xf32>
    %max3A_26 = arith.maximumf %max3A, %scan3A_11#7 : vector<16xf32>
    %min3A_27 = arith.minimumf %max3A_16, %min3A_25 : vector<16xf32>
    %max3A_28 = arith.maximumf %max3A_16, %min3A_25 : vector<16xf32>
    %max3A_29 = arith.maximumf %max3A_17, %min3A_27 : vector<16xf32>
    %select_n3A_30 = arith.select %gt3A_22, %scan3A_11#10, %select_n3A : vector<16xi1>, vector<16xi32>
    %select_n3A_31 = arith.select %gt3A_23, %scan3A_11#10, %select_n3A_19 : vector<16xi1>, vector<16xi32>
    %select_n3A_32 = arith.select %gt3A_22, %select_n3A, %select_n3A_31 : vector<16xi1>, vector<16xi32>
    %select_n3A_33 = arith.select %gt3A_24, %scan3A_11#10, %select_n3A_21 : vector<16xi1>, vector<16xi32>
    %select_n3A_34 = arith.select %gt3A_23, %select_n3A_19, %select_n3A_33 : vector<16xi1>, vector<16xi32>
    %gt3A_35 = arith.cmpf ogt, %scan3A_11#8, %max3A_26 : vector<16xf32>
    %gt3A_36 = arith.cmpf ogt, %scan3A_11#8, %max3A_28 : vector<16xf32>
    %gt3A_37 = arith.cmpf ogt, %scan3A_11#8, %max3A_29 : vector<16xf32>
    %min3A_38 = arith.minimumf %max3A_26, %scan3A_11#8 : vector<16xf32>
    %max3A_39 = arith.maximumf %max3A_26, %scan3A_11#8 : vector<16xf32>
    %min3A_40 = arith.minimumf %max3A_28, %min3A_38 : vector<16xf32>
    %max3A_41 = arith.maximumf %max3A_28, %min3A_38 : vector<16xf32>
    %max3A_42 = arith.maximumf %max3A_29, %min3A_40 : vector<16xf32>
    %select_n3A_43 = arith.select %gt3A_35, %scan3A_11#11, %select_n3A_30 : vector<16xi1>, vector<16xi32>
    %select_n3A_44 = arith.select %gt3A_36, %scan3A_11#11, %select_n3A_32 : vector<16xi1>, vector<16xi32>
    %select_n3A_45 = arith.select %gt3A_35, %select_n3A_30, %select_n3A_44 : vector<16xi1>, vector<16xi32>
    %select_n3A_46 = arith.select %gt3A_37, %scan3A_11#11, %select_n3A_34 : vector<16xi1>, vector<16xi32>
    %select_n3A_47 = arith.select %gt3A_36, %select_n3A_32, %select_n3A_46 : vector<16xi1>, vector<16xi32>
    %gt3A_48 = arith.cmpf ogt, %scan3A_11#12, %max3A_39 : vector<16xf32>
    %gt3A_49 = arith.cmpf ogt, %scan3A_11#12, %max3A_41 : vector<16xf32>
    %gt3A_50 = arith.cmpf ogt, %scan3A_11#12, %max3A_42 : vector<16xf32>
    %min3A_51 = arith.minimumf %max3A_39, %scan3A_11#12 : vector<16xf32>
    %max3A_52 = arith.maximumf %max3A_39, %scan3A_11#12 : vector<16xf32>
    %min3A_53 = arith.minimumf %max3A_41, %min3A_51 : vector<16xf32>
    %max3A_54 = arith.maximumf %max3A_41, %min3A_51 : vector<16xf32>
    %max3A_55 = arith.maximumf %max3A_42, %min3A_53 : vector<16xf32>
    %select_n3A_56 = arith.select %gt3A_48, %scan3A_11#15, %select_n3A_43 : vector<16xi1>, vector<16xi32>
    %select_n3A_57 = arith.select %gt3A_49, %scan3A_11#15, %select_n3A_45 : vector<16xi1>, vector<16xi32>
    %select_n3A_58 = arith.select %gt3A_48, %select_n3A_43, %select_n3A_57 : vector<16xi1>, vector<16xi32>
    %select_n3A_59 = arith.select %gt3A_50, %scan3A_11#15, %select_n3A_47 : vector<16xi1>, vector<16xi32>
    %select_n3A_60 = arith.select %gt3A_49, %select_n3A_45, %select_n3A_59 : vector<16xi1>, vector<16xi32>
    %gt3A_61 = arith.cmpf ogt, %scan3A_11#13, %max3A_52 : vector<16xf32>
    %gt3A_62 = arith.cmpf ogt, %scan3A_11#13, %max3A_54 : vector<16xf32>
    %gt3A_63 = arith.cmpf ogt, %scan3A_11#13, %max3A_55 : vector<16xf32>
    %min3A_64 = arith.minimumf %max3A_52, %scan3A_11#13 : vector<16xf32>
    %max3A_65 = arith.maximumf %max3A_52, %scan3A_11#13 : vector<16xf32>
    %min3A_66 = arith.minimumf %max3A_54, %min3A_64 : vector<16xf32>
    %max3A_67 = arith.maximumf %max3A_54, %min3A_64 : vector<16xf32>
    %max3A_68 = arith.maximumf %max3A_55, %min3A_66 : vector<16xf32>
    %select_n3A_69 = arith.select %gt3A_61, %scan3A_11#16, %select_n3A_56 : vector<16xi1>, vector<16xi32>
    %select_n3A_70 = arith.select %gt3A_62, %scan3A_11#16, %select_n3A_58 : vector<16xi1>, vector<16xi32>
    %select_n3A_71 = arith.select %gt3A_61, %select_n3A_56, %select_n3A_70 : vector<16xi1>, vector<16xi32>
    %select_n3A_72 = arith.select %gt3A_63, %scan3A_11#16, %select_n3A_60 : vector<16xi1>, vector<16xi32>
    %select_n3A_73 = arith.select %gt3A_62, %select_n3A_58, %select_n3A_72 : vector<16xi1>, vector<16xi32>
    %gt3A_74 = arith.cmpf ogt, %scan3A_11#14, %max3A_65 : vector<16xf32>
    %gt3A_75 = arith.cmpf ogt, %scan3A_11#14, %max3A_67 : vector<16xf32>
    %gt3A_76 = arith.cmpf ogt, %scan3A_11#14, %max3A_68 : vector<16xf32>
    %min3A_77 = arith.minimumf %max3A_65, %scan3A_11#14 : vector<16xf32>
    %max3A_78 = arith.maximumf %max3A_65, %scan3A_11#14 : vector<16xf32>
    %min3A_79 = arith.minimumf %max3A_67, %min3A_77 : vector<16xf32>
    %max3A_80 = arith.maximumf %max3A_67, %min3A_77 : vector<16xf32>
    %max3A_81 = arith.maximumf %max3A_68, %min3A_79 : vector<16xf32>
    %select_n3A_82 = arith.select %gt3A_74, %scan3A_11#17, %select_n3A_69 : vector<16xi1>, vector<16xi32>
    %select_n3A_83 = arith.select %gt3A_75, %scan3A_11#17, %select_n3A_71 : vector<16xi1>, vector<16xi32>
    %select_n3A_84 = arith.select %gt3A_74, %select_n3A_69, %select_n3A_83 : vector<16xi1>, vector<16xi32>
    %select_n3A_85 = arith.select %gt3A_76, %scan3A_11#17, %select_n3A_73 : vector<16xi1>, vector<16xi32>
    %select_n3A_86 = arith.select %gt3A_75, %select_n3A_71, %select_n3A_85 : vector<16xi1>, vector<16xi32>
    %gt3A_87 = arith.cmpf ogt, %scan3A_11#18, %max3A_78 : vector<16xf32>
    %gt3A_88 = arith.cmpf ogt, %scan3A_11#18, %max3A_80 : vector<16xf32>
    %gt3A_89 = arith.cmpf ogt, %scan3A_11#18, %max3A_81 : vector<16xf32>
    %min3A_90 = arith.minimumf %max3A_78, %scan3A_11#18 : vector<16xf32>
    %max3A_91 = arith.maximumf %max3A_78, %scan3A_11#18 : vector<16xf32>
    %min3A_92 = arith.minimumf %max3A_80, %min3A_90 : vector<16xf32>
    %max3A_93 = arith.maximumf %max3A_80, %min3A_90 : vector<16xf32>
    %max3A_94 = arith.maximumf %max3A_81, %min3A_92 : vector<16xf32>
    %select_n3A_95 = arith.select %gt3A_87, %scan3A_11#21, %select_n3A_82 : vector<16xi1>, vector<16xi32>
    %select_n3A_96 = arith.select %gt3A_88, %scan3A_11#21, %select_n3A_84 : vector<16xi1>, vector<16xi32>
    %select_n3A_97 = arith.select %gt3A_87, %select_n3A_82, %select_n3A_96 : vector<16xi1>, vector<16xi32>
    %select_n3A_98 = arith.select %gt3A_89, %scan3A_11#21, %select_n3A_86 : vector<16xi1>, vector<16xi32>
    %select_n3A_99 = arith.select %gt3A_88, %select_n3A_84, %select_n3A_98 : vector<16xi1>, vector<16xi32>
    %gt3A_100 = arith.cmpf ogt, %scan3A_11#19, %max3A_91 : vector<16xf32>
    %gt3A_101 = arith.cmpf ogt, %scan3A_11#19, %max3A_93 : vector<16xf32>
    %gt3A_102 = arith.cmpf ogt, %scan3A_11#19, %max3A_94 : vector<16xf32>
    %min3A_103 = arith.minimumf %max3A_91, %scan3A_11#19 : vector<16xf32>
    %max3A_104 = arith.maximumf %max3A_91, %scan3A_11#19 : vector<16xf32>
    %min3A_105 = arith.minimumf %max3A_93, %min3A_103 : vector<16xf32>
    %max3A_106 = arith.maximumf %max3A_93, %min3A_103 : vector<16xf32>
    %max3A_107 = arith.maximumf %max3A_94, %min3A_105 : vector<16xf32>
    %select_n3A_108 = arith.select %gt3A_100, %scan3A_11#22, %select_n3A_95 : vector<16xi1>, vector<16xi32>
    %select_n3A_109 = arith.select %gt3A_101, %scan3A_11#22, %select_n3A_97 : vector<16xi1>, vector<16xi32>
    %select_n3A_110 = arith.select %gt3A_100, %select_n3A_95, %select_n3A_109 : vector<16xi1>, vector<16xi32>
    %select_n3A_111 = arith.select %gt3A_102, %scan3A_11#22, %select_n3A_99 : vector<16xi1>, vector<16xi32>
    %select_n3A_112 = arith.select %gt3A_101, %select_n3A_97, %select_n3A_111 : vector<16xi1>, vector<16xi32>
    %gt3A_113 = arith.cmpf ogt, %scan3A_11#20, %max3A_104 : vector<16xf32>
    %gt3A_114 = arith.cmpf ogt, %scan3A_11#20, %max3A_106 : vector<16xf32>
    %gt3A_115 = arith.cmpf ogt, %scan3A_11#20, %max3A_107 : vector<16xf32>
    %min3A_116 = arith.minimumf %max3A_104, %scan3A_11#20 : vector<16xf32>
    %max3A_117 = arith.maximumf %max3A_104, %scan3A_11#20 : vector<16xf32>
    %min3A_118 = arith.minimumf %max3A_106, %min3A_116 : vector<16xf32>
    %max3A_119 = arith.maximumf %max3A_106, %min3A_116 : vector<16xf32>
    %max3A_120 = arith.maximumf %max3A_107, %min3A_118 : vector<16xf32>
    %select_n3A_121 = arith.select %gt3A_113, %scan3A_11#23, %select_n3A_108 : vector<16xi1>, vector<16xi32>
    %select_n3A_122 = arith.select %gt3A_114, %scan3A_11#23, %select_n3A_110 : vector<16xi1>, vector<16xi32>
    %select_n3A_123 = arith.select %gt3A_113, %select_n3A_108, %select_n3A_122 : vector<16xi1>, vector<16xi32>
    %select_n3A_124 = arith.select %gt3A_115, %scan3A_11#23, %select_n3A_112 : vector<16xi1>, vector<16xi32>
    %select_n3A_125 = arith.select %gt3A_114, %select_n3A_110, %select_n3A_124 : vector<16xi1>, vector<16xi32>
    %broadcast_in_dim3A_126 = arith.constant true
    %broadcast_in_dim3A_127 = vector.broadcast %broadcast_in_dim3A_126 : i1 to vector<16xi1>
    %masked_cummax3A = tpu.scan <max>, %max3A_117 masked %broadcast_in_dim3A_127 : vector<16xf32>, vector<16xi1> -> vector<16xf32>
    %rev3A = arith.constant 15 : i32
    %rev3A_128 = vector.broadcast %rev3A : i32 to vector<16xi32>
    %rev3A_129 = tpu.iota {dimensions = array<i32: 0>} : vector<16xi32>
    %rev3A_130 = arith.subi %rev3A_128, %rev3A_129 : vector<16xi32>
    %rev3A_131 = tpu.dynamic_gather %masked_cummax3A[%rev3A_130] in [0] : vector<16xf32>, vector<16xi32> -> vector<16xf32>
    %broadcast_in_dim3A_132 = arith.constant true
    %broadcast_in_dim3A_133 = vector.broadcast %broadcast_in_dim3A_132 : i1 to vector<16xi1>
    %masked_cummax3A_134 = tpu.scan <max>, %rev3A_131 masked %broadcast_in_dim3A_133 : vector<16xf32>, vector<16xi1> -> vector<16xf32>
    %eq3A = arith.cmpf oeq, %max3A_117, %masked_cummax3A_134 : vector<16xf32>
    %select_n3A_135 = arith.select %eq3A, %select_n3A_121, %broadcast_in_dim3A_7 : vector<16xi1>, vector<16xi32>
    %neg3A = arith.constant 0 : i32
    %neg3A_136 = vector.broadcast %neg3A : i32 to vector<16xi32>
    %neg3A_137 = arith.subi %neg3A_136, %select_n3A_135 : vector<16xi32>
    %broadcast_in_dim3A_138 = arith.constant true
    %broadcast_in_dim3A_139 = vector.broadcast %broadcast_in_dim3A_138 : i1 to vector<16xi1>
    %masked_cummax3A_140 = arith.constant -2147483648 : i32
    %masked_cummax3A_141 = vector.broadcast %masked_cummax3A_140 : i32 to vector<16xi32>
    %masked_cummax3A_142 = arith.xori %neg3A_137, %masked_cummax3A_141 : vector<16xi32>
    %masked_cummax3A_143 = tpu.scan <max>, %masked_cummax3A_142 masked %broadcast_in_dim3A_139 : vector<16xi32>, vector<16xi1> -> vector<16xi32>
    %masked_cummax3A_144 = arith.xori %masked_cummax3A_143, %masked_cummax3A_141 : vector<16xi32>
    %rev3A_145 = arith.constant 15 : i32
    %rev3A_146 = vector.broadcast %rev3A_145 : i32 to vector<16xi32>
    %rev3A_147 = tpu.iota {dimensions = array<i32: 0>} : vector<16xi32>
    %rev3A_148 = arith.subi %rev3A_146, %rev3A_147 : vector<16xi32>
    %rev3A_149 = tpu.dynamic_gather %masked_cummax3A_144[%rev3A_148] in [0] : vector<16xi32>, vector<16xi32> -> vector<16xi32>
    %broadcast_in_dim3A_150 = arith.constant true
    %broadcast_in_dim3A_151 = vector.broadcast %broadcast_in_dim3A_150 : i1 to vector<16xi1>
    %masked_cummax3A_152 = arith.constant -2147483648 : i32
    %masked_cummax3A_153 = vector.broadcast %masked_cummax3A_152 : i32 to vector<16xi32>
    %masked_cummax3A_154 = arith.xori %rev3A_149, %masked_cummax3A_153 : vector<16xi32>
    %masked_cummax3A_155 = tpu.scan <max>, %masked_cummax3A_154 masked %broadcast_in_dim3A_151 : vector<16xi32>, vector<16xi1> -> vector<16xi32>
    %masked_cummax3A_156 = arith.xori %masked_cummax3A_155, %masked_cummax3A_153 : vector<16xi32>
    %neg3A_157 = arith.constant 0 : i32
    %neg3A_158 = vector.broadcast %neg3A_157 : i32 to vector<16xi32>
    %neg3A_159 = arith.subi %neg3A_158, %masked_cummax3A_156 : vector<16xi32>
    %eq3A_160 = arith.constant 0 : i32
    %eq3A_161 = vector.broadcast %eq3A_160 : i32 to vector<16xi32>
    %eq3A_162 = arith.cmpi eq, %iota3A, %eq3A_161 : vector<16xi32>
    %select_n3A_163 = arith.select %eq3A_162, %masked_cummax3A_134, %broadcast_in_dim3A_3 : vector<16xi1>, vector<16xf32>
    %eq3A_164 = arith.constant 0 : i32
    %eq3A_165 = vector.broadcast %eq3A_164 : i32 to vector<16xi32>
    %eq3A_166 = arith.cmpi eq, %iota3A, %eq3A_165 : vector<16xi32>
    %select_n3A_167 = arith.select %eq3A_166, %neg3A_159, %broadcast_in_dim3A_5 : vector<16xi1>, vector<16xi32>
    %eq3A_168 = arith.cmpf oeq, %max3A_117, %masked_cummax3A_134 : vector<16xf32>
    %eq3A_169 = arith.cmpi eq, %select_n3A_121, %neg3A_159 : vector<16xi32>
    %and3A = arith.andi %eq3A_168, %eq3A_169 : vector<16xi1>
    %select_n3A_170 = arith.select %and3A, %max3A_119, %max3A_117 : vector<16xi1>, vector<16xf32>
    %select_n3A_171 = arith.select %and3A, %select_n3A_123, %select_n3A_121 : vector<16xi1>, vector<16xi32>
    %select_n3A_172 = arith.select %and3A, %max3A_120, %max3A_119 : vector<16xi1>, vector<16xf32>
    %select_n3A_173 = arith.select %and3A, %select_n3A_125, %select_n3A_123 : vector<16xi1>, vector<16xi32>
    %select_n3A_174 = arith.select %and3A, %broadcast_in_dim3A_3, %max3A_120 : vector<16xi1>, vector<16xf32>
    %broadcast_in_dim3A_175 = arith.constant true
    %broadcast_in_dim3A_176 = vector.broadcast %broadcast_in_dim3A_175 : i1 to vector<16xi1>
    %masked_cummax3A_177 = tpu.scan <max>, %select_n3A_170 masked %broadcast_in_dim3A_176 : vector<16xf32>, vector<16xi1> -> vector<16xf32>
    %rev3A_178 = arith.constant 15 : i32
    %rev3A_179 = vector.broadcast %rev3A_178 : i32 to vector<16xi32>
    %rev3A_180 = tpu.iota {dimensions = array<i32: 0>} : vector<16xi32>
    %rev3A_181 = arith.subi %rev3A_179, %rev3A_180 : vector<16xi32>
    %rev3A_182 = tpu.dynamic_gather %masked_cummax3A_177[%rev3A_181] in [0] : vector<16xf32>, vector<16xi32> -> vector<16xf32>
    %broadcast_in_dim3A_183 = arith.constant true
    %broadcast_in_dim3A_184 = vector.broadcast %broadcast_in_dim3A_183 : i1 to vector<16xi1>
    %masked_cummax3A_185 = tpu.scan <max>, %rev3A_182 masked %broadcast_in_dim3A_184 : vector<16xf32>, vector<16xi1> -> vector<16xf32>
    %eq3A_186 = arith.cmpf oeq, %select_n3A_170, %masked_cummax3A_185 : vector<16xf32>
    %select_n3A_187 = arith.select %eq3A_186, %select_n3A_171, %broadcast_in_dim3A_7 : vector<16xi1>, vector<16xi32>
    %neg3A_188 = arith.constant 0 : i32
    %neg3A_189 = vector.broadcast %neg3A_188 : i32 to vector<16xi32>
    %neg3A_190 = arith.subi %neg3A_189, %select_n3A_187 : vector<16xi32>
    %broadcast_in_dim3A_191 = arith.constant true
    %broadcast_in_dim3A_192 = vector.broadcast %broadcast_in_dim3A_191 : i1 to vector<16xi1>
    %masked_cummax3A_193 = arith.constant -2147483648 : i32
    %masked_cummax3A_194 = vector.broadcast %masked_cummax3A_193 : i32 to vector<16xi32>
    %masked_cummax3A_195 = arith.xori %neg3A_190, %masked_cummax3A_194 : vector<16xi32>
    %masked_cummax3A_196 = tpu.scan <max>, %masked_cummax3A_195 masked %broadcast_in_dim3A_192 : vector<16xi32>, vector<16xi1> -> vector<16xi32>
    %masked_cummax3A_197 = arith.xori %masked_cummax3A_196, %masked_cummax3A_194 : vector<16xi32>
    %rev3A_198 = arith.constant 15 : i32
    %rev3A_199 = vector.broadcast %rev3A_198 : i32 to vector<16xi32>
    %rev3A_200 = tpu.iota {dimensions = array<i32: 0>} : vector<16xi32>
    %rev3A_201 = arith.subi %rev3A_199, %rev3A_200 : vector<16xi32>
    %rev3A_202 = tpu.dynamic_gather %masked_cummax3A_197[%rev3A_201] in [0] : vector<16xi32>, vector<16xi32> -> vector<16xi32>
    %broadcast_in_dim3A_203 = arith.constant true
    %broadcast_in_dim3A_204 = vector.broadcast %broadcast_in_dim3A_203 : i1 to vector<16xi1>
    %masked_cummax3A_205 = arith.constant -2147483648 : i32
    %masked_cummax3A_206 = vector.broadcast %masked_cummax3A_205 : i32 to vector<16xi32>
    %masked_cummax3A_207 = arith.xori %rev3A_202, %masked_cummax3A_206 : vector<16xi32>
    %masked_cummax3A_208 = tpu.scan <max>, %masked_cummax3A_207 masked %broadcast_in_dim3A_204 : vector<16xi32>, vector<16xi1> -> vector<16xi32>
    %masked_cummax3A_209 = arith.xori %masked_cummax3A_208, %masked_cummax3A_206 : vector<16xi32>
    %neg3A_210 = arith.constant 0 : i32
    %neg3A_211 = vector.broadcast %neg3A_210 : i32 to vector<16xi32>
    %neg3A_212 = arith.subi %neg3A_211, %masked_cummax3A_209 : vector<16xi32>
    %eq3A_213 = arith.constant 1 : i32
    %eq3A_214 = vector.broadcast %eq3A_213 : i32 to vector<16xi32>
    %eq3A_215 = arith.cmpi eq, %iota3A, %eq3A_214 : vector<16xi32>
    %select_n3A_216 = arith.select %eq3A_215, %masked_cummax3A_185, %select_n3A_163 : vector<16xi1>, vector<16xf32>
    %eq3A_217 = arith.constant 1 : i32
    %eq3A_218 = vector.broadcast %eq3A_217 : i32 to vector<16xi32>
    %eq3A_219 = arith.cmpi eq, %iota3A, %eq3A_218 : vector<16xi32>
    %select_n3A_220 = arith.select %eq3A_219, %neg3A_212, %select_n3A_167 : vector<16xi1>, vector<16xi32>
    %eq3A_221 = arith.cmpf oeq, %select_n3A_170, %masked_cummax3A_185 : vector<16xf32>
    %eq3A_222 = arith.cmpi eq, %select_n3A_171, %neg3A_212 : vector<16xi32>
    %and3A_223 = arith.andi %eq3A_221, %eq3A_222 : vector<16xi1>
    %select_n3A_224 = arith.select %and3A_223, %select_n3A_172, %select_n3A_170 : vector<16xi1>, vector<16xf32>
    %select_n3A_225 = arith.select %and3A_223, %select_n3A_173, %select_n3A_171 : vector<16xi1>, vector<16xi32>
    %select_n3A_226 = arith.select %and3A_223, %select_n3A_174, %select_n3A_172 : vector<16xi1>, vector<16xf32>
    %select_n3A_227 = arith.select %and3A_223, %select_n3A_125, %select_n3A_173 : vector<16xi1>, vector<16xi32>
    %select_n3A_228 = arith.select %and3A_223, %broadcast_in_dim3A_3, %select_n3A_174 : vector<16xi1>, vector<16xf32>
    %broadcast_in_dim3A_229 = arith.constant true
    %broadcast_in_dim3A_230 = vector.broadcast %broadcast_in_dim3A_229 : i1 to vector<16xi1>
    %masked_cummax3A_231 = tpu.scan <max>, %select_n3A_224 masked %broadcast_in_dim3A_230 : vector<16xf32>, vector<16xi1> -> vector<16xf32>
    %rev3A_232 = arith.constant 15 : i32
    %rev3A_233 = vector.broadcast %rev3A_232 : i32 to vector<16xi32>
    %rev3A_234 = tpu.iota {dimensions = array<i32: 0>} : vector<16xi32>
    %rev3A_235 = arith.subi %rev3A_233, %rev3A_234 : vector<16xi32>
    %rev3A_236 = tpu.dynamic_gather %masked_cummax3A_231[%rev3A_235] in [0] : vector<16xf32>, vector<16xi32> -> vector<16xf32>
    %broadcast_in_dim3A_237 = arith.constant true
    %broadcast_in_dim3A_238 = vector.broadcast %broadcast_in_dim3A_237 : i1 to vector<16xi1>
    %masked_cummax3A_239 = tpu.scan <max>, %rev3A_236 masked %broadcast_in_dim3A_238 : vector<16xf32>, vector<16xi1> -> vector<16xf32>
    %eq3A_240 = arith.cmpf oeq, %select_n3A_224, %masked_cummax3A_239 : vector<16xf32>
    %select_n3A_241 = arith.select %eq3A_240, %select_n3A_225, %broadcast_in_dim3A_7 : vector<16xi1>, vector<16xi32>
    %neg3A_242 = arith.constant 0 : i32
    %neg3A_243 = vector.broadcast %neg3A_242 : i32 to vector<16xi32>
    %neg3A_244 = arith.subi %neg3A_243, %select_n3A_241 : vector<16xi32>
    %broadcast_in_dim3A_245 = arith.constant true
    %broadcast_in_dim3A_246 = vector.broadcast %broadcast_in_dim3A_245 : i1 to vector<16xi1>
    %masked_cummax3A_247 = arith.constant -2147483648 : i32
    %masked_cummax3A_248 = vector.broadcast %masked_cummax3A_247 : i32 to vector<16xi32>
    %masked_cummax3A_249 = arith.xori %neg3A_244, %masked_cummax3A_248 : vector<16xi32>
    %masked_cummax3A_250 = tpu.scan <max>, %masked_cummax3A_249 masked %broadcast_in_dim3A_246 : vector<16xi32>, vector<16xi1> -> vector<16xi32>
    %masked_cummax3A_251 = arith.xori %masked_cummax3A_250, %masked_cummax3A_248 : vector<16xi32>
    %rev3A_252 = arith.constant 15 : i32
    %rev3A_253 = vector.broadcast %rev3A_252 : i32 to vector<16xi32>
    %rev3A_254 = tpu.iota {dimensions = array<i32: 0>} : vector<16xi32>
    %rev3A_255 = arith.subi %rev3A_253, %rev3A_254 : vector<16xi32>
    %rev3A_256 = tpu.dynamic_gather %masked_cummax3A_251[%rev3A_255] in [0] : vector<16xi32>, vector<16xi32> -> vector<16xi32>
    %broadcast_in_dim3A_257 = arith.constant true
    %broadcast_in_dim3A_258 = vector.broadcast %broadcast_in_dim3A_257 : i1 to vector<16xi1>
    %masked_cummax3A_259 = arith.constant -2147483648 : i32
    %masked_cummax3A_260 = vector.broadcast %masked_cummax3A_259 : i32 to vector<16xi32>
    %masked_cummax3A_261 = arith.xori %rev3A_256, %masked_cummax3A_260 : vector<16xi32>
    %masked_cummax3A_262 = tpu.scan <max>, %masked_cummax3A_261 masked %broadcast_in_dim3A_258 : vector<16xi32>, vector<16xi1> -> vector<16xi32>
    %masked_cummax3A_263 = arith.xori %masked_cummax3A_262, %masked_cummax3A_260 : vector<16xi32>
    %neg3A_264 = arith.constant 0 : i32
    %neg3A_265 = vector.broadcast %neg3A_264 : i32 to vector<16xi32>
    %neg3A_266 = arith.subi %neg3A_265, %masked_cummax3A_263 : vector<16xi32>
    %eq3A_267 = arith.constant 2 : i32
    %eq3A_268 = vector.broadcast %eq3A_267 : i32 to vector<16xi32>
    %eq3A_269 = arith.cmpi eq, %iota3A, %eq3A_268 : vector<16xi32>
    %select_n3A_270 = arith.select %eq3A_269, %masked_cummax3A_239, %select_n3A_216 : vector<16xi1>, vector<16xf32>
    %eq3A_271 = arith.constant 2 : i32
    %eq3A_272 = vector.broadcast %eq3A_271 : i32 to vector<16xi32>
    %eq3A_273 = arith.cmpi eq, %iota3A, %eq3A_272 : vector<16xi32>
    %select_n3A_274 = arith.select %eq3A_273, %neg3A_266, %select_n3A_220 : vector<16xi1>, vector<16xi32>
    %eq3A_275 = arith.cmpf oeq, %select_n3A_224, %masked_cummax3A_239 : vector<16xf32>
    %eq3A_276 = arith.cmpi eq, %select_n3A_225, %neg3A_266 : vector<16xi32>
    %and3A_277 = arith.andi %eq3A_275, %eq3A_276 : vector<16xi1>
    %select_n3A_278 = arith.select %and3A_277, %select_n3A_226, %select_n3A_224 : vector<16xi1>, vector<16xf32>
    %select_n3A_279 = arith.select %and3A_277, %select_n3A_227, %select_n3A_225 : vector<16xi1>, vector<16xi32>
    %select_n3A_280 = arith.select %and3A_277, %select_n3A_228, %select_n3A_226 : vector<16xi1>, vector<16xf32>
    %select_n3A_281 = arith.select %and3A_277, %select_n3A_125, %select_n3A_227 : vector<16xi1>, vector<16xi32>
    %select_n3A_282 = arith.select %and3A_277, %broadcast_in_dim3A_3, %select_n3A_228 : vector<16xi1>, vector<16xf32>
    %swap3A = arith.constant 0 : i32
    %swap3A_283 = arith.constant 0 : i32
    %swap3A_284 = arith.index_cast %swap3A : i32 to index
    %swap3A_285 = arith.index_cast %swap3A_283 : i32 to index
    %swap3A_286 = arith.constant 0 : index
    %swap3A_287 = tpu.vector_load %arg5[%swap3A_284, %swap3A_285, %swap3A_286] {strides = array<i32>} : memref<2x2x16xf32, #tpu.memory_space<vmem>>, vector<16xf32>,
    tpu.vector_store %arg5[%swap3A_284, %swap3A_285, %swap3A_286], %select_n3A_270 {strides = array<i32>} : memref<2x2x16xf32, #tpu.memory_space<vmem>>, vector<16xf32>,
    %bitcast3A = vector.bitcast %select_n3A_274 : vector<16xi32> to vector<16xf32>
    %swap3A_288 = arith.constant 1 : i32
    %swap3A_289 = arith.constant 0 : i32
    %swap3A_290 = arith.index_cast %swap3A_288 : i32 to index
    %swap3A_291 = arith.index_cast %swap3A_289 : i32 to index
    %swap3A_292 = arith.constant 0 : index
    %swap3A_293 = tpu.vector_load %arg5[%swap3A_290, %swap3A_291, %swap3A_292] {strides = array<i32>} : memref<2x2x16xf32, #tpu.memory_space<vmem>>, vector<16xf32>,
    tpu.vector_store %arg5[%swap3A_290, %swap3A_291, %swap3A_292], %bitcast3A {strides = array<i32>} : memref<2x2x16xf32, #tpu.memory_space<vmem>>, vector<16xf32>,
    %scan3A_294 = arith.constant 0 : i32
    %scan3A_295 = arith.constant 128 : i32
    %scan3A_296 = arith.addi %scan3A_294, %scan3A_295 : i32
    %scan3A_297 = arith.constant 2 : i32
    %scan3A_298:25 = scf.for %scan3A_595 = %scan3A_294 to %scan3A_296 step %scan3A_297 iter_args(%scan3A_596 = %broadcast_in_dim3A_3, %scan3A_597 = %broadcast_in_dim3A_3, %scan3A_598 = %broadcast_in_dim3A_3, %scan3A_599 = %broadcast_in_dim3A_5, %scan3A_600 = %broadcast_in_dim3A_5, %scan3A_601 = %broadcast_in_dim3A_5, %scan3A_602 = %broadcast_in_dim3A_3, %scan3A_603 = %broadcast_in_dim3A_3, %scan3A_604 = %broadcast_in_dim3A_3, %scan3A_605 = %broadcast_in_dim3A_5, %scan3A_606 = %broadcast_in_dim3A_5, %scan3A_607 = %broadcast_in_dim3A_5, %scan3A_608 = %broadcast_in_dim3A_3, %scan3A_609 = %broadcast_in_dim3A_3, %scan3A_610 = %broadcast_in_dim3A_3, %scan3A_611 = %broadcast_in_dim3A_5, %scan3A_612 = %broadcast_in_dim3A_5, %scan3A_613 = %broadcast_in_dim3A_5, %scan3A_614 = %broadcast_in_dim3A_3, %scan3A_615 = %broadcast_in_dim3A_3, %scan3A_616 = %broadcast_in_dim3A_3, %scan3A_617 = %broadcast_in_dim3A_5, %scan3A_618 = %broadcast_in_dim3A_5, %scan3A_619 = %broadcast_in_dim3A_5, %scan3A_620 = %iota3A) -> (vector<16xf32>, vector<16xf32>, vector<16xf32>, vector<16xi32>, vector<16xi32>, vector<16xi32>, vector<16xf32>, vector<16xf32>, vector<16xf32>, vector<16xi32>, vector<16xi32>, vector<16xi32>, vector<16xf32>, vector<16xf32>, vector<16xf32>, vector<16xi32>, vector<16xi32>, vector<16xi32>, vector<16xf32>, vector<16xf32>, vector<16xf32>, vector<16xi32>, vector<16xi32>, vector<16xi32>, vector<16xi32>)  : i32 {
      %mul3A_621 = arith.constant 16 : i32
      %mul3A_622 = arith.muli %scan3A_595, %mul3A_621 : i32
      %add3A_623 = arith.constant 0 : i32
      %add3A_624 = arith.addi %add3A_623, %mul3A_622 : i32
      %get3A = arith.constant 1 : i32
      %get3A_625 = arith.index_cast %get3A : i32 to index
      %get3A_626 = arith.index_cast %add3A_624 : i32 to index
      %get3A_627 = tpu.vector_load %arg4[%get3A_625, %get3A_626] {strides = array<i32>} : memref<2x8192xf32, #tpu.memory_space<vmem>>, vector<16xf32>,
      %add3A_628 = arith.constant 0 : i32
      %add3A_629 = vector.broadcast %add3A_628 : i32 to vector<16xi32>
      %add3A_630 = arith.addi %scan3A_620, %add3A_629 : vector<16xi32>
      %gt3A_631 = arith.cmpf ogt, %get3A_627, %scan3A_596 : vector<16xf32>
      %gt3A_632 = arith.cmpf ogt, %get3A_627, %scan3A_597 : vector<16xf32>
      %gt3A_633 = arith.cmpf ogt, %get3A_627, %scan3A_598 : vector<16xf32>
      %min3A_634 = arith.minimumf %scan3A_596, %get3A_627 : vector<16xf32>
      %max3A_635 = arith.maximumf %scan3A_596, %get3A_627 : vector<16xf32>
      %min3A_636 = arith.minimumf %scan3A_597, %min3A_634 : vector<16xf32>
      %max3A_637 = arith.maximumf %scan3A_597, %min3A_634 : vector<16xf32>
      %max3A_638 = arith.maximumf %scan3A_598, %min3A_636 : vector<16xf32>
      %select_n3A_639 = arith.select %gt3A_631, %add3A_630, %scan3A_599 : vector<16xi1>, vector<16xi32>
      %select_n3A_640 = arith.select %gt3A_632, %add3A_630, %scan3A_600 : vector<16xi1>, vector<16xi32>
      %select_n3A_641 = arith.select %gt3A_631, %scan3A_599, %select_n3A_640 : vector<16xi1>, vector<16xi32>
      %select_n3A_642 = arith.select %gt3A_633, %add3A_630, %scan3A_601 : vector<16xi1>, vector<16xi32>
      %select_n3A_643 = arith.select %gt3A_632, %scan3A_600, %select_n3A_642 : vector<16xi1>, vector<16xi32>
      %mul3A_644 = arith.constant 16 : i32
      %mul3A_645 = arith.muli %scan3A_595, %mul3A_644 : i32
      %add3A_646 = arith.constant 2048 : i32
      %add3A_647 = arith.addi %add3A_646, %mul3A_645 : i32
      %get3A_648 = arith.constant 1 : i32
      %get3A_649 = arith.index_cast %get3A_648 : i32 to index
      %get3A_650 = arith.index_cast %add3A_647 : i32 to index
      %get3A_651 = tpu.vector_load %arg4[%get3A_649, %get3A_650] {strides = array<i32>} : memref<2x8192xf32, #tpu.memory_space<vmem>>, vector<16xf32>,
      %add3A_652 = arith.constant 2048 : i32
      %add3A_653 = vector.broadcast %add3A_652 : i32 to vector<16xi32>
      %add3A_654 = arith.addi %scan3A_620, %add3A_653 : vector<16xi32>
      %gt3A_655 = arith.cmpf ogt, %get3A_651, %scan3A_602 : vector<16xf32>
      %gt3A_656 = arith.cmpf ogt, %get3A_651, %scan3A_603 : vector<16xf32>
      %gt3A_657 = arith.cmpf ogt, %get3A_651, %scan3A_604 : vector<16xf32>
      %min3A_658 = arith.minimumf %scan3A_602, %get3A_651 : vector<16xf32>
      %max3A_659 = arith.maximumf %scan3A_602, %get3A_651 : vector<16xf32>
      %min3A_660 = arith.minimumf %scan3A_603, %min3A_658 : vector<16xf32>
      %max3A_661 = arith.maximumf %scan3A_603, %min3A_658 : vector<16xf32>
      %max3A_662 = arith.maximumf %scan3A_604, %min3A_660 : vector<16xf32>
      %select_n3A_663 = arith.select %gt3A_655, %add3A_654, %scan3A_605 : vector<16xi1>, vector<16xi32>
      %select_n3A_664 = arith.select %gt3A_656, %add3A_654, %scan3A_606 : vector<16xi1>, vector<16xi32>
      %select_n3A_665 = arith.select %gt3A_655, %scan3A_605, %select_n3A_664 : vector<16xi1>, vector<16xi32>
      %select_n3A_666 = arith.select %gt3A_657, %add3A_654, %scan3A_607 : vector<16xi1>, vector<16xi32>
      %select_n3A_667 = arith.select %gt3A_656, %scan3A_606, %select_n3A_666 : vector<16xi1>, vector<16xi32>
      %mul3A_668 = arith.constant 16 : i32
      %mul3A_669 = arith.muli %scan3A_595, %mul3A_668 : i32
      %add3A_670 = arith.constant 4096 : i32
      %add3A_671 = arith.addi %add3A_670, %mul3A_669 : i32
      %get3A_672 = arith.constant 1 : i32
      %get3A_673 = arith.index_cast %get3A_672 : i32 to index
      %get3A_674 = arith.index_cast %add3A_671 : i32 to index
      %get3A_675 = tpu.vector_load %arg4[%get3A_673, %get3A_674] {strides = array<i32>} : memref<2x8192xf32, #tpu.memory_space<vmem>>, vector<16xf32>,
      %add3A_676 = arith.constant 4096 : i32
      %add3A_677 = vector.broadcast %add3A_676 : i32 to vector<16xi32>
      %add3A_678 = arith.addi %scan3A_620, %add3A_677 : vector<16xi32>
      %gt3A_679 = arith.cmpf ogt, %get3A_675, %scan3A_608 : vector<16xf32>
      %gt3A_680 = arith.cmpf ogt, %get3A_675, %scan3A_609 : vector<16xf32>
      %gt3A_681 = arith.cmpf ogt, %get3A_675, %scan3A_610 : vector<16xf32>
      %min3A_682 = arith.minimumf %scan3A_608, %get3A_675 : vector<16xf32>
      %max3A_683 = arith.maximumf %scan3A_608, %get3A_675 : vector<16xf32>
      %min3A_684 = arith.minimumf %scan3A_609, %min3A_682 : vector<16xf32>
      %max3A_685 = arith.maximumf %scan3A_609, %min3A_682 : vector<16xf32>
      %max3A_686 = arith.maximumf %scan3A_610, %min3A_684 : vector<16xf32>
      %select_n3A_687 = arith.select %gt3A_679, %add3A_678, %scan3A_611 : vector<16xi1>, vector<16xi32>
      %select_n3A_688 = arith.select %gt3A_680, %add3A_678, %scan3A_612 : vector<16xi1>, vector<16xi32>
      %select_n3A_689 = arith.select %gt3A_679, %scan3A_611, %select_n3A_688 : vector<16xi1>, vector<16xi32>
      %select_n3A_690 = arith.select %gt3A_681, %add3A_678, %scan3A_613 : vector<16xi1>, vector<16xi32>
      %select_n3A_691 = arith.select %gt3A_680, %scan3A_612, %select_n3A_690 : vector<16xi1>, vector<16xi32>
      %mul3A_692 = arith.constant 16 : i32
      %mul3A_693 = arith.muli %scan3A_595, %mul3A_692 : i32
      %add3A_694 = arith.constant 6144 : i32
      %add3A_695 = arith.addi %add3A_694, %mul3A_693 : i32
      %get3A_696 = arith.constant 1 : i32
      %get3A_697 = arith.index_cast %get3A_696 : i32 to index
      %get3A_698 = arith.index_cast %add3A_695 : i32 to index
      %get3A_699 = tpu.vector_load %arg4[%get3A_697, %get3A_698] {strides = array<i32>} : memref<2x8192xf32, #tpu.memory_space<vmem>>, vector<16xf32>,
      %add3A_700 = arith.constant 6144 : i32
      %add3A_701 = vector.broadcast %add3A_700 : i32 to vector<16xi32>
      %add3A_702 = arith.addi %scan3A_620, %add3A_701 : vector<16xi32>
      %gt3A_703 = arith.cmpf ogt, %get3A_699, %scan3A_614 : vector<16xf32>
      %gt3A_704 = arith.cmpf ogt, %get3A_699, %scan3A_615 : vector<16xf32>
      %gt3A_705 = arith.cmpf ogt, %get3A_699, %scan3A_616 : vector<16xf32>
      %min3A_706 = arith.minimumf %scan3A_614, %get3A_699 : vector<16xf32>
      %max3A_707 = arith.maximumf %scan3A_614, %get3A_699 : vector<16xf32>
      %min3A_708 = arith.minimumf %scan3A_615, %min3A_706 : vector<16xf32>
      %max3A_709 = arith.maximumf %scan3A_615, %min3A_706 : vector<16xf32>
      %max3A_710 = arith.maximumf %scan3A_616, %min3A_708 : vector<16xf32>
      %select_n3A_711 = arith.select %gt3A_703, %add3A_702, %scan3A_617 : vector<16xi1>, vector<16xi32>
      %select_n3A_712 = arith.select %gt3A_704, %add3A_702, %scan3A_618 : vector<16xi1>, vector<16xi32>
      %select_n3A_713 = arith.select %gt3A_703, %scan3A_617, %select_n3A_712 : vector<16xi1>, vector<16xi32>
      %select_n3A_714 = arith.select %gt3A_705, %add3A_702, %scan3A_619 : vector<16xi1>, vector<16xi32>
      %select_n3A_715 = arith.select %gt3A_704, %scan3A_618, %select_n3A_714 : vector<16xi1>, vector<16xi32>
      %add3A_716 = arith.constant 16 : i32
      %add3A_717 = vector.broadcast %add3A_716 : i32 to vector<16xi32>
      %add3A_718 = arith.addi %scan3A_620, %add3A_717 : vector<16xi32>
      %scan3A_719 = arith.constant 1 : i32
      %scan3A_720 = arith.addi %scan3A_595, %scan3A_719 : i32
      %mul3A_721 = arith.constant 16 : i32
      %mul3A_722 = arith.muli %scan3A_720, %mul3A_721 : i32
      %add3A_723 = arith.constant 0 : i32
      %add3A_724 = arith.addi %add3A_723, %mul3A_722 : i32
      %get3A_725 = arith.constant 1 : i32
      %get3A_726 = arith.index_cast %get3A_725 : i32 to index
      %get3A_727 = arith.index_cast %add3A_724 : i32 to index
      %get3A_728 = tpu.vector_load %arg4[%get3A_726, %get3A_727] {strides = array<i32>} : memref<2x8192xf32, #tpu.memory_space<vmem>>, vector<16xf32>,
      %add3A_729 = arith.constant 0 : i32
      %add3A_730 = vector.broadcast %add3A_729 : i32 to vector<16xi32>
      %add3A_731 = arith.addi %add3A_718, %add3A_730 : vector<16xi32>
      %gt3A_732 = arith.cmpf ogt, %get3A_728, %max3A_635 : vector<16xf32>
      %gt3A_733 = arith.cmpf ogt, %get3A_728, %max3A_637 : vector<16xf32>
      %gt3A_734 = arith.cmpf ogt, %get3A_728, %max3A_638 : vector<16xf32>
      %min3A_735 = arith.minimumf %max3A_635, %get3A_728 : vector<16xf32>
      %max3A_736 = arith.maximumf %max3A_635, %get3A_728 : vector<16xf32>
      %min3A_737 = arith.minimumf %max3A_637, %min3A_735 : vector<16xf32>
      %max3A_738 = arith.maximumf %max3A_637, %min3A_735 : vector<16xf32>
      %max3A_739 = arith.maximumf %max3A_638, %min3A_737 : vector<16xf32>
      %select_n3A_740 = arith.select %gt3A_732, %add3A_731, %select_n3A_639 : vector<16xi1>, vector<16xi32>
      %select_n3A_741 = arith.select %gt3A_733, %add3A_731, %select_n3A_641 : vector<16xi1>, vector<16xi32>
      %select_n3A_742 = arith.select %gt3A_732, %select_n3A_639, %select_n3A_741 : vector<16xi1>, vector<16xi32>
      %select_n3A_743 = arith.select %gt3A_734, %add3A_731, %select_n3A_643 : vector<16xi1>, vector<16xi32>
      %select_n3A_744 = arith.select %gt3A_733, %select_n3A_641, %select_n3A_743 : vector<16xi1>, vector<16xi32>
      %mul3A_745 = arith.constant 16 : i32
      %mul3A_746 = arith.muli %scan3A_720, %mul3A_745 : i32
      %add3A_747 = arith.constant 2048 : i32
      %add3A_748 = arith.addi %add3A_747, %mul3A_746 : i32
      %get3A_749 = arith.constant 1 : i32
      %get3A_750 = arith.index_cast %get3A_749 : i32 to index
      %get3A_751 = arith.index_cast %add3A_748 : i32 to index
      %get3A_752 = tpu.vector_load %arg4[%get3A_750, %get3A_751] {strides = array<i32>} : memref<2x8192xf32, #tpu.memory_space<vmem>>, vector<16xf32>,
      %add3A_753 = arith.constant 2048 : i32
      %add3A_754 = vector.broadcast %add3A_753 : i32 to vector<16xi32>
      %add3A_755 = arith.addi %add3A_718, %add3A_754 : vector<16xi32>
      %gt3A_756 = arith.cmpf ogt, %get3A_752, %max3A_659 : vector<16xf32>
      %gt3A_757 = arith.cmpf ogt, %get3A_752, %max3A_661 : vector<16xf32>
      %gt3A_758 = arith.cmpf ogt, %get3A_752, %max3A_662 : vector<16xf32>
      %min3A_759 = arith.minimumf %max3A_659, %get3A_752 : vector<16xf32>
      %max3A_760 = arith.maximumf %max3A_659, %get3A_752 : vector<16xf32>
      %min3A_761 = arith.minimumf %max3A_661, %min3A_759 : vector<16xf32>
      %max3A_762 = arith.maximumf %max3A_661, %min3A_759 : vector<16xf32>
      %max3A_763 = arith.maximumf %max3A_662, %min3A_761 : vector<16xf32>
      %select_n3A_764 = arith.select %gt3A_756, %add3A_755, %select_n3A_663 : vector<16xi1>, vector<16xi32>
      %select_n3A_765 = arith.select %gt3A_757, %add3A_755, %select_n3A_665 : vector<16xi1>, vector<16xi32>
      %select_n3A_766 = arith.select %gt3A_756, %select_n3A_663, %select_n3A_765 : vector<16xi1>, vector<16xi32>
      %select_n3A_767 = arith.select %gt3A_758, %add3A_755, %select_n3A_667 : vector<16xi1>, vector<16xi32>
      %select_n3A_768 = arith.select %gt3A_757, %select_n3A_665, %select_n3A_767 : vector<16xi1>, vector<16xi32>
      %mul3A_769 = arith.constant 16 : i32
      %mul3A_770 = arith.muli %scan3A_720, %mul3A_769 : i32
      %add3A_771 = arith.constant 4096 : i32
      %add3A_772 = arith.addi %add3A_771, %mul3A_770 : i32
      %get3A_773 = arith.constant 1 : i32
      %get3A_774 = arith.index_cast %get3A_773 : i32 to index
      %get3A_775 = arith.index_cast %add3A_772 : i32 to index
      %get3A_776 = tpu.vector_load %arg4[%get3A_774, %get3A_775] {strides = array<i32>} : memref<2x8192xf32, #tpu.memory_space<vmem>>, vector<16xf32>,
      %add3A_777 = arith.constant 4096 : i32
      %add3A_778 = vector.broadcast %add3A_777 : i32 to vector<16xi32>
      %add3A_779 = arith.addi %add3A_718, %add3A_778 : vector<16xi32>
      %gt3A_780 = arith.cmpf ogt, %get3A_776, %max3A_683 : vector<16xf32>
      %gt3A_781 = arith.cmpf ogt, %get3A_776, %max3A_685 : vector<16xf32>
      %gt3A_782 = arith.cmpf ogt, %get3A_776, %max3A_686 : vector<16xf32>
      %min3A_783 = arith.minimumf %max3A_683, %get3A_776 : vector<16xf32>
      %max3A_784 = arith.maximumf %max3A_683, %get3A_776 : vector<16xf32>
      %min3A_785 = arith.minimumf %max3A_685, %min3A_783 : vector<16xf32>
      %max3A_786 = arith.maximumf %max3A_685, %min3A_783 : vector<16xf32>
      %max3A_787 = arith.maximumf %max3A_686, %min3A_785 : vector<16xf32>
      %select_n3A_788 = arith.select %gt3A_780, %add3A_779, %select_n3A_687 : vector<16xi1>, vector<16xi32>
      %select_n3A_789 = arith.select %gt3A_781, %add3A_779, %select_n3A_689 : vector<16xi1>, vector<16xi32>
      %select_n3A_790 = arith.select %gt3A_780, %select_n3A_687, %select_n3A_789 : vector<16xi1>, vector<16xi32>
      %select_n3A_791 = arith.select %gt3A_782, %add3A_779, %select_n3A_691 : vector<16xi1>, vector<16xi32>
      %select_n3A_792 = arith.select %gt3A_781, %select_n3A_689, %select_n3A_791 : vector<16xi1>, vector<16xi32>
      %mul3A_793 = arith.constant 16 : i32
      %mul3A_794 = arith.muli %scan3A_720, %mul3A_793 : i32
      %add3A_795 = arith.constant 6144 : i32
      %add3A_796 = arith.addi %add3A_795, %mul3A_794 : i32
      %get3A_797 = arith.constant 1 : i32
      %get3A_798 = arith.index_cast %get3A_797 : i32 to index
      %get3A_799 = arith.index_cast %add3A_796 : i32 to index
      %get3A_800 = tpu.vector_load %arg4[%get3A_798, %get3A_799] {strides = array<i32>} : memref<2x8192xf32, #tpu.memory_space<vmem>>, vector<16xf32>,
      %add3A_801 = arith.constant 6144 : i32
      %add3A_802 = vector.broadcast %add3A_801 : i32 to vector<16xi32>
      %add3A_803 = arith.addi %add3A_718, %add3A_802 : vector<16xi32>
      %gt3A_804 = arith.cmpf ogt, %get3A_800, %max3A_707 : vector<16xf32>
      %gt3A_805 = arith.cmpf ogt, %get3A_800, %max3A_709 : vector<16xf32>
      %gt3A_806 = arith.cmpf ogt, %get3A_800, %max3A_710 : vector<16xf32>
      %min3A_807 = arith.minimumf %max3A_707, %get3A_800 : vector<16xf32>
      %max3A_808 = arith.maximumf %max3A_707, %get3A_800 : vector<16xf32>
      %min3A_809 = arith.minimumf %max3A_709, %min3A_807 : vector<16xf32>
      %max3A_810 = arith.maximumf %max3A_709, %min3A_807 : vector<16xf32>
      %max3A_811 = arith.maximumf %max3A_710, %min3A_809 : vector<16xf32>
      %select_n3A_812 = arith.select %gt3A_804, %add3A_803, %select_n3A_711 : vector<16xi1>, vector<16xi32>
      %select_n3A_813 = arith.select %gt3A_805, %add3A_803, %select_n3A_713 : vector<16xi1>, vector<16xi32>
      %select_n3A_814 = arith.select %gt3A_804, %select_n3A_711, %select_n3A_813 : vector<16xi1>, vector<16xi32>
      %select_n3A_815 = arith.select %gt3A_806, %add3A_803, %select_n3A_715 : vector<16xi1>, vector<16xi32>
      %select_n3A_816 = arith.select %gt3A_805, %select_n3A_713, %select_n3A_815 : vector<16xi1>, vector<16xi32>
      %add3A_817 = arith.constant 16 : i32
      %add3A_818 = vector.broadcast %add3A_817 : i32 to vector<16xi32>
      %add3A_819 = arith.addi %add3A_718, %add3A_818 : vector<16xi32>
      scf.yield %max3A_736, %max3A_738, %max3A_739, %select_n3A_740, %select_n3A_742, %select_n3A_744, %max3A_760, %max3A_762, %max3A_763, %select_n3A_764, %select_n3A_766, %select_n3A_768, %max3A_784, %max3A_786, %max3A_787, %select_n3A_788, %select_n3A_790, %select_n3A_792, %max3A_808, %max3A_810, %max3A_811, %select_n3A_812, %select_n3A_814, %select_n3A_816, %add3A_819 : vector<16xf32>, vector<16xf32>, vector<16xf32>, vector<16xi32>, vector<16xi32>, vector<16xi32>, vector<16xf32>, vector<16xf32>, vector<16xf32>, vector<16xi32>, vector<16xi32>, vector<16xi32>, vector<16xf32>, vector<16xf32>, vector<16xf32>, vector<16xi32>, vector<16xi32>, vector<16xi32>, vector<16xf32>, vector<16xf32>, vector<16xf32>, vector<16xi32>, vector<16xi32>, vector<16xi32>, vector<16xi32>
    }
    %scan3A_299 = arith.constant 128 : i32
    %gt3A_300 = arith.cmpf ogt, %scan3A_298#6, %scan3A_298#0 : vector<16xf32>
    %gt3A_301 = arith.cmpf ogt, %scan3A_298#6, %scan3A_298#1 : vector<16xf32>
    %gt3A_302 = arith.cmpf ogt, %scan3A_298#6, %scan3A_298#2 : vector<16xf32>
    %min3A_303 = arith.minimumf %scan3A_298#0, %scan3A_298#6 : vector<16xf32>
    %max3A_304 = arith.maximumf %scan3A_298#0, %scan3A_298#6 : vector<16xf32>
    %min3A_305 = arith.minimumf %scan3A_298#1, %min3A_303 : vector<16xf32>
    %max3A_306 = arith.maximumf %scan3A_298#1, %min3A_303 : vector<16xf32>
    %max3A_307 = arith.maximumf %scan3A_298#2, %min3A_305 : vector<16xf32>
    %select_n3A_308 = arith.select %gt3A_300, %scan3A_298#9, %scan3A_298#3 : vector<16xi1>, vector<16xi32>
    %select_n3A_309 = arith.select %gt3A_301, %scan3A_298#9, %scan3A_298#4 : vector<16xi1>, vector<16xi32>
    %select_n3A_310 = arith.select %gt3A_300, %scan3A_298#3, %select_n3A_309 : vector<16xi1>, vector<16xi32>
    %select_n3A_311 = arith.select %gt3A_302, %scan3A_298#9, %scan3A_298#5 : vector<16xi1>, vector<16xi32>
    %select_n3A_312 = arith.select %gt3A_301, %scan3A_298#4, %select_n3A_311 : vector<16xi1>, vector<16xi32>
    %gt3A_313 = arith.cmpf ogt, %scan3A_298#7, %max3A_304 : vector<16xf32>
    %gt3A_314 = arith.cmpf ogt, %scan3A_298#7, %max3A_306 : vector<16xf32>
    %gt3A_315 = arith.cmpf ogt, %scan3A_298#7, %max3A_307 : vector<16xf32>
    %min3A_316 = arith.minimumf %max3A_304, %scan3A_298#7 : vector<16xf32>
    %max3A_317 = arith.maximumf %max3A_304, %scan3A_298#7 : vector<16xf32>
    %min3A_318 = arith.minimumf %max3A_306, %min3A_316 : vector<16xf32>
    %max3A_319 = arith.maximumf %max3A_306, %min3A_316 : vector<16xf32>
    %max3A_320 = arith.maximumf %max3A_307, %min3A_318 : vector<16xf32>
    %select_n3A_321 = arith.select %gt3A_313, %scan3A_298#10, %select_n3A_308 : vector<16xi1>, vector<16xi32>
    %select_n3A_322 = arith.select %gt3A_314, %scan3A_298#10, %select_n3A_310 : vector<16xi1>, vector<16xi32>
    %select_n3A_323 = arith.select %gt3A_313, %select_n3A_308, %select_n3A_322 : vector<16xi1>, vector<16xi32>
    %select_n3A_324 = arith.select %gt3A_315, %scan3A_298#10, %select_n3A_312 : vector<16xi1>, vector<16xi32>
    %select_n3A_325 = arith.select %gt3A_314, %select_n3A_310, %select_n3A_324 : vector<16xi1>, vector<16xi32>
    %gt3A_326 = arith.cmpf ogt, %scan3A_298#8, %max3A_317 : vector<16xf32>
    %gt3A_327 = arith.cmpf ogt, %scan3A_298#8, %max3A_319 : vector<16xf32>
    %gt3A_328 = arith.cmpf ogt, %scan3A_298#8, %max3A_320 : vector<16xf32>
    %min3A_329 = arith.minimumf %max3A_317, %scan3A_298#8 : vector<16xf32>
    %max3A_330 = arith.maximumf %max3A_317, %scan3A_298#8 : vector<16xf32>
    %min3A_331 = arith.minimumf %max3A_319, %min3A_329 : vector<16xf32>
    %max3A_332 = arith.maximumf %max3A_319, %min3A_329 : vector<16xf32>
    %max3A_333 = arith.maximumf %max3A_320, %min3A_331 : vector<16xf32>
    %select_n3A_334 = arith.select %gt3A_326, %scan3A_298#11, %select_n3A_321 : vector<16xi1>, vector<16xi32>
    %select_n3A_335 = arith.select %gt3A_327, %scan3A_298#11, %select_n3A_323 : vector<16xi1>, vector<16xi32>
    %select_n3A_336 = arith.select %gt3A_326, %select_n3A_321, %select_n3A_335 : vector<16xi1>, vector<16xi32>
    %select_n3A_337 = arith.select %gt3A_328, %scan3A_298#11, %select_n3A_325 : vector<16xi1>, vector<16xi32>
    %select_n3A_338 = arith.select %gt3A_327, %select_n3A_323, %select_n3A_337 : vector<16xi1>, vector<16xi32>
    %gt3A_339 = arith.cmpf ogt, %scan3A_298#12, %max3A_330 : vector<16xf32>
    %gt3A_340 = arith.cmpf ogt, %scan3A_298#12, %max3A_332 : vector<16xf32>
    %gt3A_341 = arith.cmpf ogt, %scan3A_298#12, %max3A_333 : vector<16xf32>
    %min3A_342 = arith.minimumf %max3A_330, %scan3A_298#12 : vector<16xf32>
    %max3A_343 = arith.maximumf %max3A_330, %scan3A_298#12 : vector<16xf32>
    %min3A_344 = arith.minimumf %max3A_332, %min3A_342 : vector<16xf32>
    %max3A_345 = arith.maximumf %max3A_332, %min3A_342 : vector<16xf32>
    %max3A_346 = arith.maximumf %max3A_333, %min3A_344 : vector<16xf32>
    %select_n3A_347 = arith.select %gt3A_339, %scan3A_298#15, %select_n3A_334 : vector<16xi1>, vector<16xi32>
    %select_n3A_348 = arith.select %gt3A_340, %scan3A_298#15, %select_n3A_336 : vector<16xi1>, vector<16xi32>
    %select_n3A_349 = arith.select %gt3A_339, %select_n3A_334, %select_n3A_348 : vector<16xi1>, vector<16xi32>
    %select_n3A_350 = arith.select %gt3A_341, %scan3A_298#15, %select_n3A_338 : vector<16xi1>, vector<16xi32>
    %select_n3A_351 = arith.select %gt3A_340, %select_n3A_336, %select_n3A_350 : vector<16xi1>, vector<16xi32>
    %gt3A_352 = arith.cmpf ogt, %scan3A_298#13, %max3A_343 : vector<16xf32>
    %gt3A_353 = arith.cmpf ogt, %scan3A_298#13, %max3A_345 : vector<16xf32>
    %gt3A_354 = arith.cmpf ogt, %scan3A_298#13, %max3A_346 : vector<16xf32>
    %min3A_355 = arith.minimumf %max3A_343, %scan3A_298#13 : vector<16xf32>
    %max3A_356 = arith.maximumf %max3A_343, %scan3A_298#13 : vector<16xf32>
    %min3A_357 = arith.minimumf %max3A_345, %min3A_355 : vector<16xf32>
    %max3A_358 = arith.maximumf %max3A_345, %min3A_355 : vector<16xf32>
    %max3A_359 = arith.maximumf %max3A_346, %min3A_357 : vector<16xf32>
    %select_n3A_360 = arith.select %gt3A_352, %scan3A_298#16, %select_n3A_347 : vector<16xi1>, vector<16xi32>
    %select_n3A_361 = arith.select %gt3A_353, %scan3A_298#16, %select_n3A_349 : vector<16xi1>, vector<16xi32>
    %select_n3A_362 = arith.select %gt3A_352, %select_n3A_347, %select_n3A_361 : vector<16xi1>, vector<16xi32>
    %select_n3A_363 = arith.select %gt3A_354, %scan3A_298#16, %select_n3A_351 : vector<16xi1>, vector<16xi32>
    %select_n3A_364 = arith.select %gt3A_353, %select_n3A_349, %select_n3A_363 : vector<16xi1>, vector<16xi32>
    %gt3A_365 = arith.cmpf ogt, %scan3A_298#14, %max3A_356 : vector<16xf32>
    %gt3A_366 = arith.cmpf ogt, %scan3A_298#14, %max3A_358 : vector<16xf32>
    %gt3A_367 = arith.cmpf ogt, %scan3A_298#14, %max3A_359 : vector<16xf32>
    %min3A_368 = arith.minimumf %max3A_356, %scan3A_298#14 : vector<16xf32>
    %max3A_369 = arith.maximumf %max3A_356, %scan3A_298#14 : vector<16xf32>
    %min3A_370 = arith.minimumf %max3A_358, %min3A_368 : vector<16xf32>
    %max3A_371 = arith.maximumf %max3A_358, %min3A_368 : vector<16xf32>
    %max3A_372 = arith.maximumf %max3A_359, %min3A_370 : vector<16xf32>
    %select_n3A_373 = arith.select %gt3A_365, %scan3A_298#17, %select_n3A_360 : vector<16xi1>, vector<16xi32>
    %select_n3A_374 = arith.select %gt3A_366, %scan3A_298#17, %select_n3A_362 : vector<16xi1>, vector<16xi32>
    %select_n3A_375 = arith.select %gt3A_365, %select_n3A_360, %select_n3A_374 : vector<16xi1>, vector<16xi32>
    %select_n3A_376 = arith.select %gt3A_367, %scan3A_298#17, %select_n3A_364 : vector<16xi1>, vector<16xi32>
    %select_n3A_377 = arith.select %gt3A_366, %select_n3A_362, %select_n3A_376 : vector<16xi1>, vector<16xi32>
    %gt3A_378 = arith.cmpf ogt, %scan3A_298#18, %max3A_369 : vector<16xf32>
    %gt3A_379 = arith.cmpf ogt, %scan3A_298#18, %max3A_371 : vector<16xf32>
    %gt3A_380 = arith.cmpf ogt, %scan3A_298#18, %max3A_372 : vector<16xf32>
    %min3A_381 = arith.minimumf %max3A_369, %scan3A_298#18 : vector<16xf32>
    %max3A_382 = arith.maximumf %max3A_369, %scan3A_298#18 : vector<16xf32>
    %min3A_383 = arith.minimumf %max3A_371, %min3A_381 : vector<16xf32>
    %max3A_384 = arith.maximumf %max3A_371, %min3A_381 : vector<16xf32>
    %max3A_385 = arith.maximumf %max3A_372, %min3A_383 : vector<16xf32>
    %select_n3A_386 = arith.select %gt3A_378, %scan3A_298#21, %select_n3A_373 : vector<16xi1>, vector<16xi32>
    %select_n3A_387 = arith.select %gt3A_379, %scan3A_298#21, %select_n3A_375 : vector<16xi1>, vector<16xi32>
    %select_n3A_388 = arith.select %gt3A_378, %select_n3A_373, %select_n3A_387 : vector<16xi1>, vector<16xi32>
    %select_n3A_389 = arith.select %gt3A_380, %scan3A_298#21, %select_n3A_377 : vector<16xi1>, vector<16xi32>
    %select_n3A_390 = arith.select %gt3A_379, %select_n3A_375, %select_n3A_389 : vector<16xi1>, vector<16xi32>
    %gt3A_391 = arith.cmpf ogt, %scan3A_298#19, %max3A_382 : vector<16xf32>
    %gt3A_392 = arith.cmpf ogt, %scan3A_298#19, %max3A_384 : vector<16xf32>
    %gt3A_393 = arith.cmpf ogt, %scan3A_298#19, %max3A_385 : vector<16xf32>
    %min3A_394 = arith.minimumf %max3A_382, %scan3A_298#19 : vector<16xf32>
    %max3A_395 = arith.maximumf %max3A_382, %scan3A_298#19 : vector<16xf32>
    %min3A_396 = arith.minimumf %max3A_384, %min3A_394 : vector<16xf32>
    %max3A_397 = arith.maximumf %max3A_384, %min3A_394 : vector<16xf32>
    %max3A_398 = arith.maximumf %max3A_385, %min3A_396 : vector<16xf32>
    %select_n3A_399 = arith.select %gt3A_391, %scan3A_298#22, %select_n3A_386 : vector<16xi1>, vector<16xi32>
    %select_n3A_400 = arith.select %gt3A_392, %scan3A_298#22, %select_n3A_388 : vector<16xi1>, vector<16xi32>
    %select_n3A_401 = arith.select %gt3A_391, %select_n3A_386, %select_n3A_400 : vector<16xi1>, vector<16xi32>
    %select_n3A_402 = arith.select %gt3A_393, %scan3A_298#22, %select_n3A_390 : vector<16xi1>, vector<16xi32>
    %select_n3A_403 = arith.select %gt3A_392, %select_n3A_388, %select_n3A_402 : vector<16xi1>, vector<16xi32>
    %gt3A_404 = arith.cmpf ogt, %scan3A_298#20, %max3A_395 : vector<16xf32>
    %gt3A_405 = arith.cmpf ogt, %scan3A_298#20, %max3A_397 : vector<16xf32>
    %gt3A_406 = arith.cmpf ogt, %scan3A_298#20, %max3A_398 : vector<16xf32>
    %min3A_407 = arith.minimumf %max3A_395, %scan3A_298#20 : vector<16xf32>
    %max3A_408 = arith.maximumf %max3A_395, %scan3A_298#20 : vector<16xf32>
    %min3A_409 = arith.minimumf %max3A_397, %min3A_407 : vector<16xf32>
    %max3A_410 = arith.maximumf %max3A_397, %min3A_407 : vector<16xf32>
    %max3A_411 = arith.maximumf %max3A_398, %min3A_409 : vector<16xf32>
    %select_n3A_412 = arith.select %gt3A_404, %scan3A_298#23, %select_n3A_399 : vector<16xi1>, vector<16xi32>
    %select_n3A_413 = arith.select %gt3A_405, %scan3A_298#23, %select_n3A_401 : vector<16xi1>, vector<16xi32>
    %select_n3A_414 = arith.select %gt3A_404, %select_n3A_399, %select_n3A_413 : vector<16xi1>, vector<16xi32>
    %select_n3A_415 = arith.select %gt3A_406, %scan3A_298#23, %select_n3A_403 : vector<16xi1>, vector<16xi32>
    %select_n3A_416 = arith.select %gt3A_405, %select_n3A_401, %select_n3A_415 : vector<16xi1>, vector<16xi32>
    %broadcast_in_dim3A_417 = arith.constant true
    %broadcast_in_dim3A_418 = vector.broadcast %broadcast_in_dim3A_417 : i1 to vector<16xi1>
    %masked_cummax3A_419 = tpu.scan <max>, %max3A_408 masked %broadcast_in_dim3A_418 : vector<16xf32>, vector<16xi1> -> vector<16xf32>
    %rev3A_420 = arith.constant 15 : i32
    %rev3A_421 = vector.broadcast %rev3A_420 : i32 to vector<16xi32>
    %rev3A_422 = tpu.iota {dimensions = array<i32: 0>} : vector<16xi32>
    %rev3A_423 = arith.subi %rev3A_421, %rev3A_422 : vector<16xi32>
    %rev3A_424 = tpu.dynamic_gather %masked_cummax3A_419[%rev3A_423] in [0] : vector<16xf32>, vector<16xi32> -> vector<16xf32>
    %broadcast_in_dim3A_425 = arith.constant true
    %broadcast_in_dim3A_426 = vector.broadcast %broadcast_in_dim3A_425 : i1 to vector<16xi1>
    %masked_cummax3A_427 = tpu.scan <max>, %rev3A_424 masked %broadcast_in_dim3A_426 : vector<16xf32>, vector<16xi1> -> vector<16xf32>
    %eq3A_428 = arith.cmpf oeq, %max3A_408, %masked_cummax3A_427 : vector<16xf32>
    %select_n3A_429 = arith.select %eq3A_428, %select_n3A_412, %broadcast_in_dim3A_7 : vector<16xi1>, vector<16xi32>
    %neg3A_430 = arith.constant 0 : i32
    %neg3A_431 = vector.broadcast %neg3A_430 : i32 to vector<16xi32>
    %neg3A_432 = arith.subi %neg3A_431, %select_n3A_429 : vector<16xi32>
    %broadcast_in_dim3A_433 = arith.constant true
    %broadcast_in_dim3A_434 = vector.broadcast %broadcast_in_dim3A_433 : i1 to vector<16xi1>
    %masked_cummax3A_435 = arith.constant -2147483648 : i32
    %masked_cummax3A_436 = vector.broadcast %masked_cummax3A_435 : i32 to vector<16xi32>
    %masked_cummax3A_437 = arith.xori %neg3A_432, %masked_cummax3A_436 : vector<16xi32>
    %masked_cummax3A_438 = tpu.scan <max>, %masked_cummax3A_437 masked %broadcast_in_dim3A_434 : vector<16xi32>, vector<16xi1> -> vector<16xi32>
    %masked_cummax3A_439 = arith.xori %masked_cummax3A_438, %masked_cummax3A_436 : vector<16xi32>
    %rev3A_440 = arith.constant 15 : i32
    %rev3A_441 = vector.broadcast %rev3A_440 : i32 to vector<16xi32>
    %rev3A_442 = tpu.iota {dimensions = array<i32: 0>} : vector<16xi32>
    %rev3A_443 = arith.subi %rev3A_441, %rev3A_442 : vector<16xi32>
    %rev3A_444 = tpu.dynamic_gather %masked_cummax3A_439[%rev3A_443] in [0] : vector<16xi32>, vector<16xi32> -> vector<16xi32>
    %broadcast_in_dim3A_445 = arith.constant true
    %broadcast_in_dim3A_446 = vector.broadcast %broadcast_in_dim3A_445 : i1 to vector<16xi1>
    %masked_cummax3A_447 = arith.constant -2147483648 : i32
    %masked_cummax3A_448 = vector.broadcast %masked_cummax3A_447 : i32 to vector<16xi32>
    %masked_cummax3A_449 = arith.xori %rev3A_444, %masked_cummax3A_448 : vector<16xi32>
    %masked_cummax3A_450 = tpu.scan <max>, %masked_cummax3A_449 masked %broadcast_in_dim3A_446 : vector<16xi32>, vector<16xi1> -> vector<16xi32>
    %masked_cummax3A_451 = arith.xori %masked_cummax3A_450, %masked_cummax3A_448 : vector<16xi32>
    %neg3A_452 = arith.constant 0 : i32
    %neg3A_453 = vector.broadcast %neg3A_452 : i32 to vector<16xi32>
    %neg3A_454 = arith.subi %neg3A_453, %masked_cummax3A_451 : vector<16xi32>
    %eq3A_455 = arith.constant 0 : i32
    %eq3A_456 = vector.broadcast %eq3A_455 : i32 to vector<16xi32>
    %eq3A_457 = arith.cmpi eq, %iota3A, %eq3A_456 : vector<16xi32>
    %select_n3A_458 = arith.select %eq3A_457, %masked_cummax3A_427, %broadcast_in_dim3A_3 : vector<16xi1>, vector<16xf32>
    %eq3A_459 = arith.constant 0 : i32
    %eq3A_460 = vector.broadcast %eq3A_459 : i32 to vector<16xi32>
    %eq3A_461 = arith.cmpi eq, %iota3A, %eq3A_460 : vector<16xi32>
    %select_n3A_462 = arith.select %eq3A_461, %neg3A_454, %broadcast_in_dim3A_5 : vector<16xi1>, vector<16xi32>
    %eq3A_463 = arith.cmpf oeq, %max3A_408, %masked_cummax3A_427 : vector<16xf32>
    %eq3A_464 = arith.cmpi eq, %select_n3A_412, %neg3A_454 : vector<16xi32>
    %and3A_465 = arith.andi %eq3A_463, %eq3A_464 : vector<16xi1>
    %select_n3A_466 = arith.select %and3A_465, %max3A_410, %max3A_408 : vector<16xi1>, vector<16xf32>
    %select_n3A_467 = arith.select %and3A_465, %select_n3A_414, %select_n3A_412 : vector<16xi1>, vector<16xi32>
    %select_n3A_468 = arith.select %and3A_465, %max3A_411, %max3A_410 : vector<16xi1>, vector<16xf32>
    %select_n3A_469 = arith.select %and3A_465, %select_n3A_416, %select_n3A_414 : vector<16xi1>, vector<16xi32>
    %select_n3A_470 = arith.select %and3A_465, %broadcast_in_dim3A_3, %max3A_411 : vector<16xi1>, vector<16xf32>
    %broadcast_in_dim3A_471 = arith.constant true
    %broadcast_in_dim3A_472 = vector.broadcast %broadcast_in_dim3A_471 : i1 to vector<16xi1>
    %masked_cummax3A_473 = tpu.scan <max>, %select_n3A_466 masked %broadcast_in_dim3A_472 : vector<16xf32>, vector<16xi1> -> vector<16xf32>
    %rev3A_474 = arith.constant 15 : i32
    %rev3A_475 = vector.broadcast %rev3A_474 : i32 to vector<16xi32>
    %rev3A_476 = tpu.iota {dimensions = array<i32: 0>} : vector<16xi32>
    %rev3A_477 = arith.subi %rev3A_475, %rev3A_476 : vector<16xi32>
    %rev3A_478 = tpu.dynamic_gather %masked_cummax3A_473[%rev3A_477] in [0] : vector<16xf32>, vector<16xi32> -> vector<16xf32>
    %broadcast_in_dim3A_479 = arith.constant true
    %broadcast_in_dim3A_480 = vector.broadcast %broadcast_in_dim3A_479 : i1 to vector<16xi1>
    %masked_cummax3A_481 = tpu.scan <max>, %rev3A_478 masked %broadcast_in_dim3A_480 : vector<16xf32>, vector<16xi1> -> vector<16xf32>
    %eq3A_482 = arith.cmpf oeq, %select_n3A_466, %masked_cummax3A_481 : vector<16xf32>
    %select_n3A_483 = arith.select %eq3A_482, %select_n3A_467, %broadcast_in_dim3A_7 : vector<16xi1>, vector<16xi32>
    %neg3A_484 = arith.constant 0 : i32
    %neg3A_485 = vector.broadcast %neg3A_484 : i32 to vector<16xi32>
    %neg3A_486 = arith.subi %neg3A_485, %select_n3A_483 : vector<16xi32>
    %broadcast_in_dim3A_487 = arith.constant true
    %broadcast_in_dim3A_488 = vector.broadcast %broadcast_in_dim3A_487 : i1 to vector<16xi1>
    %masked_cummax3A_489 = arith.constant -2147483648 : i32
    %masked_cummax3A_490 = vector.broadcast %masked_cummax3A_489 : i32 to vector<16xi32>
    %masked_cummax3A_491 = arith.xori %neg3A_486, %masked_cummax3A_490 : vector<16xi32>
    %masked_cummax3A_492 = tpu.scan <max>, %masked_cummax3A_491 masked %broadcast_in_dim3A_488 : vector<16xi32>, vector<16xi1> -> vector<16xi32>
    %masked_cummax3A_493 = arith.xori %masked_cummax3A_492, %masked_cummax3A_490 : vector<16xi32>
    %rev3A_494 = arith.constant 15 : i32
    %rev3A_495 = vector.broadcast %rev3A_494 : i32 to vector<16xi32>
    %rev3A_496 = tpu.iota {dimensions = array<i32: 0>} : vector<16xi32>
    %rev3A_497 = arith.subi %rev3A_495, %rev3A_496 : vector<16xi32>
    %rev3A_498 = tpu.dynamic_gather %masked_cummax3A_493[%rev3A_497] in [0] : vector<16xi32>, vector<16xi32> -> vector<16xi32>
    %broadcast_in_dim3A_499 = arith.constant true
    %broadcast_in_dim3A_500 = vector.broadcast %broadcast_in_dim3A_499 : i1 to vector<16xi1>
    %masked_cummax3A_501 = arith.constant -2147483648 : i32
    %masked_cummax3A_502 = vector.broadcast %masked_cummax3A_501 : i32 to vector<16xi32>
    %masked_cummax3A_503 = arith.xori %rev3A_498, %masked_cummax3A_502 : vector<16xi32>
    %masked_cummax3A_504 = tpu.scan <max>, %masked_cummax3A_503 masked %broadcast_in_dim3A_500 : vector<16xi32>, vector<16xi1> -> vector<16xi32>
    %masked_cummax3A_505 = arith.xori %masked_cummax3A_504, %masked_cummax3A_502 : vector<16xi32>
    %neg3A_506 = arith.constant 0 : i32
    %neg3A_507 = vector.broadcast %neg3A_506 : i32 to vector<16xi32>
    %neg3A_508 = arith.subi %neg3A_507, %masked_cummax3A_505 : vector<16xi32>
    %eq3A_509 = arith.constant 1 : i32
    %eq3A_510 = vector.broadcast %eq3A_509 : i32 to vector<16xi32>
    %eq3A_511 = arith.cmpi eq, %iota3A, %eq3A_510 : vector<16xi32>
    %select_n3A_512 = arith.select %eq3A_511, %masked_cummax3A_481, %select_n3A_458 : vector<16xi1>, vector<16xf32>
    %eq3A_513 = arith.constant 1 : i32
    %eq3A_514 = vector.broadcast %eq3A_513 : i32 to vector<16xi32>
    %eq3A_515 = arith.cmpi eq, %iota3A, %eq3A_514 : vector<16xi32>
    %select_n3A_516 = arith.select %eq3A_515, %neg3A_508, %select_n3A_462 : vector<16xi1>, vector<16xi32>
    %eq3A_517 = arith.cmpf oeq, %select_n3A_466, %masked_cummax3A_481 : vector<16xf32>
    %eq3A_518 = arith.cmpi eq, %select_n3A_467, %neg3A_508 : vector<16xi32>
    %and3A_519 = arith.andi %eq3A_517, %eq3A_518 : vector<16xi1>
    %select_n3A_520 = arith.select %and3A_519, %select_n3A_468, %select_n3A_466 : vector<16xi1>, vector<16xf32>
    %select_n3A_521 = arith.select %and3A_519, %select_n3A_469, %select_n3A_467 : vector<16xi1>, vector<16xi32>
    %select_n3A_522 = arith.select %and3A_519, %select_n3A_470, %select_n3A_468 : vector<16xi1>, vector<16xf32>
    %select_n3A_523 = arith.select %and3A_519, %select_n3A_416, %select_n3A_469 : vector<16xi1>, vector<16xi32>
    %select_n3A_524 = arith.select %and3A_519, %broadcast_in_dim3A_3, %select_n3A_470 : vector<16xi1>, vector<16xf32>
    %broadcast_in_dim3A_525 = arith.constant true
    %broadcast_in_dim3A_526 = vector.broadcast %broadcast_in_dim3A_525 : i1 to vector<16xi1>
    %masked_cummax3A_527 = tpu.scan <max>, %select_n3A_520 masked %broadcast_in_dim3A_526 : vector<16xf32>, vector<16xi1> -> vector<16xf32>
    %rev3A_528 = arith.constant 15 : i32
    %rev3A_529 = vector.broadcast %rev3A_528 : i32 to vector<16xi32>
    %rev3A_530 = tpu.iota {dimensions = array<i32: 0>} : vector<16xi32>
    %rev3A_531 = arith.subi %rev3A_529, %rev3A_530 : vector<16xi32>
    %rev3A_532 = tpu.dynamic_gather %masked_cummax3A_527[%rev3A_531] in [0] : vector<16xf32>, vector<16xi32> -> vector<16xf32>
    %broadcast_in_dim3A_533 = arith.constant true
    %broadcast_in_dim3A_534 = vector.broadcast %broadcast_in_dim3A_533 : i1 to vector<16xi1>
    %masked_cummax3A_535 = tpu.scan <max>, %rev3A_532 masked %broadcast_in_dim3A_534 : vector<16xf32>, vector<16xi1> -> vector<16xf32>
    %eq3A_536 = arith.cmpf oeq, %select_n3A_520, %masked_cummax3A_535 : vector<16xf32>
    %select_n3A_537 = arith.select %eq3A_536, %select_n3A_521, %broadcast_in_dim3A_7 : vector<16xi1>, vector<16xi32>
    %neg3A_538 = arith.constant 0 : i32
    %neg3A_539 = vector.broadcast %neg3A_538 : i32 to vector<16xi32>
    %neg3A_540 = arith.subi %neg3A_539, %select_n3A_537 : vector<16xi32>
    %broadcast_in_dim3A_541 = arith.constant true
    %broadcast_in_dim3A_542 = vector.broadcast %broadcast_in_dim3A_541 : i1 to vector<16xi1>
    %masked_cummax3A_543 = arith.constant -2147483648 : i32
    %masked_cummax3A_544 = vector.broadcast %masked_cummax3A_543 : i32 to vector<16xi32>
    %masked_cummax3A_545 = arith.xori %neg3A_540, %masked_cummax3A_544 : vector<16xi32>
    %masked_cummax3A_546 = tpu.scan <max>, %masked_cummax3A_545 masked %broadcast_in_dim3A_542 : vector<16xi32>, vector<16xi1> -> vector<16xi32>
    %masked_cummax3A_547 = arith.xori %masked_cummax3A_546, %masked_cummax3A_544 : vector<16xi32>
    %rev3A_548 = arith.constant 15 : i32
    %rev3A_549 = vector.broadcast %rev3A_548 : i32 to vector<16xi32>
    %rev3A_550 = tpu.iota {dimensions = array<i32: 0>} : vector<16xi32>
    %rev3A_551 = arith.subi %rev3A_549, %rev3A_550 : vector<16xi32>
    %rev3A_552 = tpu.dynamic_gather %masked_cummax3A_547[%rev3A_551] in [0] : vector<16xi32>, vector<16xi32> -> vector<16xi32>
    %broadcast_in_dim3A_553 = arith.constant true
    %broadcast_in_dim3A_554 = vector.broadcast %broadcast_in_dim3A_553 : i1 to vector<16xi1>
    %masked_cummax3A_555 = arith.constant -2147483648 : i32
    %masked_cummax3A_556 = vector.broadcast %masked_cummax3A_555 : i32 to vector<16xi32>
    %masked_cummax3A_557 = arith.xori %rev3A_552, %masked_cummax3A_556 : vector<16xi32>
    %masked_cummax3A_558 = tpu.scan <max>, %masked_cummax3A_557 masked %broadcast_in_dim3A_554 : vector<16xi32>, vector<16xi1> -> vector<16xi32>
    %masked_cummax3A_559 = arith.xori %masked_cummax3A_558, %masked_cummax3A_556 : vector<16xi32>
    %neg3A_560 = arith.constant 0 : i32
    %neg3A_561 = vector.broadcast %neg3A_560 : i32 to vector<16xi32>
    %neg3A_562 = arith.subi %neg3A_561, %masked_cummax3A_559 : vector<16xi32>
    %eq3A_563 = arith.constant 2 : i32
    %eq3A_564 = vector.broadcast %eq3A_563 : i32 to vector<16xi32>
    %eq3A_565 = arith.cmpi eq, %iota3A, %eq3A_564 : vector<16xi32>
    %select_n3A_566 = arith.select %eq3A_565, %masked_cummax3A_535, %select_n3A_512 : vector<16xi1>, vector<16xf32>
    %eq3A_567 = arith.constant 2 : i32
    %eq3A_568 = vector.broadcast %eq3A_567 : i32 to vector<16xi32>
    %eq3A_569 = arith.cmpi eq, %iota3A, %eq3A_568 : vector<16xi32>
    %select_n3A_570 = arith.select %eq3A_569, %neg3A_562, %select_n3A_516 : vector<16xi1>, vector<16xi32>
    %eq3A_571 = arith.cmpf oeq, %select_n3A_520, %masked_cummax3A_535 : vector<16xf32>
    %eq3A_572 = arith.cmpi eq, %select_n3A_521, %neg3A_562 : vector<16xi32>
    %and3A_573 = arith.andi %eq3A_571, %eq3A_572 : vector<16xi1>
    %select_n3A_574 = arith.select %and3A_573, %select_n3A_522, %select_n3A_520 : vector<16xi1>, vector<16xf32>
    %select_n3A_575 = arith.select %and3A_573, %select_n3A_523, %select_n3A_521 : vector<16xi1>, vector<16xi32>
    %select_n3A_576 = arith.select %and3A_573, %select_n3A_524, %select_n3A_522 : vector<16xi1>, vector<16xf32>
    %select_n3A_577 = arith.select %and3A_573, %select_n3A_416, %select_n3A_523 : vector<16xi1>, vector<16xi32>
    %select_n3A_578 = arith.select %and3A_573, %broadcast_in_dim3A_3, %select_n3A_524 : vector<16xi1>, vector<16xf32>
    %swap3A_579 = arith.constant 0 : i32
    %swap3A_580 = arith.constant 1 : i32
    %swap3A_581 = arith.index_cast %swap3A_579 : i32 to index
    %swap3A_582 = arith.index_cast %swap3A_580 : i32 to index
    %swap3A_583 = arith.constant 0 : index
    %swap3A_584 = tpu.vector_load %arg5[%swap3A_581, %swap3A_582, %swap3A_583] {strides = array<i32>} : memref<2x2x16xf32, #tpu.memory_space<vmem>>, vector<16xf32>,
    tpu.vector_store %arg5[%swap3A_581, %swap3A_582, %swap3A_583], %select_n3A_566 {strides = array<i32>} : memref<2x2x16xf32, #tpu.memory_space<vmem>>, vector<16xf32>,
    %bitcast3A_585 = vector.bitcast %select_n3A_570 : vector<16xi32> to vector<16xf32>
    %swap3A_586 = arith.constant 1 : i32
    %swap3A_587 = arith.constant 1 : i32
    %swap3A_588 = arith.index_cast %swap3A_586 : i32 to index
    %swap3A_589 = arith.index_cast %swap3A_587 : i32 to index
    %swap3A_590 = arith.constant 0 : index
    %swap3A_591 = tpu.vector_load %arg5[%swap3A_588, %swap3A_589, %swap3A_590] {strides = array<i32>} : memref<2x2x16xf32, #tpu.memory_space<vmem>>, vector<16xf32>,
    tpu.vector_store %arg5[%swap3A_588, %swap3A_589, %swap3A_590], %bitcast3A_585 {strides = array<i32>} : memref<2x2x16xf32, #tpu.memory_space<vmem>>, vector<16xf32>,
    %run_scoped3A = arith.constant 0 : i32
    %run_scoped3A_592 = arith.constant 0 : i32
    "tpu.region"() ({
      %run_scoped3A_595 = tpu.sem_alloc : memref<!tpu.dma_semaphore, #tpu.memory_space<semaphore_mem>>
      %dma_start3A = arith.constant 0 : i32
      %dma_start3A_596 = arith.constant 0 : i32
      %dma_start3A_597 = tpu.memref_slice %arg5[%run_scoped3A, %dma_start3A, %dma_start3A_596] : memref<2x2x16xf32, #tpu.memory_space<vmem>> -> memref<1x2x16xf32, #tpu.memory_space<vmem>>
      %dma_start3A_598 = tpu.memref_squeeze %dma_start3A_597 : memref<1x2x16xf32, #tpu.memory_space<vmem>> -> memref<2x16xf32, #tpu.memory_space<vmem>>
      %dma_start3A_599 = arith.constant 0 : i32
      %dma_start3A_600 = tpu.memref_slice %arg3[%run_scoped3A_592, %mul3A_2, %dma_start3A_599] : memref<2x64x16xf32, #tpu.memory_space<hbm>> -> memref<1x2x16xf32, #tpu.memory_space<hbm>>
      %dma_start3A_601 = tpu.memref_squeeze %dma_start3A_600 : memref<1x2x16xf32, #tpu.memory_space<hbm>> -> memref<2x16xf32, #tpu.memory_space<hbm>>
      %dma_start3A_602 = arith.constant 0 : i32
      %dma_start3A_603 = tpu.memref_slice %arg3[%run_scoped3A_592, %mul3A_2, %dma_start3A_602] : memref<2x64x16xf32, #tpu.memory_space<hbm>> -> memref<1x2x16xf32, #tpu.memory_space<hbm>>
      %dma_start3A_604 = tpu.memref_squeeze %dma_start3A_603 : memref<1x2x16xf32, #tpu.memory_space<hbm>> -> memref<2x16xf32, #tpu.memory_space<hbm>>
      %dma_start3A_605 = arith.constant 0 : i32
      %dma_start3A_606 = arith.constant 0 : i32
      %dma_start3A_607 = tpu.memref_slice %arg5[%run_scoped3A, %dma_start3A_605, %dma_start3A_606] : memref<2x2x16xf32, #tpu.memory_space<vmem>> -> memref<1x2x16xf32, #tpu.memory_space<vmem>>
      %dma_start3A_608 = tpu.memref_squeeze %dma_start3A_607 : memref<1x2x16xf32, #tpu.memory_space<vmem>> -> memref<2x16xf32, #tpu.memory_space<vmem>>
      tpu.enqueue_dma source(%dma_start3A_608 : memref<2x16xf32, #tpu.memory_space<vmem>>) target(%dma_start3A_604 : memref<2x16xf32, #tpu.memory_space<hbm>>) target_semaphore(%run_scoped3A_595 : memref<!tpu.dma_semaphore, #tpu.memory_space<semaphore_mem>>)
      %dma_wait3A = arith.constant 0 : i32
      %dma_wait3A_609 = arith.constant 0 : i32
      %dma_wait3A_610 = tpu.memref_slice %arg5[%run_scoped3A, %dma_wait3A, %dma_wait3A_609] : memref<2x2x16xf32, #tpu.memory_space<vmem>> -> memref<1x2x16xf32, #tpu.memory_space<vmem>>
      %dma_wait3A_611 = tpu.memref_squeeze %dma_wait3A_610 : memref<1x2x16xf32, #tpu.memory_space<vmem>> -> memref<2x16xf32, #tpu.memory_space<vmem>>
      %dma_wait3A_612 = arith.constant 0 : i32
      %dma_wait3A_613 = tpu.memref_slice %arg3[%run_scoped3A_592, %mul3A_2, %dma_wait3A_612] : memref<2x64x16xf32, #tpu.memory_space<hbm>> -> memref<1x2x16xf32, #tpu.memory_space<hbm>>
      %dma_wait3A_614 = tpu.memref_squeeze %dma_wait3A_613 : memref<1x2x16xf32, #tpu.memory_space<hbm>> -> memref<2x16xf32, #tpu.memory_space<hbm>>
      %dma_wait3A_615 = arith.constant 0 : i32
      %dma_wait3A_616 = tpu.memref_slice %arg3[%run_scoped3A_592, %mul3A_2, %dma_wait3A_615] : memref<2x64x16xf32, #tpu.memory_space<hbm>> -> memref<1x2x16xf32, #tpu.memory_space<hbm>>
      %dma_wait3A_617 = tpu.memref_squeeze %dma_wait3A_616 : memref<1x2x16xf32, #tpu.memory_space<hbm>> -> memref<2x16xf32, #tpu.memory_space<hbm>>
      %dma_wait3A_618 = arith.constant 0 : i32
      %dma_wait3A_619 = arith.constant 0 : i32
      %dma_wait3A_620 = tpu.memref_slice %arg5[%run_scoped3A, %dma_wait3A_618, %dma_wait3A_619] : memref<2x2x16xf32, #tpu.memory_space<vmem>> -> memref<1x2x16xf32, #tpu.memory_space<vmem>>
      %dma_wait3A_621 = tpu.memref_squeeze %dma_wait3A_620 : memref<1x2x16xf32, #tpu.memory_space<vmem>> -> memref<2x16xf32, #tpu.memory_space<vmem>>
      tpu.wait_dma2 semaphore(%run_scoped3A_595 : memref<!tpu.dma_semaphore, #tpu.memory_space<semaphore_mem>>) src(%dma_wait3A_621 : memref<2x16xf32, #tpu.memory_space<vmem>>) dst(%dma_wait3A_617 : memref<2x16xf32, #tpu.memory_space<hbm>>)
      tpu.yield
    }) : () -> ()
    %run_scoped3A_593 = arith.constant 1 : i32
    %run_scoped3A_594 = arith.constant 1 : i32
    "tpu.region"() ({
      %run_scoped3A_595 = tpu.sem_alloc : memref<!tpu.dma_semaphore, #tpu.memory_space<semaphore_mem>>
      %dma_start3A = arith.constant 0 : i32
      %dma_start3A_596 = arith.constant 0 : i32
      %dma_start3A_597 = tpu.memref_slice %arg5[%run_scoped3A_593, %dma_start3A, %dma_start3A_596] : memref<2x2x16xf32, #tpu.memory_space<vmem>> -> memref<1x2x16xf32, #tpu.memory_space<vmem>>
      %dma_start3A_598 = tpu.memref_squeeze %dma_start3A_597 : memref<1x2x16xf32, #tpu.memory_space<vmem>> -> memref<2x16xf32, #tpu.memory_space<vmem>>
      %dma_start3A_599 = arith.constant 0 : i32
      %dma_start3A_600 = tpu.memref_slice %arg3[%run_scoped3A_594, %mul3A_2, %dma_start3A_599] : memref<2x64x16xf32, #tpu.memory_space<hbm>> -> memref<1x2x16xf32, #tpu.memory_space<hbm>>
      %dma_start3A_601 = tpu.memref_squeeze %dma_start3A_600 : memref<1x2x16xf32, #tpu.memory_space<hbm>> -> memref<2x16xf32, #tpu.memory_space<hbm>>
      %dma_start3A_602 = arith.constant 0 : i32
      %dma_start3A_603 = tpu.memref_slice %arg3[%run_scoped3A_594, %mul3A_2, %dma_start3A_602] : memref<2x64x16xf32, #tpu.memory_space<hbm>> -> memref<1x2x16xf32, #tpu.memory_space<hbm>>
      %dma_start3A_604 = tpu.memref_squeeze %dma_start3A_603 : memref<1x2x16xf32, #tpu.memory_space<hbm>> -> memref<2x16xf32, #tpu.memory_space<hbm>>
      %dma_start3A_605 = arith.constant 0 : i32
      %dma_start3A_606 = arith.constant 0 : i32
      %dma_start3A_607 = tpu.memref_slice %arg5[%run_scoped3A_593, %dma_start3A_605, %dma_start3A_606] : memref<2x2x16xf32, #tpu.memory_space<vmem>> -> memref<1x2x16xf32, #tpu.memory_space<vmem>>
      %dma_start3A_608 = tpu.memref_squeeze %dma_start3A_607 : memref<1x2x16xf32, #tpu.memory_space<vmem>> -> memref<2x16xf32, #tpu.memory_space<vmem>>
      tpu.enqueue_dma source(%dma_start3A_608 : memref<2x16xf32, #tpu.memory_space<vmem>>) target(%dma_start3A_604 : memref<2x16xf32, #tpu.memory_space<hbm>>) target_semaphore(%run_scoped3A_595 : memref<!tpu.dma_semaphore, #tpu.memory_space<semaphore_mem>>)
      %dma_wait3A = arith.constant 0 : i32
      %dma_wait3A_609 = arith.constant 0 : i32
      %dma_wait3A_610 = tpu.memref_slice %arg5[%run_scoped3A_593, %dma_wait3A, %dma_wait3A_609] : memref<2x2x16xf32, #tpu.memory_space<vmem>> -> memref<1x2x16xf32, #tpu.memory_space<vmem>>
      %dma_wait3A_611 = tpu.memref_squeeze %dma_wait3A_610 : memref<1x2x16xf32, #tpu.memory_space<vmem>> -> memref<2x16xf32, #tpu.memory_space<vmem>>
      %dma_wait3A_612 = arith.constant 0 : i32
      %dma_wait3A_613 = tpu.memref_slice %arg3[%run_scoped3A_594, %mul3A_2, %dma_wait3A_612] : memref<2x64x16xf32, #tpu.memory_space<hbm>> -> memref<1x2x16xf32, #tpu.memory_space<hbm>>
      %dma_wait3A_614 = tpu.memref_squeeze %dma_wait3A_613 : memref<1x2x16xf32, #tpu.memory_space<hbm>> -> memref<2x16xf32, #tpu.memory_space<hbm>>
      %dma_wait3A_615 = arith.constant 0 : i32
      %dma_wait3A_616 = tpu.memref_slice %arg3[%run_scoped3A_594, %mul3A_2, %dma_wait3A_615] : memref<2x64x16xf32, #tpu.memory_space<hbm>> -> memref<1x2x16xf32, #tpu.memory_space<hbm>>
      %dma_wait3A_617 = tpu.memref_squeeze %dma_wait3A_616 : memref<1x2x16xf32, #tpu.memory_space<hbm>> -> memref<2x16xf32, #tpu.memory_space<hbm>>
      %dma_wait3A_618 = arith.constant 0 : i32
      %dma_wait3A_619 = arith.constant 0 : i32
      %dma_wait3A_620 = tpu.memref_slice %arg5[%run_scoped3A_593, %dma_wait3A_618, %dma_wait3A_619] : memref<2x2x16xf32, #tpu.memory_space<vmem>> -> memref<1x2x16xf32, #tpu.memory_space<vmem>>
      %dma_wait3A_621 = tpu.memref_squeeze %dma_wait3A_620 : memref<1x2x16xf32, #tpu.memory_space<vmem>> -> memref<2x16xf32, #tpu.memory_space<vmem>>
      tpu.wait_dma2 semaphore(%run_scoped3A_595 : memref<!tpu.dma_semaphore, #tpu.memory_space<semaphore_mem>>) src(%dma_wait3A_621 : memref<2x16xf32, #tpu.memory_space<vmem>>) dst(%dma_wait3A_617 : memref<2x16xf32, #tpu.memory_space<hbm>>)
      tpu.yield
    }) : () -> ()
    return
  }
}

module attributes {stable_mosaic.version = 14 : i64} {
  func.func @_tc_kernel(%arg0: i32, %arg1: memref<8x8192xf32, #tpu.memory_space<vmem>>, %arg2: memref<8x3xf32, #tpu.memory_space<vmem>>, %arg3: memref<8x3xi32, #tpu.memory_space<vmem>>) attributes {dimension_semantics = [#tpu.dimension_semantics<arbitrary>], iteration_bounds = array<i64: 8>, scalar_prefetch = 0 : i64, scratch_operands = 0 : i64, tpu.core_type = #tpu.core_type<tc>, window_params = [{transform_indices = @transform_0, window_bounds = array<i64: 8, 8192>}, {transform_indices = @transform_1, window_bounds = array<i64: 8, 3>}, {transform_indices = @transform_2, window_bounds = array<i64: 8, 3>}]} {
    %broadcast_in_dim3A = arith.constant 0xFF800000 : f32
    %broadcast_in_dim3A_0 = vector.broadcast %broadcast_in_dim3A : f32 to vector<8x128xf32>
    %broadcast_in_dim3A_1 = arith.constant 0 : i32
    %broadcast_in_dim3A_2 = vector.broadcast %broadcast_in_dim3A_1 : i32 to vector<8x128xi32>
    %iota3A = tpu.iota {dimensions = array<i32: 1>} : vector<8x128xi32>
    %broadcast_in_dim3A_3 = arith.constant 1073741824 : i32
    %broadcast_in_dim3A_4 = vector.broadcast %broadcast_in_dim3A_3 : i32 to vector<8x128xi32>
    %get3A = arith.constant 0 : index
    %get3A_5 = arith.constant 0 : index
    %get3A_6 = vector.load %arg1[%get3A, %get3A_5] : memref<8x8192xf32, #tpu.memory_space<vmem>>, vector<8x128xf32>
    %add3A = arith.constant 0 : i32
    %add3A_7 = vector.broadcast %add3A : i32 to vector<8x128xi32>
    %add3A_8 = arith.addi %iota3A, %add3A_7 : vector<8x128xi32>
    %gt3A = arith.cmpf ogt, %get3A_6, %broadcast_in_dim3A_0 : vector<8x128xf32>
    %gt3A_9 = arith.cmpf ogt, %get3A_6, %broadcast_in_dim3A_0 : vector<8x128xf32>
    %gt3A_10 = arith.cmpf ogt, %get3A_6, %broadcast_in_dim3A_0 : vector<8x128xf32>
    %min3A = arith.minimumf %broadcast_in_dim3A_0, %get3A_6 : vector<8x128xf32>
    %max3A = arith.maximumf %broadcast_in_dim3A_0, %get3A_6 : vector<8x128xf32>
    %min3A_11 = arith.minimumf %broadcast_in_dim3A_0, %min3A : vector<8x128xf32>
    %max3A_12 = arith.maximumf %broadcast_in_dim3A_0, %min3A : vector<8x128xf32>
    %max3A_13 = arith.maximumf %broadcast_in_dim3A_0, %min3A_11 : vector<8x128xf32>
    %select_n3A = arith.select %gt3A, %add3A_8, %broadcast_in_dim3A_2 : vector<8x128xi1>, vector<8x128xi32>
    %select_n3A_14 = arith.select %gt3A_9, %add3A_8, %broadcast_in_dim3A_2 : vector<8x128xi1>, vector<8x128xi32>
    %select_n3A_15 = arith.select %gt3A, %broadcast_in_dim3A_2, %select_n3A_14 : vector<8x128xi1>, vector<8x128xi32>
    %select_n3A_16 = arith.select %gt3A_10, %add3A_8, %broadcast_in_dim3A_2 : vector<8x128xi1>, vector<8x128xi32>
    %select_n3A_17 = arith.select %gt3A_9, %broadcast_in_dim3A_2, %select_n3A_16 : vector<8x128xi1>, vector<8x128xi32>
    %get3A_18 = arith.constant 0 : index
    %get3A_19 = arith.constant 2048 : index
    %get3A_20 = vector.load %arg1[%get3A_18, %get3A_19] : memref<8x8192xf32, #tpu.memory_space<vmem>>, vector<8x128xf32>
    %add3A_21 = arith.constant 2048 : i32
    %add3A_22 = vector.broadcast %add3A_21 : i32 to vector<8x128xi32>
    %add3A_23 = arith.addi %iota3A, %add3A_22 : vector<8x128xi32>
    %gt3A_24 = arith.cmpf ogt, %get3A_20, %broadcast_in_dim3A_0 : vector<8x128xf32>
    %gt3A_25 = arith.cmpf ogt, %get3A_20, %broadcast_in_dim3A_0 : vector<8x128xf32>
    %gt3A_26 = arith.cmpf ogt, %get3A_20, %broadcast_in_dim3A_0 : vector<8x128xf32>
    %min3A_27 = arith.minimumf %broadcast_in_dim3A_0, %get3A_20 : vector<8x128xf32>
    %max3A_28 = arith.maximumf %broadcast_in_dim3A_0, %get3A_20 : vector<8x128xf32>
    %min3A_29 = arith.minimumf %broadcast_in_dim3A_0, %min3A_27 : vector<8x128xf32>
    %max3A_30 = arith.maximumf %broadcast_in_dim3A_0, %min3A_27 : vector<8x128xf32>
    %max3A_31 = arith.maximumf %broadcast_in_dim3A_0, %min3A_29 : vector<8x128xf32>
    %select_n3A_32 = arith.select %gt3A_24, %add3A_23, %broadcast_in_dim3A_2 : vector<8x128xi1>, vector<8x128xi32>
    %select_n3A_33 = arith.select %gt3A_25, %add3A_23, %broadcast_in_dim3A_2 : vector<8x128xi1>, vector<8x128xi32>
    %select_n3A_34 = arith.select %gt3A_24, %broadcast_in_dim3A_2, %select_n3A_33 : vector<8x128xi1>, vector<8x128xi32>
    %select_n3A_35 = arith.select %gt3A_26, %add3A_23, %broadcast_in_dim3A_2 : vector<8x128xi1>, vector<8x128xi32>
    %select_n3A_36 = arith.select %gt3A_25, %broadcast_in_dim3A_2, %select_n3A_35 : vector<8x128xi1>, vector<8x128xi32>
    %get3A_37 = arith.constant 0 : index
    %get3A_38 = arith.constant 4096 : index
    %get3A_39 = vector.load %arg1[%get3A_37, %get3A_38] : memref<8x8192xf32, #tpu.memory_space<vmem>>, vector<8x128xf32>
    %add3A_40 = arith.constant 4096 : i32
    %add3A_41 = vector.broadcast %add3A_40 : i32 to vector<8x128xi32>
    %add3A_42 = arith.addi %iota3A, %add3A_41 : vector<8x128xi32>
    %gt3A_43 = arith.cmpf ogt, %get3A_39, %broadcast_in_dim3A_0 : vector<8x128xf32>
    %gt3A_44 = arith.cmpf ogt, %get3A_39, %broadcast_in_dim3A_0 : vector<8x128xf32>
    %gt3A_45 = arith.cmpf ogt, %get3A_39, %broadcast_in_dim3A_0 : vector<8x128xf32>
    %min3A_46 = arith.minimumf %broadcast_in_dim3A_0, %get3A_39 : vector<8x128xf32>
    %max3A_47 = arith.maximumf %broadcast_in_dim3A_0, %get3A_39 : vector<8x128xf32>
    %min3A_48 = arith.minimumf %broadcast_in_dim3A_0, %min3A_46 : vector<8x128xf32>
    %max3A_49 = arith.maximumf %broadcast_in_dim3A_0, %min3A_46 : vector<8x128xf32>
    %max3A_50 = arith.maximumf %broadcast_in_dim3A_0, %min3A_48 : vector<8x128xf32>
    %select_n3A_51 = arith.select %gt3A_43, %add3A_42, %broadcast_in_dim3A_2 : vector<8x128xi1>, vector<8x128xi32>
    %select_n3A_52 = arith.select %gt3A_44, %add3A_42, %broadcast_in_dim3A_2 : vector<8x128xi1>, vector<8x128xi32>
    %select_n3A_53 = arith.select %gt3A_43, %broadcast_in_dim3A_2, %select_n3A_52 : vector<8x128xi1>, vector<8x128xi32>
    %select_n3A_54 = arith.select %gt3A_45, %add3A_42, %broadcast_in_dim3A_2 : vector<8x128xi1>, vector<8x128xi32>
    %select_n3A_55 = arith.select %gt3A_44, %broadcast_in_dim3A_2, %select_n3A_54 : vector<8x128xi1>, vector<8x128xi32>
    %get3A_56 = arith.constant 0 : index
    %get3A_57 = arith.constant 6144 : index
    %get3A_58 = vector.load %arg1[%get3A_56, %get3A_57] : memref<8x8192xf32, #tpu.memory_space<vmem>>, vector<8x128xf32>
    %add3A_59 = arith.constant 6144 : i32
    %add3A_60 = vector.broadcast %add3A_59 : i32 to vector<8x128xi32>
    %add3A_61 = arith.addi %iota3A, %add3A_60 : vector<8x128xi32>
    %gt3A_62 = arith.cmpf ogt, %get3A_58, %broadcast_in_dim3A_0 : vector<8x128xf32>
    %gt3A_63 = arith.cmpf ogt, %get3A_58, %broadcast_in_dim3A_0 : vector<8x128xf32>
    %gt3A_64 = arith.cmpf ogt, %get3A_58, %broadcast_in_dim3A_0 : vector<8x128xf32>
    %min3A_65 = arith.minimumf %broadcast_in_dim3A_0, %get3A_58 : vector<8x128xf32>
    %max3A_66 = arith.maximumf %broadcast_in_dim3A_0, %get3A_58 : vector<8x128xf32>
    %min3A_67 = arith.minimumf %broadcast_in_dim3A_0, %min3A_65 : vector<8x128xf32>
    %max3A_68 = arith.maximumf %broadcast_in_dim3A_0, %min3A_65 : vector<8x128xf32>
    %max3A_69 = arith.maximumf %broadcast_in_dim3A_0, %min3A_67 : vector<8x128xf32>
    %select_n3A_70 = arith.select %gt3A_62, %add3A_61, %broadcast_in_dim3A_2 : vector<8x128xi1>, vector<8x128xi32>
    %select_n3A_71 = arith.select %gt3A_63, %add3A_61, %broadcast_in_dim3A_2 : vector<8x128xi1>, vector<8x128xi32>
    %select_n3A_72 = arith.select %gt3A_62, %broadcast_in_dim3A_2, %select_n3A_71 : vector<8x128xi1>, vector<8x128xi32>
    %select_n3A_73 = arith.select %gt3A_64, %add3A_61, %broadcast_in_dim3A_2 : vector<8x128xi1>, vector<8x128xi32>
    %select_n3A_74 = arith.select %gt3A_63, %broadcast_in_dim3A_2, %select_n3A_73 : vector<8x128xi1>, vector<8x128xi32>
    %get3A_75 = arith.constant 0 : index
    %get3A_76 = arith.constant 128 : index
    %get3A_77 = vector.load %arg1[%get3A_75, %get3A_76] : memref<8x8192xf32, #tpu.memory_space<vmem>>, vector<8x128xf32>
    %add3A_78 = arith.constant 128 : i32
    %add3A_79 = vector.broadcast %add3A_78 : i32 to vector<8x128xi32>
    %add3A_80 = arith.addi %iota3A, %add3A_79 : vector<8x128xi32>
    %gt3A_81 = arith.cmpf ogt, %get3A_77, %max3A : vector<8x128xf32>
    %gt3A_82 = arith.cmpf ogt, %get3A_77, %max3A_12 : vector<8x128xf32>
    %gt3A_83 = arith.cmpf ogt, %get3A_77, %max3A_13 : vector<8x128xf32>
    %min3A_84 = arith.minimumf %max3A, %get3A_77 : vector<8x128xf32>
    %max3A_85 = arith.maximumf %max3A, %get3A_77 : vector<8x128xf32>
    %min3A_86 = arith.minimumf %max3A_12, %min3A_84 : vector<8x128xf32>
    %max3A_87 = arith.maximumf %max3A_12, %min3A_84 : vector<8x128xf32>
    %max3A_88 = arith.maximumf %max3A_13, %min3A_86 : vector<8x128xf32>
    %select_n3A_89 = arith.select %gt3A_81, %add3A_80, %select_n3A : vector<8x128xi1>, vector<8x128xi32>
    %select_n3A_90 = arith.select %gt3A_82, %add3A_80, %select_n3A_15 : vector<8x128xi1>, vector<8x128xi32>
    %select_n3A_91 = arith.select %gt3A_81, %select_n3A, %select_n3A_90 : vector<8x128xi1>, vector<8x128xi32>
    %select_n3A_92 = arith.select %gt3A_83, %add3A_80, %select_n3A_17 : vector<8x128xi1>, vector<8x128xi32>
    %select_n3A_93 = arith.select %gt3A_82, %select_n3A_15, %select_n3A_92 : vector<8x128xi1>, vector<8x128xi32>
    %get3A_94 = arith.constant 0 : index
    %get3A_95 = arith.constant 2176 : index
    %get3A_96 = vector.load %arg1[%get3A_94, %get3A_95] : memref<8x8192xf32, #tpu.memory_space<vmem>>, vector<8x128xf32>
    %add3A_97 = arith.constant 2176 : i32
    %add3A_98 = vector.broadcast %add3A_97 : i32 to vector<8x128xi32>
    %add3A_99 = arith.addi %iota3A, %add3A_98 : vector<8x128xi32>
    %gt3A_100 = arith.cmpf ogt, %get3A_96, %max3A_28 : vector<8x128xf32>
    %gt3A_101 = arith.cmpf ogt, %get3A_96, %max3A_30 : vector<8x128xf32>
    %gt3A_102 = arith.cmpf ogt, %get3A_96, %max3A_31 : vector<8x128xf32>
    %min3A_103 = arith.minimumf %max3A_28, %get3A_96 : vector<8x128xf32>
    %max3A_104 = arith.maximumf %max3A_28, %get3A_96 : vector<8x128xf32>
    %min3A_105 = arith.minimumf %max3A_30, %min3A_103 : vector<8x128xf32>
    %max3A_106 = arith.maximumf %max3A_30, %min3A_103 : vector<8x128xf32>
    %max3A_107 = arith.maximumf %max3A_31, %min3A_105 : vector<8x128xf32>
    %select_n3A_108 = arith.select %gt3A_100, %add3A_99, %select_n3A_32 : vector<8x128xi1>, vector<8x128xi32>
    %select_n3A_109 = arith.select %gt3A_101, %add3A_99, %select_n3A_34 : vector<8x128xi1>, vector<8x128xi32>
    %select_n3A_110 = arith.select %gt3A_100, %select_n3A_32, %select_n3A_109 : vector<8x128xi1>, vector<8x128xi32>
    %select_n3A_111 = arith.select %gt3A_102, %add3A_99, %select_n3A_36 : vector<8x128xi1>, vector<8x128xi32>
    %select_n3A_112 = arith.select %gt3A_101, %select_n3A_34, %select_n3A_111 : vector<8x128xi1>, vector<8x128xi32>
    %get3A_113 = arith.constant 0 : index
    %get3A_114 = arith.constant 4224 : index
    %get3A_115 = vector.load %arg1[%get3A_113, %get3A_114] : memref<8x8192xf32, #tpu.memory_space<vmem>>, vector<8x128xf32>
    %add3A_116 = arith.constant 4224 : i32
    %add3A_117 = vector.broadcast %add3A_116 : i32 to vector<8x128xi32>
    %add3A_118 = arith.addi %iota3A, %add3A_117 : vector<8x128xi32>
    %gt3A_119 = arith.cmpf ogt, %get3A_115, %max3A_47 : vector<8x128xf32>
    %gt3A_120 = arith.cmpf ogt, %get3A_115, %max3A_49 : vector<8x128xf32>
    %gt3A_121 = arith.cmpf ogt, %get3A_115, %max3A_50 : vector<8x128xf32>
    %min3A_122 = arith.minimumf %max3A_47, %get3A_115 : vector<8x128xf32>
    %max3A_123 = arith.maximumf %max3A_47, %get3A_115 : vector<8x128xf32>
    %min3A_124 = arith.minimumf %max3A_49, %min3A_122 : vector<8x128xf32>
    %max3A_125 = arith.maximumf %max3A_49, %min3A_122 : vector<8x128xf32>
    %max3A_126 = arith.maximumf %max3A_50, %min3A_124 : vector<8x128xf32>
    %select_n3A_127 = arith.select %gt3A_119, %add3A_118, %select_n3A_51 : vector<8x128xi1>, vector<8x128xi32>
    %select_n3A_128 = arith.select %gt3A_120, %add3A_118, %select_n3A_53 : vector<8x128xi1>, vector<8x128xi32>
    %select_n3A_129 = arith.select %gt3A_119, %select_n3A_51, %select_n3A_128 : vector<8x128xi1>, vector<8x128xi32>
    %select_n3A_130 = arith.select %gt3A_121, %add3A_118, %select_n3A_55 : vector<8x128xi1>, vector<8x128xi32>
    %select_n3A_131 = arith.select %gt3A_120, %select_n3A_53, %select_n3A_130 : vector<8x128xi1>, vector<8x128xi32>
    %get3A_132 = arith.constant 0 : index
    %get3A_133 = arith.constant 6272 : index
    %get3A_134 = vector.load %arg1[%get3A_132, %get3A_133] : memref<8x8192xf32, #tpu.memory_space<vmem>>, vector<8x128xf32>
    %add3A_135 = arith.constant 6272 : i32
    %add3A_136 = vector.broadcast %add3A_135 : i32 to vector<8x128xi32>
    %add3A_137 = arith.addi %iota3A, %add3A_136 : vector<8x128xi32>
    %gt3A_138 = arith.cmpf ogt, %get3A_134, %max3A_66 : vector<8x128xf32>
    %gt3A_139 = arith.cmpf ogt, %get3A_134, %max3A_68 : vector<8x128xf32>
    %gt3A_140 = arith.cmpf ogt, %get3A_134, %max3A_69 : vector<8x128xf32>
    %min3A_141 = arith.minimumf %max3A_66, %get3A_134 : vector<8x128xf32>
    %max3A_142 = arith.maximumf %max3A_66, %get3A_134 : vector<8x128xf32>
    %min3A_143 = arith.minimumf %max3A_68, %min3A_141 : vector<8x128xf32>
    %max3A_144 = arith.maximumf %max3A_68, %min3A_141 : vector<8x128xf32>
    %max3A_145 = arith.maximumf %max3A_69, %min3A_143 : vector<8x128xf32>
    %select_n3A_146 = arith.select %gt3A_138, %add3A_137, %select_n3A_70 : vector<8x128xi1>, vector<8x128xi32>
    %select_n3A_147 = arith.select %gt3A_139, %add3A_137, %select_n3A_72 : vector<8x128xi1>, vector<8x128xi32>
    %select_n3A_148 = arith.select %gt3A_138, %select_n3A_70, %select_n3A_147 : vector<8x128xi1>, vector<8x128xi32>
    %select_n3A_149 = arith.select %gt3A_140, %add3A_137, %select_n3A_74 : vector<8x128xi1>, vector<8x128xi32>
    %select_n3A_150 = arith.select %gt3A_139, %select_n3A_72, %select_n3A_149 : vector<8x128xi1>, vector<8x128xi32>
    %get3A_151 = arith.constant 0 : index
    %get3A_152 = arith.constant 256 : index
    %get3A_153 = vector.load %arg1[%get3A_151, %get3A_152] : memref<8x8192xf32, #tpu.memory_space<vmem>>, vector<8x128xf32>
    %add3A_154 = arith.constant 256 : i32
    %add3A_155 = vector.broadcast %add3A_154 : i32 to vector<8x128xi32>
    %add3A_156 = arith.addi %iota3A, %add3A_155 : vector<8x128xi32>
    %gt3A_157 = arith.cmpf ogt, %get3A_153, %max3A_85 : vector<8x128xf32>
    %gt3A_158 = arith.cmpf ogt, %get3A_153, %max3A_87 : vector<8x128xf32>
    %gt3A_159 = arith.cmpf ogt, %get3A_153, %max3A_88 : vector<8x128xf32>
    %min3A_160 = arith.minimumf %max3A_85, %get3A_153 : vector<8x128xf32>
    %max3A_161 = arith.maximumf %max3A_85, %get3A_153 : vector<8x128xf32>
    %min3A_162 = arith.minimumf %max3A_87, %min3A_160 : vector<8x128xf32>
    %max3A_163 = arith.maximumf %max3A_87, %min3A_160 : vector<8x128xf32>
    %max3A_164 = arith.maximumf %max3A_88, %min3A_162 : vector<8x128xf32>
    %select_n3A_165 = arith.select %gt3A_157, %add3A_156, %select_n3A_89 : vector<8x128xi1>, vector<8x128xi32>
    %select_n3A_166 = arith.select %gt3A_158, %add3A_156, %select_n3A_91 : vector<8x128xi1>, vector<8x128xi32>
    %select_n3A_167 = arith.select %gt3A_157, %select_n3A_89, %select_n3A_166 : vector<8x128xi1>, vector<8x128xi32>
    %select_n3A_168 = arith.select %gt3A_159, %add3A_156, %select_n3A_93 : vector<8x128xi1>, vector<8x128xi32>
    %select_n3A_169 = arith.select %gt3A_158, %select_n3A_91, %select_n3A_168 : vector<8x128xi1>, vector<8x128xi32>
    %get3A_170 = arith.constant 0 : index
    %get3A_171 = arith.constant 2304 : index
    %get3A_172 = vector.load %arg1[%get3A_170, %get3A_171] : memref<8x8192xf32, #tpu.memory_space<vmem>>, vector<8x128xf32>
    %add3A_173 = arith.constant 2304 : i32
    %add3A_174 = vector.broadcast %add3A_173 : i32 to vector<8x128xi32>
    %add3A_175 = arith.addi %iota3A, %add3A_174 : vector<8x128xi32>
    %gt3A_176 = arith.cmpf ogt, %get3A_172, %max3A_104 : vector<8x128xf32>
    %gt3A_177 = arith.cmpf ogt, %get3A_172, %max3A_106 : vector<8x128xf32>
    %gt3A_178 = arith.cmpf ogt, %get3A_172, %max3A_107 : vector<8x128xf32>
    %min3A_179 = arith.minimumf %max3A_104, %get3A_172 : vector<8x128xf32>
    %max3A_180 = arith.maximumf %max3A_104, %get3A_172 : vector<8x128xf32>
    %min3A_181 = arith.minimumf %max3A_106, %min3A_179 : vector<8x128xf32>
    %max3A_182 = arith.maximumf %max3A_106, %min3A_179 : vector<8x128xf32>
    %max3A_183 = arith.maximumf %max3A_107, %min3A_181 : vector<8x128xf32>
    %select_n3A_184 = arith.select %gt3A_176, %add3A_175, %select_n3A_108 : vector<8x128xi1>, vector<8x128xi32>
    %select_n3A_185 = arith.select %gt3A_177, %add3A_175, %select_n3A_110 : vector<8x128xi1>, vector<8x128xi32>
    %select_n3A_186 = arith.select %gt3A_176, %select_n3A_108, %select_n3A_185 : vector<8x128xi1>, vector<8x128xi32>
    %select_n3A_187 = arith.select %gt3A_178, %add3A_175, %select_n3A_112 : vector<8x128xi1>, vector<8x128xi32>
    %select_n3A_188 = arith.select %gt3A_177, %select_n3A_110, %select_n3A_187 : vector<8x128xi1>, vector<8x128xi32>
    %get3A_189 = arith.constant 0 : index
    %get3A_190 = arith.constant 4352 : index
    %get3A_191 = vector.load %arg1[%get3A_189, %get3A_190] : memref<8x8192xf32, #tpu.memory_space<vmem>>, vector<8x128xf32>
    %add3A_192 = arith.constant 4352 : i32
    %add3A_193 = vector.broadcast %add3A_192 : i32 to vector<8x128xi32>
    %add3A_194 = arith.addi %iota3A, %add3A_193 : vector<8x128xi32>
    %gt3A_195 = arith.cmpf ogt, %get3A_191, %max3A_123 : vector<8x128xf32>
    %gt3A_196 = arith.cmpf ogt, %get3A_191, %max3A_125 : vector<8x128xf32>
    %gt3A_197 = arith.cmpf ogt, %get3A_191, %max3A_126 : vector<8x128xf32>
    %min3A_198 = arith.minimumf %max3A_123, %get3A_191 : vector<8x128xf32>
    %max3A_199 = arith.maximumf %max3A_123, %get3A_191 : vector<8x128xf32>
    %min3A_200 = arith.minimumf %max3A_125, %min3A_198 : vector<8x128xf32>
    %max3A_201 = arith.maximumf %max3A_125, %min3A_198 : vector<8x128xf32>
    %max3A_202 = arith.maximumf %max3A_126, %min3A_200 : vector<8x128xf32>
    %select_n3A_203 = arith.select %gt3A_195, %add3A_194, %select_n3A_127 : vector<8x128xi1>, vector<8x128xi32>
    %select_n3A_204 = arith.select %gt3A_196, %add3A_194, %select_n3A_129 : vector<8x128xi1>, vector<8x128xi32>
    %select_n3A_205 = arith.select %gt3A_195, %select_n3A_127, %select_n3A_204 : vector<8x128xi1>, vector<8x128xi32>
    %select_n3A_206 = arith.select %gt3A_197, %add3A_194, %select_n3A_131 : vector<8x128xi1>, vector<8x128xi32>
    %select_n3A_207 = arith.select %gt3A_196, %select_n3A_129, %select_n3A_206 : vector<8x128xi1>, vector<8x128xi32>
    %get3A_208 = arith.constant 0 : index
    %get3A_209 = arith.constant 6400 : index
    %get3A_210 = vector.load %arg1[%get3A_208, %get3A_209] : memref<8x8192xf32, #tpu.memory_space<vmem>>, vector<8x128xf32>
    %add3A_211 = arith.constant 6400 : i32
    %add3A_212 = vector.broadcast %add3A_211 : i32 to vector<8x128xi32>
    %add3A_213 = arith.addi %iota3A, %add3A_212 : vector<8x128xi32>
    %gt3A_214 = arith.cmpf ogt, %get3A_210, %max3A_142 : vector<8x128xf32>
    %gt3A_215 = arith.cmpf ogt, %get3A_210, %max3A_144 : vector<8x128xf32>
    %gt3A_216 = arith.cmpf ogt, %get3A_210, %max3A_145 : vector<8x128xf32>
    %min3A_217 = arith.minimumf %max3A_142, %get3A_210 : vector<8x128xf32>
    %max3A_218 = arith.maximumf %max3A_142, %get3A_210 : vector<8x128xf32>
    %min3A_219 = arith.minimumf %max3A_144, %min3A_217 : vector<8x128xf32>
    %max3A_220 = arith.maximumf %max3A_144, %min3A_217 : vector<8x128xf32>
    %max3A_221 = arith.maximumf %max3A_145, %min3A_219 : vector<8x128xf32>
    %select_n3A_222 = arith.select %gt3A_214, %add3A_213, %select_n3A_146 : vector<8x128xi1>, vector<8x128xi32>
    %select_n3A_223 = arith.select %gt3A_215, %add3A_213, %select_n3A_148 : vector<8x128xi1>, vector<8x128xi32>
    %select_n3A_224 = arith.select %gt3A_214, %select_n3A_146, %select_n3A_223 : vector<8x128xi1>, vector<8x128xi32>
    %select_n3A_225 = arith.select %gt3A_216, %add3A_213, %select_n3A_150 : vector<8x128xi1>, vector<8x128xi32>
    %select_n3A_226 = arith.select %gt3A_215, %select_n3A_148, %select_n3A_225 : vector<8x128xi1>, vector<8x128xi32>
    %get3A_227 = arith.constant 0 : index
    %get3A_228 = arith.constant 384 : index
    %get3A_229 = vector.load %arg1[%get3A_227, %get3A_228] : memref<8x8192xf32, #tpu.memory_space<vmem>>, vector<8x128xf32>
    %add3A_230 = arith.constant 384 : i32
    %add3A_231 = vector.broadcast %add3A_230 : i32 to vector<8x128xi32>
    %add3A_232 = arith.addi %iota3A, %add3A_231 : vector<8x128xi32>
    %gt3A_233 = arith.cmpf ogt, %get3A_229, %max3A_161 : vector<8x128xf32>
    %gt3A_234 = arith.cmpf ogt, %get3A_229, %max3A_163 : vector<8x128xf32>
    %gt3A_235 = arith.cmpf ogt, %get3A_229, %max3A_164 : vector<8x128xf32>
    %min3A_236 = arith.minimumf %max3A_161, %get3A_229 : vector<8x128xf32>
    %max3A_237 = arith.maximumf %max3A_161, %get3A_229 : vector<8x128xf32>
    %min3A_238 = arith.minimumf %max3A_163, %min3A_236 : vector<8x128xf32>
    %max3A_239 = arith.maximumf %max3A_163, %min3A_236 : vector<8x128xf32>
    %max3A_240 = arith.maximumf %max3A_164, %min3A_238 : vector<8x128xf32>
    %select_n3A_241 = arith.select %gt3A_233, %add3A_232, %select_n3A_165 : vector<8x128xi1>, vector<8x128xi32>
    %select_n3A_242 = arith.select %gt3A_234, %add3A_232, %select_n3A_167 : vector<8x128xi1>, vector<8x128xi32>
    %select_n3A_243 = arith.select %gt3A_233, %select_n3A_165, %select_n3A_242 : vector<8x128xi1>, vector<8x128xi32>
    %select_n3A_244 = arith.select %gt3A_235, %add3A_232, %select_n3A_169 : vector<8x128xi1>, vector<8x128xi32>
    %select_n3A_245 = arith.select %gt3A_234, %select_n3A_167, %select_n3A_244 : vector<8x128xi1>, vector<8x128xi32>
    %get3A_246 = arith.constant 0 : index
    %get3A_247 = arith.constant 2432 : index
    %get3A_248 = vector.load %arg1[%get3A_246, %get3A_247] : memref<8x8192xf32, #tpu.memory_space<vmem>>, vector<8x128xf32>
    %add3A_249 = arith.constant 2432 : i32
    %add3A_250 = vector.broadcast %add3A_249 : i32 to vector<8x128xi32>
    %add3A_251 = arith.addi %iota3A, %add3A_250 : vector<8x128xi32>
    %gt3A_252 = arith.cmpf ogt, %get3A_248, %max3A_180 : vector<8x128xf32>
    %gt3A_253 = arith.cmpf ogt, %get3A_248, %max3A_182 : vector<8x128xf32>
    %gt3A_254 = arith.cmpf ogt, %get3A_248, %max3A_183 : vector<8x128xf32>
    %min3A_255 = arith.minimumf %max3A_180, %get3A_248 : vector<8x128xf32>
    %max3A_256 = arith.maximumf %max3A_180, %get3A_248 : vector<8x128xf32>
    %min3A_257 = arith.minimumf %max3A_182, %min3A_255 : vector<8x128xf32>
    %max3A_258 = arith.maximumf %max3A_182, %min3A_255 : vector<8x128xf32>
    %max3A_259 = arith.maximumf %max3A_183, %min3A_257 : vector<8x128xf32>
    %select_n3A_260 = arith.select %gt3A_252, %add3A_251, %select_n3A_184 : vector<8x128xi1>, vector<8x128xi32>
    %select_n3A_261 = arith.select %gt3A_253, %add3A_251, %select_n3A_186 : vector<8x128xi1>, vector<8x128xi32>
    %select_n3A_262 = arith.select %gt3A_252, %select_n3A_184, %select_n3A_261 : vector<8x128xi1>, vector<8x128xi32>
    %select_n3A_263 = arith.select %gt3A_254, %add3A_251, %select_n3A_188 : vector<8x128xi1>, vector<8x128xi32>
    %select_n3A_264 = arith.select %gt3A_253, %select_n3A_186, %select_n3A_263 : vector<8x128xi1>, vector<8x128xi32>
    %get3A_265 = arith.constant 0 : index
    %get3A_266 = arith.constant 4480 : index
    %get3A_267 = vector.load %arg1[%get3A_265, %get3A_266] : memref<8x8192xf32, #tpu.memory_space<vmem>>, vector<8x128xf32>
    %add3A_268 = arith.constant 4480 : i32
    %add3A_269 = vector.broadcast %add3A_268 : i32 to vector<8x128xi32>
    %add3A_270 = arith.addi %iota3A, %add3A_269 : vector<8x128xi32>
    %gt3A_271 = arith.cmpf ogt, %get3A_267, %max3A_199 : vector<8x128xf32>
    %gt3A_272 = arith.cmpf ogt, %get3A_267, %max3A_201 : vector<8x128xf32>
    %gt3A_273 = arith.cmpf ogt, %get3A_267, %max3A_202 : vector<8x128xf32>
    %min3A_274 = arith.minimumf %max3A_199, %get3A_267 : vector<8x128xf32>
    %max3A_275 = arith.maximumf %max3A_199, %get3A_267 : vector<8x128xf32>
    %min3A_276 = arith.minimumf %max3A_201, %min3A_274 : vector<8x128xf32>
    %max3A_277 = arith.maximumf %max3A_201, %min3A_274 : vector<8x128xf32>
    %max3A_278 = arith.maximumf %max3A_202, %min3A_276 : vector<8x128xf32>
    %select_n3A_279 = arith.select %gt3A_271, %add3A_270, %select_n3A_203 : vector<8x128xi1>, vector<8x128xi32>
    %select_n3A_280 = arith.select %gt3A_272, %add3A_270, %select_n3A_205 : vector<8x128xi1>, vector<8x128xi32>
    %select_n3A_281 = arith.select %gt3A_271, %select_n3A_203, %select_n3A_280 : vector<8x128xi1>, vector<8x128xi32>
    %select_n3A_282 = arith.select %gt3A_273, %add3A_270, %select_n3A_207 : vector<8x128xi1>, vector<8x128xi32>
    %select_n3A_283 = arith.select %gt3A_272, %select_n3A_205, %select_n3A_282 : vector<8x128xi1>, vector<8x128xi32>
    %get3A_284 = arith.constant 0 : index
    %get3A_285 = arith.constant 6528 : index
    %get3A_286 = vector.load %arg1[%get3A_284, %get3A_285] : memref<8x8192xf32, #tpu.memory_space<vmem>>, vector<8x128xf32>
    %add3A_287 = arith.constant 6528 : i32
    %add3A_288 = vector.broadcast %add3A_287 : i32 to vector<8x128xi32>
    %add3A_289 = arith.addi %iota3A, %add3A_288 : vector<8x128xi32>
    %gt3A_290 = arith.cmpf ogt, %get3A_286, %max3A_218 : vector<8x128xf32>
    %gt3A_291 = arith.cmpf ogt, %get3A_286, %max3A_220 : vector<8x128xf32>
    %gt3A_292 = arith.cmpf ogt, %get3A_286, %max3A_221 : vector<8x128xf32>
    %min3A_293 = arith.minimumf %max3A_218, %get3A_286 : vector<8x128xf32>
    %max3A_294 = arith.maximumf %max3A_218, %get3A_286 : vector<8x128xf32>
    %min3A_295 = arith.minimumf %max3A_220, %min3A_293 : vector<8x128xf32>
    %max3A_296 = arith.maximumf %max3A_220, %min3A_293 : vector<8x128xf32>
    %max3A_297 = arith.maximumf %max3A_221, %min3A_295 : vector<8x128xf32>
    %select_n3A_298 = arith.select %gt3A_290, %add3A_289, %select_n3A_222 : vector<8x128xi1>, vector<8x128xi32>
    %select_n3A_299 = arith.select %gt3A_291, %add3A_289, %select_n3A_224 : vector<8x128xi1>, vector<8x128xi32>
    %select_n3A_300 = arith.select %gt3A_290, %select_n3A_222, %select_n3A_299 : vector<8x128xi1>, vector<8x128xi32>
    %select_n3A_301 = arith.select %gt3A_292, %add3A_289, %select_n3A_226 : vector<8x128xi1>, vector<8x128xi32>
    %select_n3A_302 = arith.select %gt3A_291, %select_n3A_224, %select_n3A_301 : vector<8x128xi1>, vector<8x128xi32>
    %get3A_303 = arith.constant 0 : index
    %get3A_304 = arith.constant 512 : index
    %get3A_305 = vector.load %arg1[%get3A_303, %get3A_304] : memref<8x8192xf32, #tpu.memory_space<vmem>>, vector<8x128xf32>
    %add3A_306 = arith.constant 512 : i32
    %add3A_307 = vector.broadcast %add3A_306 : i32 to vector<8x128xi32>
    %add3A_308 = arith.addi %iota3A, %add3A_307 : vector<8x128xi32>
    %gt3A_309 = arith.cmpf ogt, %get3A_305, %max3A_237 : vector<8x128xf32>
    %gt3A_310 = arith.cmpf ogt, %get3A_305, %max3A_239 : vector<8x128xf32>
    %gt3A_311 = arith.cmpf ogt, %get3A_305, %max3A_240 : vector<8x128xf32>
    %min3A_312 = arith.minimumf %max3A_237, %get3A_305 : vector<8x128xf32>
    %max3A_313 = arith.maximumf %max3A_237, %get3A_305 : vector<8x128xf32>
    %min3A_314 = arith.minimumf %max3A_239, %min3A_312 : vector<8x128xf32>
    %max3A_315 = arith.maximumf %max3A_239, %min3A_312 : vector<8x128xf32>
    %max3A_316 = arith.maximumf %max3A_240, %min3A_314 : vector<8x128xf32>
    %select_n3A_317 = arith.select %gt3A_309, %add3A_308, %select_n3A_241 : vector<8x128xi1>, vector<8x128xi32>
    %select_n3A_318 = arith.select %gt3A_310, %add3A_308, %select_n3A_243 : vector<8x128xi1>, vector<8x128xi32>
    %select_n3A_319 = arith.select %gt3A_309, %select_n3A_241, %select_n3A_318 : vector<8x128xi1>, vector<8x128xi32>
    %select_n3A_320 = arith.select %gt3A_311, %add3A_308, %select_n3A_245 : vector<8x128xi1>, vector<8x128xi32>
    %select_n3A_321 = arith.select %gt3A_310, %select_n3A_243, %select_n3A_320 : vector<8x128xi1>, vector<8x128xi32>
    %get3A_322 = arith.constant 0 : index
    %get3A_323 = arith.constant 2560 : index
    %get3A_324 = vector.load %arg1[%get3A_322, %get3A_323] : memref<8x8192xf32, #tpu.memory_space<vmem>>, vector<8x128xf32>
    %add3A_325 = arith.constant 2560 : i32
    %add3A_326 = vector.broadcast %add3A_325 : i32 to vector<8x128xi32>
    %add3A_327 = arith.addi %iota3A, %add3A_326 : vector<8x128xi32>
    %gt3A_328 = arith.cmpf ogt, %get3A_324, %max3A_256 : vector<8x128xf32>
    %gt3A_329 = arith.cmpf ogt, %get3A_324, %max3A_258 : vector<8x128xf32>
    %gt3A_330 = arith.cmpf ogt, %get3A_324, %max3A_259 : vector<8x128xf32>
    %min3A_331 = arith.minimumf %max3A_256, %get3A_324 : vector<8x128xf32>
    %max3A_332 = arith.maximumf %max3A_256, %get3A_324 : vector<8x128xf32>
    %min3A_333 = arith.minimumf %max3A_258, %min3A_331 : vector<8x128xf32>
    %max3A_334 = arith.maximumf %max3A_258, %min3A_331 : vector<8x128xf32>
    %max3A_335 = arith.maximumf %max3A_259, %min3A_333 : vector<8x128xf32>
    %select_n3A_336 = arith.select %gt3A_328, %add3A_327, %select_n3A_260 : vector<8x128xi1>, vector<8x128xi32>
    %select_n3A_337 = arith.select %gt3A_329, %add3A_327, %select_n3A_262 : vector<8x128xi1>, vector<8x128xi32>
    %select_n3A_338 = arith.select %gt3A_328, %select_n3A_260, %select_n3A_337 : vector<8x128xi1>, vector<8x128xi32>
    %select_n3A_339 = arith.select %gt3A_330, %add3A_327, %select_n3A_264 : vector<8x128xi1>, vector<8x128xi32>
    %select_n3A_340 = arith.select %gt3A_329, %select_n3A_262, %select_n3A_339 : vector<8x128xi1>, vector<8x128xi32>
    %get3A_341 = arith.constant 0 : index
    %get3A_342 = arith.constant 4608 : index
    %get3A_343 = vector.load %arg1[%get3A_341, %get3A_342] : memref<8x8192xf32, #tpu.memory_space<vmem>>, vector<8x128xf32>
    %add3A_344 = arith.constant 4608 : i32
    %add3A_345 = vector.broadcast %add3A_344 : i32 to vector<8x128xi32>
    %add3A_346 = arith.addi %iota3A, %add3A_345 : vector<8x128xi32>
    %gt3A_347 = arith.cmpf ogt, %get3A_343, %max3A_275 : vector<8x128xf32>
    %gt3A_348 = arith.cmpf ogt, %get3A_343, %max3A_277 : vector<8x128xf32>
    %gt3A_349 = arith.cmpf ogt, %get3A_343, %max3A_278 : vector<8x128xf32>
    %min3A_350 = arith.minimumf %max3A_275, %get3A_343 : vector<8x128xf32>
    %max3A_351 = arith.maximumf %max3A_275, %get3A_343 : vector<8x128xf32>
    %min3A_352 = arith.minimumf %max3A_277, %min3A_350 : vector<8x128xf32>
    %max3A_353 = arith.maximumf %max3A_277, %min3A_350 : vector<8x128xf32>
    %max3A_354 = arith.maximumf %max3A_278, %min3A_352 : vector<8x128xf32>
    %select_n3A_355 = arith.select %gt3A_347, %add3A_346, %select_n3A_279 : vector<8x128xi1>, vector<8x128xi32>
    %select_n3A_356 = arith.select %gt3A_348, %add3A_346, %select_n3A_281 : vector<8x128xi1>, vector<8x128xi32>
    %select_n3A_357 = arith.select %gt3A_347, %select_n3A_279, %select_n3A_356 : vector<8x128xi1>, vector<8x128xi32>
    %select_n3A_358 = arith.select %gt3A_349, %add3A_346, %select_n3A_283 : vector<8x128xi1>, vector<8x128xi32>
    %select_n3A_359 = arith.select %gt3A_348, %select_n3A_281, %select_n3A_358 : vector<8x128xi1>, vector<8x128xi32>
    %get3A_360 = arith.constant 0 : index
    %get3A_361 = arith.constant 6656 : index
    %get3A_362 = vector.load %arg1[%get3A_360, %get3A_361] : memref<8x8192xf32, #tpu.memory_space<vmem>>, vector<8x128xf32>
    %add3A_363 = arith.constant 6656 : i32
    %add3A_364 = vector.broadcast %add3A_363 : i32 to vector<8x128xi32>
    %add3A_365 = arith.addi %iota3A, %add3A_364 : vector<8x128xi32>
    %gt3A_366 = arith.cmpf ogt, %get3A_362, %max3A_294 : vector<8x128xf32>
    %gt3A_367 = arith.cmpf ogt, %get3A_362, %max3A_296 : vector<8x128xf32>
    %gt3A_368 = arith.cmpf ogt, %get3A_362, %max3A_297 : vector<8x128xf32>
    %min3A_369 = arith.minimumf %max3A_294, %get3A_362 : vector<8x128xf32>
    %max3A_370 = arith.maximumf %max3A_294, %get3A_362 : vector<8x128xf32>
    %min3A_371 = arith.minimumf %max3A_296, %min3A_369 : vector<8x128xf32>
    %max3A_372 = arith.maximumf %max3A_296, %min3A_369 : vector<8x128xf32>
    %max3A_373 = arith.maximumf %max3A_297, %min3A_371 : vector<8x128xf32>
    %select_n3A_374 = arith.select %gt3A_366, %add3A_365, %select_n3A_298 : vector<8x128xi1>, vector<8x128xi32>
    %select_n3A_375 = arith.select %gt3A_367, %add3A_365, %select_n3A_300 : vector<8x128xi1>, vector<8x128xi32>
    %select_n3A_376 = arith.select %gt3A_366, %select_n3A_298, %select_n3A_375 : vector<8x128xi1>, vector<8x128xi32>
    %select_n3A_377 = arith.select %gt3A_368, %add3A_365, %select_n3A_302 : vector<8x128xi1>, vector<8x128xi32>
    %select_n3A_378 = arith.select %gt3A_367, %select_n3A_300, %select_n3A_377 : vector<8x128xi1>, vector<8x128xi32>
    %get3A_379 = arith.constant 0 : index
    %get3A_380 = arith.constant 640 : index
    %get3A_381 = vector.load %arg1[%get3A_379, %get3A_380] : memref<8x8192xf32, #tpu.memory_space<vmem>>, vector<8x128xf32>
    %add3A_382 = arith.constant 640 : i32
    %add3A_383 = vector.broadcast %add3A_382 : i32 to vector<8x128xi32>
    %add3A_384 = arith.addi %iota3A, %add3A_383 : vector<8x128xi32>
    %gt3A_385 = arith.cmpf ogt, %get3A_381, %max3A_313 : vector<8x128xf32>
    %gt3A_386 = arith.cmpf ogt, %get3A_381, %max3A_315 : vector<8x128xf32>
    %gt3A_387 = arith.cmpf ogt, %get3A_381, %max3A_316 : vector<8x128xf32>
    %min3A_388 = arith.minimumf %max3A_313, %get3A_381 : vector<8x128xf32>
    %max3A_389 = arith.maximumf %max3A_313, %get3A_381 : vector<8x128xf32>
    %min3A_390 = arith.minimumf %max3A_315, %min3A_388 : vector<8x128xf32>
    %max3A_391 = arith.maximumf %max3A_315, %min3A_388 : vector<8x128xf32>
    %max3A_392 = arith.maximumf %max3A_316, %min3A_390 : vector<8x128xf32>
    %select_n3A_393 = arith.select %gt3A_385, %add3A_384, %select_n3A_317 : vector<8x128xi1>, vector<8x128xi32>
    %select_n3A_394 = arith.select %gt3A_386, %add3A_384, %select_n3A_319 : vector<8x128xi1>, vector<8x128xi32>
    %select_n3A_395 = arith.select %gt3A_385, %select_n3A_317, %select_n3A_394 : vector<8x128xi1>, vector<8x128xi32>
    %select_n3A_396 = arith.select %gt3A_387, %add3A_384, %select_n3A_321 : vector<8x128xi1>, vector<8x128xi32>
    %select_n3A_397 = arith.select %gt3A_386, %select_n3A_319, %select_n3A_396 : vector<8x128xi1>, vector<8x128xi32>
    %get3A_398 = arith.constant 0 : index
    %get3A_399 = arith.constant 2688 : index
    %get3A_400 = vector.load %arg1[%get3A_398, %get3A_399] : memref<8x8192xf32, #tpu.memory_space<vmem>>, vector<8x128xf32>
    %add3A_401 = arith.constant 2688 : i32
    %add3A_402 = vector.broadcast %add3A_401 : i32 to vector<8x128xi32>
    %add3A_403 = arith.addi %iota3A, %add3A_402 : vector<8x128xi32>
    %gt3A_404 = arith.cmpf ogt, %get3A_400, %max3A_332 : vector<8x128xf32>
    %gt3A_405 = arith.cmpf ogt, %get3A_400, %max3A_334 : vector<8x128xf32>
    %gt3A_406 = arith.cmpf ogt, %get3A_400, %max3A_335 : vector<8x128xf32>
    %min3A_407 = arith.minimumf %max3A_332, %get3A_400 : vector<8x128xf32>
    %max3A_408 = arith.maximumf %max3A_332, %get3A_400 : vector<8x128xf32>
    %min3A_409 = arith.minimumf %max3A_334, %min3A_407 : vector<8x128xf32>
    %max3A_410 = arith.maximumf %max3A_334, %min3A_407 : vector<8x128xf32>
    %max3A_411 = arith.maximumf %max3A_335, %min3A_409 : vector<8x128xf32>
    %select_n3A_412 = arith.select %gt3A_404, %add3A_403, %select_n3A_336 : vector<8x128xi1>, vector<8x128xi32>
    %select_n3A_413 = arith.select %gt3A_405, %add3A_403, %select_n3A_338 : vector<8x128xi1>, vector<8x128xi32>
    %select_n3A_414 = arith.select %gt3A_404, %select_n3A_336, %select_n3A_413 : vector<8x128xi1>, vector<8x128xi32>
    %select_n3A_415 = arith.select %gt3A_406, %add3A_403, %select_n3A_340 : vector<8x128xi1>, vector<8x128xi32>
    %select_n3A_416 = arith.select %gt3A_405, %select_n3A_338, %select_n3A_415 : vector<8x128xi1>, vector<8x128xi32>
    %get3A_417 = arith.constant 0 : index
    %get3A_418 = arith.constant 4736 : index
    %get3A_419 = vector.load %arg1[%get3A_417, %get3A_418] : memref<8x8192xf32, #tpu.memory_space<vmem>>, vector<8x128xf32>
    %add3A_420 = arith.constant 4736 : i32
    %add3A_421 = vector.broadcast %add3A_420 : i32 to vector<8x128xi32>
    %add3A_422 = arith.addi %iota3A, %add3A_421 : vector<8x128xi32>
    %gt3A_423 = arith.cmpf ogt, %get3A_419, %max3A_351 : vector<8x128xf32>
    %gt3A_424 = arith.cmpf ogt, %get3A_419, %max3A_353 : vector<8x128xf32>
    %gt3A_425 = arith.cmpf ogt, %get3A_419, %max3A_354 : vector<8x128xf32>
    %min3A_426 = arith.minimumf %max3A_351, %get3A_419 : vector<8x128xf32>
    %max3A_427 = arith.maximumf %max3A_351, %get3A_419 : vector<8x128xf32>
    %min3A_428 = arith.minimumf %max3A_353, %min3A_426 : vector<8x128xf32>
    %max3A_429 = arith.maximumf %max3A_353, %min3A_426 : vector<8x128xf32>
    %max3A_430 = arith.maximumf %max3A_354, %min3A_428 : vector<8x128xf32>
    %select_n3A_431 = arith.select %gt3A_423, %add3A_422, %select_n3A_355 : vector<8x128xi1>, vector<8x128xi32>
    %select_n3A_432 = arith.select %gt3A_424, %add3A_422, %select_n3A_357 : vector<8x128xi1>, vector<8x128xi32>
    %select_n3A_433 = arith.select %gt3A_423, %select_n3A_355, %select_n3A_432 : vector<8x128xi1>, vector<8x128xi32>
    %select_n3A_434 = arith.select %gt3A_425, %add3A_422, %select_n3A_359 : vector<8x128xi1>, vector<8x128xi32>
    %select_n3A_435 = arith.select %gt3A_424, %select_n3A_357, %select_n3A_434 : vector<8x128xi1>, vector<8x128xi32>
    %get3A_436 = arith.constant 0 : index
    %get3A_437 = arith.constant 6784 : index
    %get3A_438 = vector.load %arg1[%get3A_436, %get3A_437] : memref<8x8192xf32, #tpu.memory_space<vmem>>, vector<8x128xf32>
    %add3A_439 = arith.constant 6784 : i32
    %add3A_440 = vector.broadcast %add3A_439 : i32 to vector<8x128xi32>
    %add3A_441 = arith.addi %iota3A, %add3A_440 : vector<8x128xi32>
    %gt3A_442 = arith.cmpf ogt, %get3A_438, %max3A_370 : vector<8x128xf32>
    %gt3A_443 = arith.cmpf ogt, %get3A_438, %max3A_372 : vector<8x128xf32>
    %gt3A_444 = arith.cmpf ogt, %get3A_438, %max3A_373 : vector<8x128xf32>
    %min3A_445 = arith.minimumf %max3A_370, %get3A_438 : vector<8x128xf32>
    %max3A_446 = arith.maximumf %max3A_370, %get3A_438 : vector<8x128xf32>
    %min3A_447 = arith.minimumf %max3A_372, %min3A_445 : vector<8x128xf32>
    %max3A_448 = arith.maximumf %max3A_372, %min3A_445 : vector<8x128xf32>
    %max3A_449 = arith.maximumf %max3A_373, %min3A_447 : vector<8x128xf32>
    %select_n3A_450 = arith.select %gt3A_442, %add3A_441, %select_n3A_374 : vector<8x128xi1>, vector<8x128xi32>
    %select_n3A_451 = arith.select %gt3A_443, %add3A_441, %select_n3A_376 : vector<8x128xi1>, vector<8x128xi32>
    %select_n3A_452 = arith.select %gt3A_442, %select_n3A_374, %select_n3A_451 : vector<8x128xi1>, vector<8x128xi32>
    %select_n3A_453 = arith.select %gt3A_444, %add3A_441, %select_n3A_378 : vector<8x128xi1>, vector<8x128xi32>
    %select_n3A_454 = arith.select %gt3A_443, %select_n3A_376, %select_n3A_453 : vector<8x128xi1>, vector<8x128xi32>
    %get3A_455 = arith.constant 0 : index
    %get3A_456 = arith.constant 768 : index
    %get3A_457 = vector.load %arg1[%get3A_455, %get3A_456] : memref<8x8192xf32, #tpu.memory_space<vmem>>, vector<8x128xf32>
    %add3A_458 = arith.constant 768 : i32
    %add3A_459 = vector.broadcast %add3A_458 : i32 to vector<8x128xi32>
    %add3A_460 = arith.addi %iota3A, %add3A_459 : vector<8x128xi32>
    %gt3A_461 = arith.cmpf ogt, %get3A_457, %max3A_389 : vector<8x128xf32>
    %gt3A_462 = arith.cmpf ogt, %get3A_457, %max3A_391 : vector<8x128xf32>
    %gt3A_463 = arith.cmpf ogt, %get3A_457, %max3A_392 : vector<8x128xf32>
    %min3A_464 = arith.minimumf %max3A_389, %get3A_457 : vector<8x128xf32>
    %max3A_465 = arith.maximumf %max3A_389, %get3A_457 : vector<8x128xf32>
    %min3A_466 = arith.minimumf %max3A_391, %min3A_464 : vector<8x128xf32>
    %max3A_467 = arith.maximumf %max3A_391, %min3A_464 : vector<8x128xf32>
    %max3A_468 = arith.maximumf %max3A_392, %min3A_466 : vector<8x128xf32>
    %select_n3A_469 = arith.select %gt3A_461, %add3A_460, %select_n3A_393 : vector<8x128xi1>, vector<8x128xi32>
    %select_n3A_470 = arith.select %gt3A_462, %add3A_460, %select_n3A_395 : vector<8x128xi1>, vector<8x128xi32>
    %select_n3A_471 = arith.select %gt3A_461, %select_n3A_393, %select_n3A_470 : vector<8x128xi1>, vector<8x128xi32>
    %select_n3A_472 = arith.select %gt3A_463, %add3A_460, %select_n3A_397 : vector<8x128xi1>, vector<8x128xi32>
    %select_n3A_473 = arith.select %gt3A_462, %select_n3A_395, %select_n3A_472 : vector<8x128xi1>, vector<8x128xi32>
    %get3A_474 = arith.constant 0 : index
    %get3A_475 = arith.constant 2816 : index
    %get3A_476 = vector.load %arg1[%get3A_474, %get3A_475] : memref<8x8192xf32, #tpu.memory_space<vmem>>, vector<8x128xf32>
    %add3A_477 = arith.constant 2816 : i32
    %add3A_478 = vector.broadcast %add3A_477 : i32 to vector<8x128xi32>
    %add3A_479 = arith.addi %iota3A, %add3A_478 : vector<8x128xi32>
    %gt3A_480 = arith.cmpf ogt, %get3A_476, %max3A_408 : vector<8x128xf32>
    %gt3A_481 = arith.cmpf ogt, %get3A_476, %max3A_410 : vector<8x128xf32>
    %gt3A_482 = arith.cmpf ogt, %get3A_476, %max3A_411 : vector<8x128xf32>
    %min3A_483 = arith.minimumf %max3A_408, %get3A_476 : vector<8x128xf32>
    %max3A_484 = arith.maximumf %max3A_408, %get3A_476 : vector<8x128xf32>
    %min3A_485 = arith.minimumf %max3A_410, %min3A_483 : vector<8x128xf32>
    %max3A_486 = arith.maximumf %max3A_410, %min3A_483 : vector<8x128xf32>
    %max3A_487 = arith.maximumf %max3A_411, %min3A_485 : vector<8x128xf32>
    %select_n3A_488 = arith.select %gt3A_480, %add3A_479, %select_n3A_412 : vector<8x128xi1>, vector<8x128xi32>
    %select_n3A_489 = arith.select %gt3A_481, %add3A_479, %select_n3A_414 : vector<8x128xi1>, vector<8x128xi32>
    %select_n3A_490 = arith.select %gt3A_480, %select_n3A_412, %select_n3A_489 : vector<8x128xi1>, vector<8x128xi32>
    %select_n3A_491 = arith.select %gt3A_482, %add3A_479, %select_n3A_416 : vector<8x128xi1>, vector<8x128xi32>
    %select_n3A_492 = arith.select %gt3A_481, %select_n3A_414, %select_n3A_491 : vector<8x128xi1>, vector<8x128xi32>
    %get3A_493 = arith.constant 0 : index
    %get3A_494 = arith.constant 4864 : index
    %get3A_495 = vector.load %arg1[%get3A_493, %get3A_494] : memref<8x8192xf32, #tpu.memory_space<vmem>>, vector<8x128xf32>
    %add3A_496 = arith.constant 4864 : i32
    %add3A_497 = vector.broadcast %add3A_496 : i32 to vector<8x128xi32>
    %add3A_498 = arith.addi %iota3A, %add3A_497 : vector<8x128xi32>
    %gt3A_499 = arith.cmpf ogt, %get3A_495, %max3A_427 : vector<8x128xf32>
    %gt3A_500 = arith.cmpf ogt, %get3A_495, %max3A_429 : vector<8x128xf32>
    %gt3A_501 = arith.cmpf ogt, %get3A_495, %max3A_430 : vector<8x128xf32>
    %min3A_502 = arith.minimumf %max3A_427, %get3A_495 : vector<8x128xf32>
    %max3A_503 = arith.maximumf %max3A_427, %get3A_495 : vector<8x128xf32>
    %min3A_504 = arith.minimumf %max3A_429, %min3A_502 : vector<8x128xf32>
    %max3A_505 = arith.maximumf %max3A_429, %min3A_502 : vector<8x128xf32>
    %max3A_506 = arith.maximumf %max3A_430, %min3A_504 : vector<8x128xf32>
    %select_n3A_507 = arith.select %gt3A_499, %add3A_498, %select_n3A_431 : vector<8x128xi1>, vector<8x128xi32>
    %select_n3A_508 = arith.select %gt3A_500, %add3A_498, %select_n3A_433 : vector<8x128xi1>, vector<8x128xi32>
    %select_n3A_509 = arith.select %gt3A_499, %select_n3A_431, %select_n3A_508 : vector<8x128xi1>, vector<8x128xi32>
    %select_n3A_510 = arith.select %gt3A_501, %add3A_498, %select_n3A_435 : vector<8x128xi1>, vector<8x128xi32>
    %select_n3A_511 = arith.select %gt3A_500, %select_n3A_433, %select_n3A_510 : vector<8x128xi1>, vector<8x128xi32>
    %get3A_512 = arith.constant 0 : index
    %get3A_513 = arith.constant 6912 : index
    %get3A_514 = vector.load %arg1[%get3A_512, %get3A_513] : memref<8x8192xf32, #tpu.memory_space<vmem>>, vector<8x128xf32>
    %add3A_515 = arith.constant 6912 : i32
    %add3A_516 = vector.broadcast %add3A_515 : i32 to vector<8x128xi32>
    %add3A_517 = arith.addi %iota3A, %add3A_516 : vector<8x128xi32>
    %gt3A_518 = arith.cmpf ogt, %get3A_514, %max3A_446 : vector<8x128xf32>
    %gt3A_519 = arith.cmpf ogt, %get3A_514, %max3A_448 : vector<8x128xf32>
    %gt3A_520 = arith.cmpf ogt, %get3A_514, %max3A_449 : vector<8x128xf32>
    %min3A_521 = arith.minimumf %max3A_446, %get3A_514 : vector<8x128xf32>
    %max3A_522 = arith.maximumf %max3A_446, %get3A_514 : vector<8x128xf32>
    %min3A_523 = arith.minimumf %max3A_448, %min3A_521 : vector<8x128xf32>
    %max3A_524 = arith.maximumf %max3A_448, %min3A_521 : vector<8x128xf32>
    %max3A_525 = arith.maximumf %max3A_449, %min3A_523 : vector<8x128xf32>
    %select_n3A_526 = arith.select %gt3A_518, %add3A_517, %select_n3A_450 : vector<8x128xi1>, vector<8x128xi32>
    %select_n3A_527 = arith.select %gt3A_519, %add3A_517, %select_n3A_452 : vector<8x128xi1>, vector<8x128xi32>
    %select_n3A_528 = arith.select %gt3A_518, %select_n3A_450, %select_n3A_527 : vector<8x128xi1>, vector<8x128xi32>
    %select_n3A_529 = arith.select %gt3A_520, %add3A_517, %select_n3A_454 : vector<8x128xi1>, vector<8x128xi32>
    %select_n3A_530 = arith.select %gt3A_519, %select_n3A_452, %select_n3A_529 : vector<8x128xi1>, vector<8x128xi32>
    %get3A_531 = arith.constant 0 : index
    %get3A_532 = arith.constant 896 : index
    %get3A_533 = vector.load %arg1[%get3A_531, %get3A_532] : memref<8x8192xf32, #tpu.memory_space<vmem>>, vector<8x128xf32>
    %add3A_534 = arith.constant 896 : i32
    %add3A_535 = vector.broadcast %add3A_534 : i32 to vector<8x128xi32>
    %add3A_536 = arith.addi %iota3A, %add3A_535 : vector<8x128xi32>
    %gt3A_537 = arith.cmpf ogt, %get3A_533, %max3A_465 : vector<8x128xf32>
    %gt3A_538 = arith.cmpf ogt, %get3A_533, %max3A_467 : vector<8x128xf32>
    %gt3A_539 = arith.cmpf ogt, %get3A_533, %max3A_468 : vector<8x128xf32>
    %min3A_540 = arith.minimumf %max3A_465, %get3A_533 : vector<8x128xf32>
    %max3A_541 = arith.maximumf %max3A_465, %get3A_533 : vector<8x128xf32>
    %min3A_542 = arith.minimumf %max3A_467, %min3A_540 : vector<8x128xf32>
    %max3A_543 = arith.maximumf %max3A_467, %min3A_540 : vector<8x128xf32>
    %max3A_544 = arith.maximumf %max3A_468, %min3A_542 : vector<8x128xf32>
    %select_n3A_545 = arith.select %gt3A_537, %add3A_536, %select_n3A_469 : vector<8x128xi1>, vector<8x128xi32>
    %select_n3A_546 = arith.select %gt3A_538, %add3A_536, %select_n3A_471 : vector<8x128xi1>, vector<8x128xi32>
    %select_n3A_547 = arith.select %gt3A_537, %select_n3A_469, %select_n3A_546 : vector<8x128xi1>, vector<8x128xi32>
    %select_n3A_548 = arith.select %gt3A_539, %add3A_536, %select_n3A_473 : vector<8x128xi1>, vector<8x128xi32>
    %select_n3A_549 = arith.select %gt3A_538, %select_n3A_471, %select_n3A_548 : vector<8x128xi1>, vector<8x128xi32>
    %get3A_550 = arith.constant 0 : index
    %get3A_551 = arith.constant 2944 : index
    %get3A_552 = vector.load %arg1[%get3A_550, %get3A_551] : memref<8x8192xf32, #tpu.memory_space<vmem>>, vector<8x128xf32>
    %add3A_553 = arith.constant 2944 : i32
    %add3A_554 = vector.broadcast %add3A_553 : i32 to vector<8x128xi32>
    %add3A_555 = arith.addi %iota3A, %add3A_554 : vector<8x128xi32>
    %gt3A_556 = arith.cmpf ogt, %get3A_552, %max3A_484 : vector<8x128xf32>
    %gt3A_557 = arith.cmpf ogt, %get3A_552, %max3A_486 : vector<8x128xf32>
    %gt3A_558 = arith.cmpf ogt, %get3A_552, %max3A_487 : vector<8x128xf32>
    %min3A_559 = arith.minimumf %max3A_484, %get3A_552 : vector<8x128xf32>
    %max3A_560 = arith.maximumf %max3A_484, %get3A_552 : vector<8x128xf32>
    %min3A_561 = arith.minimumf %max3A_486, %min3A_559 : vector<8x128xf32>
    %max3A_562 = arith.maximumf %max3A_486, %min3A_559 : vector<8x128xf32>
    %max3A_563 = arith.maximumf %max3A_487, %min3A_561 : vector<8x128xf32>
    %select_n3A_564 = arith.select %gt3A_556, %add3A_555, %select_n3A_488 : vector<8x128xi1>, vector<8x128xi32>
    %select_n3A_565 = arith.select %gt3A_557, %add3A_555, %select_n3A_490 : vector<8x128xi1>, vector<8x128xi32>
    %select_n3A_566 = arith.select %gt3A_556, %select_n3A_488, %select_n3A_565 : vector<8x128xi1>, vector<8x128xi32>
    %select_n3A_567 = arith.select %gt3A_558, %add3A_555, %select_n3A_492 : vector<8x128xi1>, vector<8x128xi32>
    %select_n3A_568 = arith.select %gt3A_557, %select_n3A_490, %select_n3A_567 : vector<8x128xi1>, vector<8x128xi32>
    %get3A_569 = arith.constant 0 : index
    %get3A_570 = arith.constant 4992 : index
    %get3A_571 = vector.load %arg1[%get3A_569, %get3A_570] : memref<8x8192xf32, #tpu.memory_space<vmem>>, vector<8x128xf32>
    %add3A_572 = arith.constant 4992 : i32
    %add3A_573 = vector.broadcast %add3A_572 : i32 to vector<8x128xi32>
    %add3A_574 = arith.addi %iota3A, %add3A_573 : vector<8x128xi32>
    %gt3A_575 = arith.cmpf ogt, %get3A_571, %max3A_503 : vector<8x128xf32>
    %gt3A_576 = arith.cmpf ogt, %get3A_571, %max3A_505 : vector<8x128xf32>
    %gt3A_577 = arith.cmpf ogt, %get3A_571, %max3A_506 : vector<8x128xf32>
    %min3A_578 = arith.minimumf %max3A_503, %get3A_571 : vector<8x128xf32>
    %max3A_579 = arith.maximumf %max3A_503, %get3A_571 : vector<8x128xf32>
    %min3A_580 = arith.minimumf %max3A_505, %min3A_578 : vector<8x128xf32>
    %max3A_581 = arith.maximumf %max3A_505, %min3A_578 : vector<8x128xf32>
    %max3A_582 = arith.maximumf %max3A_506, %min3A_580 : vector<8x128xf32>
    %select_n3A_583 = arith.select %gt3A_575, %add3A_574, %select_n3A_507 : vector<8x128xi1>, vector<8x128xi32>
    %select_n3A_584 = arith.select %gt3A_576, %add3A_574, %select_n3A_509 : vector<8x128xi1>, vector<8x128xi32>
    %select_n3A_585 = arith.select %gt3A_575, %select_n3A_507, %select_n3A_584 : vector<8x128xi1>, vector<8x128xi32>
    %select_n3A_586 = arith.select %gt3A_577, %add3A_574, %select_n3A_511 : vector<8x128xi1>, vector<8x128xi32>
    %select_n3A_587 = arith.select %gt3A_576, %select_n3A_509, %select_n3A_586 : vector<8x128xi1>, vector<8x128xi32>
    %get3A_588 = arith.constant 0 : index
    %get3A_589 = arith.constant 7040 : index
    %get3A_590 = vector.load %arg1[%get3A_588, %get3A_589] : memref<8x8192xf32, #tpu.memory_space<vmem>>, vector<8x128xf32>
    %add3A_591 = arith.constant 7040 : i32
    %add3A_592 = vector.broadcast %add3A_591 : i32 to vector<8x128xi32>
    %add3A_593 = arith.addi %iota3A, %add3A_592 : vector<8x128xi32>
    %gt3A_594 = arith.cmpf ogt, %get3A_590, %max3A_522 : vector<8x128xf32>
    %gt3A_595 = arith.cmpf ogt, %get3A_590, %max3A_524 : vector<8x128xf32>
    %gt3A_596 = arith.cmpf ogt, %get3A_590, %max3A_525 : vector<8x128xf32>
    %min3A_597 = arith.minimumf %max3A_522, %get3A_590 : vector<8x128xf32>
    %max3A_598 = arith.maximumf %max3A_522, %get3A_590 : vector<8x128xf32>
    %min3A_599 = arith.minimumf %max3A_524, %min3A_597 : vector<8x128xf32>
    %max3A_600 = arith.maximumf %max3A_524, %min3A_597 : vector<8x128xf32>
    %max3A_601 = arith.maximumf %max3A_525, %min3A_599 : vector<8x128xf32>
    %select_n3A_602 = arith.select %gt3A_594, %add3A_593, %select_n3A_526 : vector<8x128xi1>, vector<8x128xi32>
    %select_n3A_603 = arith.select %gt3A_595, %add3A_593, %select_n3A_528 : vector<8x128xi1>, vector<8x128xi32>
    %select_n3A_604 = arith.select %gt3A_594, %select_n3A_526, %select_n3A_603 : vector<8x128xi1>, vector<8x128xi32>
    %select_n3A_605 = arith.select %gt3A_596, %add3A_593, %select_n3A_530 : vector<8x128xi1>, vector<8x128xi32>
    %select_n3A_606 = arith.select %gt3A_595, %select_n3A_528, %select_n3A_605 : vector<8x128xi1>, vector<8x128xi32>
    %get3A_607 = arith.constant 0 : index
    %get3A_608 = arith.constant 1024 : index
    %get3A_609 = vector.load %arg1[%get3A_607, %get3A_608] : memref<8x8192xf32, #tpu.memory_space<vmem>>, vector<8x128xf32>
    %add3A_610 = arith.constant 1024 : i32
    %add3A_611 = vector.broadcast %add3A_610 : i32 to vector<8x128xi32>
    %add3A_612 = arith.addi %iota3A, %add3A_611 : vector<8x128xi32>
    %gt3A_613 = arith.cmpf ogt, %get3A_609, %max3A_541 : vector<8x128xf32>
    %gt3A_614 = arith.cmpf ogt, %get3A_609, %max3A_543 : vector<8x128xf32>
    %gt3A_615 = arith.cmpf ogt, %get3A_609, %max3A_544 : vector<8x128xf32>
    %min3A_616 = arith.minimumf %max3A_541, %get3A_609 : vector<8x128xf32>
    %max3A_617 = arith.maximumf %max3A_541, %get3A_609 : vector<8x128xf32>
    %min3A_618 = arith.minimumf %max3A_543, %min3A_616 : vector<8x128xf32>
    %max3A_619 = arith.maximumf %max3A_543, %min3A_616 : vector<8x128xf32>
    %max3A_620 = arith.maximumf %max3A_544, %min3A_618 : vector<8x128xf32>
    %select_n3A_621 = arith.select %gt3A_613, %add3A_612, %select_n3A_545 : vector<8x128xi1>, vector<8x128xi32>
    %select_n3A_622 = arith.select %gt3A_614, %add3A_612, %select_n3A_547 : vector<8x128xi1>, vector<8x128xi32>
    %select_n3A_623 = arith.select %gt3A_613, %select_n3A_545, %select_n3A_622 : vector<8x128xi1>, vector<8x128xi32>
    %select_n3A_624 = arith.select %gt3A_615, %add3A_612, %select_n3A_549 : vector<8x128xi1>, vector<8x128xi32>
    %select_n3A_625 = arith.select %gt3A_614, %select_n3A_547, %select_n3A_624 : vector<8x128xi1>, vector<8x128xi32>
    %get3A_626 = arith.constant 0 : index
    %get3A_627 = arith.constant 3072 : index
    %get3A_628 = vector.load %arg1[%get3A_626, %get3A_627] : memref<8x8192xf32, #tpu.memory_space<vmem>>, vector<8x128xf32>
    %add3A_629 = arith.constant 3072 : i32
    %add3A_630 = vector.broadcast %add3A_629 : i32 to vector<8x128xi32>
    %add3A_631 = arith.addi %iota3A, %add3A_630 : vector<8x128xi32>
    %gt3A_632 = arith.cmpf ogt, %get3A_628, %max3A_560 : vector<8x128xf32>
    %gt3A_633 = arith.cmpf ogt, %get3A_628, %max3A_562 : vector<8x128xf32>
    %gt3A_634 = arith.cmpf ogt, %get3A_628, %max3A_563 : vector<8x128xf32>
    %min3A_635 = arith.minimumf %max3A_560, %get3A_628 : vector<8x128xf32>
    %max3A_636 = arith.maximumf %max3A_560, %get3A_628 : vector<8x128xf32>
    %min3A_637 = arith.minimumf %max3A_562, %min3A_635 : vector<8x128xf32>
    %max3A_638 = arith.maximumf %max3A_562, %min3A_635 : vector<8x128xf32>
    %max3A_639 = arith.maximumf %max3A_563, %min3A_637 : vector<8x128xf32>
    %select_n3A_640 = arith.select %gt3A_632, %add3A_631, %select_n3A_564 : vector<8x128xi1>, vector<8x128xi32>
    %select_n3A_641 = arith.select %gt3A_633, %add3A_631, %select_n3A_566 : vector<8x128xi1>, vector<8x128xi32>
    %select_n3A_642 = arith.select %gt3A_632, %select_n3A_564, %select_n3A_641 : vector<8x128xi1>, vector<8x128xi32>
    %select_n3A_643 = arith.select %gt3A_634, %add3A_631, %select_n3A_568 : vector<8x128xi1>, vector<8x128xi32>
    %select_n3A_644 = arith.select %gt3A_633, %select_n3A_566, %select_n3A_643 : vector<8x128xi1>, vector<8x128xi32>
    %get3A_645 = arith.constant 0 : index
    %get3A_646 = arith.constant 5120 : index
    %get3A_647 = vector.load %arg1[%get3A_645, %get3A_646] : memref<8x8192xf32, #tpu.memory_space<vmem>>, vector<8x128xf32>
    %add3A_648 = arith.constant 5120 : i32
    %add3A_649 = vector.broadcast %add3A_648 : i32 to vector<8x128xi32>
    %add3A_650 = arith.addi %iota3A, %add3A_649 : vector<8x128xi32>
    %gt3A_651 = arith.cmpf ogt, %get3A_647, %max3A_579 : vector<8x128xf32>
    %gt3A_652 = arith.cmpf ogt, %get3A_647, %max3A_581 : vector<8x128xf32>
    %gt3A_653 = arith.cmpf ogt, %get3A_647, %max3A_582 : vector<8x128xf32>
    %min3A_654 = arith.minimumf %max3A_579, %get3A_647 : vector<8x128xf32>
    %max3A_655 = arith.maximumf %max3A_579, %get3A_647 : vector<8x128xf32>
    %min3A_656 = arith.minimumf %max3A_581, %min3A_654 : vector<8x128xf32>
    %max3A_657 = arith.maximumf %max3A_581, %min3A_654 : vector<8x128xf32>
    %max3A_658 = arith.maximumf %max3A_582, %min3A_656 : vector<8x128xf32>
    %select_n3A_659 = arith.select %gt3A_651, %add3A_650, %select_n3A_583 : vector<8x128xi1>, vector<8x128xi32>
    %select_n3A_660 = arith.select %gt3A_652, %add3A_650, %select_n3A_585 : vector<8x128xi1>, vector<8x128xi32>
    %select_n3A_661 = arith.select %gt3A_651, %select_n3A_583, %select_n3A_660 : vector<8x128xi1>, vector<8x128xi32>
    %select_n3A_662 = arith.select %gt3A_653, %add3A_650, %select_n3A_587 : vector<8x128xi1>, vector<8x128xi32>
    %select_n3A_663 = arith.select %gt3A_652, %select_n3A_585, %select_n3A_662 : vector<8x128xi1>, vector<8x128xi32>
    %get3A_664 = arith.constant 0 : index
    %get3A_665 = arith.constant 7168 : index
    %get3A_666 = vector.load %arg1[%get3A_664, %get3A_665] : memref<8x8192xf32, #tpu.memory_space<vmem>>, vector<8x128xf32>
    %add3A_667 = arith.constant 7168 : i32
    %add3A_668 = vector.broadcast %add3A_667 : i32 to vector<8x128xi32>
    %add3A_669 = arith.addi %iota3A, %add3A_668 : vector<8x128xi32>
    %gt3A_670 = arith.cmpf ogt, %get3A_666, %max3A_598 : vector<8x128xf32>
    %gt3A_671 = arith.cmpf ogt, %get3A_666, %max3A_600 : vector<8x128xf32>
    %gt3A_672 = arith.cmpf ogt, %get3A_666, %max3A_601 : vector<8x128xf32>
    %min3A_673 = arith.minimumf %max3A_598, %get3A_666 : vector<8x128xf32>
    %max3A_674 = arith.maximumf %max3A_598, %get3A_666 : vector<8x128xf32>
    %min3A_675 = arith.minimumf %max3A_600, %min3A_673 : vector<8x128xf32>
    %max3A_676 = arith.maximumf %max3A_600, %min3A_673 : vector<8x128xf32>
    %max3A_677 = arith.maximumf %max3A_601, %min3A_675 : vector<8x128xf32>
    %select_n3A_678 = arith.select %gt3A_670, %add3A_669, %select_n3A_602 : vector<8x128xi1>, vector<8x128xi32>
    %select_n3A_679 = arith.select %gt3A_671, %add3A_669, %select_n3A_604 : vector<8x128xi1>, vector<8x128xi32>
    %select_n3A_680 = arith.select %gt3A_670, %select_n3A_602, %select_n3A_679 : vector<8x128xi1>, vector<8x128xi32>
    %select_n3A_681 = arith.select %gt3A_672, %add3A_669, %select_n3A_606 : vector<8x128xi1>, vector<8x128xi32>
    %select_n3A_682 = arith.select %gt3A_671, %select_n3A_604, %select_n3A_681 : vector<8x128xi1>, vector<8x128xi32>
    %get3A_683 = arith.constant 0 : index
    %get3A_684 = arith.constant 1152 : index
    %get3A_685 = vector.load %arg1[%get3A_683, %get3A_684] : memref<8x8192xf32, #tpu.memory_space<vmem>>, vector<8x128xf32>
    %add3A_686 = arith.constant 1152 : i32
    %add3A_687 = vector.broadcast %add3A_686 : i32 to vector<8x128xi32>
    %add3A_688 = arith.addi %iota3A, %add3A_687 : vector<8x128xi32>
    %gt3A_689 = arith.cmpf ogt, %get3A_685, %max3A_617 : vector<8x128xf32>
    %gt3A_690 = arith.cmpf ogt, %get3A_685, %max3A_619 : vector<8x128xf32>
    %gt3A_691 = arith.cmpf ogt, %get3A_685, %max3A_620 : vector<8x128xf32>
    %min3A_692 = arith.minimumf %max3A_617, %get3A_685 : vector<8x128xf32>
    %max3A_693 = arith.maximumf %max3A_617, %get3A_685 : vector<8x128xf32>
    %min3A_694 = arith.minimumf %max3A_619, %min3A_692 : vector<8x128xf32>
    %max3A_695 = arith.maximumf %max3A_619, %min3A_692 : vector<8x128xf32>
    %max3A_696 = arith.maximumf %max3A_620, %min3A_694 : vector<8x128xf32>
    %select_n3A_697 = arith.select %gt3A_689, %add3A_688, %select_n3A_621 : vector<8x128xi1>, vector<8x128xi32>
    %select_n3A_698 = arith.select %gt3A_690, %add3A_688, %select_n3A_623 : vector<8x128xi1>, vector<8x128xi32>
    %select_n3A_699 = arith.select %gt3A_689, %select_n3A_621, %select_n3A_698 : vector<8x128xi1>, vector<8x128xi32>
    %select_n3A_700 = arith.select %gt3A_691, %add3A_688, %select_n3A_625 : vector<8x128xi1>, vector<8x128xi32>
    %select_n3A_701 = arith.select %gt3A_690, %select_n3A_623, %select_n3A_700 : vector<8x128xi1>, vector<8x128xi32>
    %get3A_702 = arith.constant 0 : index
    %get3A_703 = arith.constant 3200 : index
    %get3A_704 = vector.load %arg1[%get3A_702, %get3A_703] : memref<8x8192xf32, #tpu.memory_space<vmem>>, vector<8x128xf32>
    %add3A_705 = arith.constant 3200 : i32
    %add3A_706 = vector.broadcast %add3A_705 : i32 to vector<8x128xi32>
    %add3A_707 = arith.addi %iota3A, %add3A_706 : vector<8x128xi32>
    %gt3A_708 = arith.cmpf ogt, %get3A_704, %max3A_636 : vector<8x128xf32>
    %gt3A_709 = arith.cmpf ogt, %get3A_704, %max3A_638 : vector<8x128xf32>
    %gt3A_710 = arith.cmpf ogt, %get3A_704, %max3A_639 : vector<8x128xf32>
    %min3A_711 = arith.minimumf %max3A_636, %get3A_704 : vector<8x128xf32>
    %max3A_712 = arith.maximumf %max3A_636, %get3A_704 : vector<8x128xf32>
    %min3A_713 = arith.minimumf %max3A_638, %min3A_711 : vector<8x128xf32>
    %max3A_714 = arith.maximumf %max3A_638, %min3A_711 : vector<8x128xf32>
    %max3A_715 = arith.maximumf %max3A_639, %min3A_713 : vector<8x128xf32>
    %select_n3A_716 = arith.select %gt3A_708, %add3A_707, %select_n3A_640 : vector<8x128xi1>, vector<8x128xi32>
    %select_n3A_717 = arith.select %gt3A_709, %add3A_707, %select_n3A_642 : vector<8x128xi1>, vector<8x128xi32>
    %select_n3A_718 = arith.select %gt3A_708, %select_n3A_640, %select_n3A_717 : vector<8x128xi1>, vector<8x128xi32>
    %select_n3A_719 = arith.select %gt3A_710, %add3A_707, %select_n3A_644 : vector<8x128xi1>, vector<8x128xi32>
    %select_n3A_720 = arith.select %gt3A_709, %select_n3A_642, %select_n3A_719 : vector<8x128xi1>, vector<8x128xi32>
    %get3A_721 = arith.constant 0 : index
    %get3A_722 = arith.constant 5248 : index
    %get3A_723 = vector.load %arg1[%get3A_721, %get3A_722] : memref<8x8192xf32, #tpu.memory_space<vmem>>, vector<8x128xf32>
    %add3A_724 = arith.constant 5248 : i32
    %add3A_725 = vector.broadcast %add3A_724 : i32 to vector<8x128xi32>
    %add3A_726 = arith.addi %iota3A, %add3A_725 : vector<8x128xi32>
    %gt3A_727 = arith.cmpf ogt, %get3A_723, %max3A_655 : vector<8x128xf32>
    %gt3A_728 = arith.cmpf ogt, %get3A_723, %max3A_657 : vector<8x128xf32>
    %gt3A_729 = arith.cmpf ogt, %get3A_723, %max3A_658 : vector<8x128xf32>
    %min3A_730 = arith.minimumf %max3A_655, %get3A_723 : vector<8x128xf32>
    %max3A_731 = arith.maximumf %max3A_655, %get3A_723 : vector<8x128xf32>
    %min3A_732 = arith.minimumf %max3A_657, %min3A_730 : vector<8x128xf32>
    %max3A_733 = arith.maximumf %max3A_657, %min3A_730 : vector<8x128xf32>
    %max3A_734 = arith.maximumf %max3A_658, %min3A_732 : vector<8x128xf32>
    %select_n3A_735 = arith.select %gt3A_727, %add3A_726, %select_n3A_659 : vector<8x128xi1>, vector<8x128xi32>
    %select_n3A_736 = arith.select %gt3A_728, %add3A_726, %select_n3A_661 : vector<8x128xi1>, vector<8x128xi32>
    %select_n3A_737 = arith.select %gt3A_727, %select_n3A_659, %select_n3A_736 : vector<8x128xi1>, vector<8x128xi32>
    %select_n3A_738 = arith.select %gt3A_729, %add3A_726, %select_n3A_663 : vector<8x128xi1>, vector<8x128xi32>
    %select_n3A_739 = arith.select %gt3A_728, %select_n3A_661, %select_n3A_738 : vector<8x128xi1>, vector<8x128xi32>
    %get3A_740 = arith.constant 0 : index
    %get3A_741 = arith.constant 7296 : index
    %get3A_742 = vector.load %arg1[%get3A_740, %get3A_741] : memref<8x8192xf32, #tpu.memory_space<vmem>>, vector<8x128xf32>
    %add3A_743 = arith.constant 7296 : i32
    %add3A_744 = vector.broadcast %add3A_743 : i32 to vector<8x128xi32>
    %add3A_745 = arith.addi %iota3A, %add3A_744 : vector<8x128xi32>
    %gt3A_746 = arith.cmpf ogt, %get3A_742, %max3A_674 : vector<8x128xf32>
    %gt3A_747 = arith.cmpf ogt, %get3A_742, %max3A_676 : vector<8x128xf32>
    %gt3A_748 = arith.cmpf ogt, %get3A_742, %max3A_677 : vector<8x128xf32>
    %min3A_749 = arith.minimumf %max3A_674, %get3A_742 : vector<8x128xf32>
    %max3A_750 = arith.maximumf %max3A_674, %get3A_742 : vector<8x128xf32>
    %min3A_751 = arith.minimumf %max3A_676, %min3A_749 : vector<8x128xf32>
    %max3A_752 = arith.maximumf %max3A_676, %min3A_749 : vector<8x128xf32>
    %max3A_753 = arith.maximumf %max3A_677, %min3A_751 : vector<8x128xf32>
    %select_n3A_754 = arith.select %gt3A_746, %add3A_745, %select_n3A_678 : vector<8x128xi1>, vector<8x128xi32>
    %select_n3A_755 = arith.select %gt3A_747, %add3A_745, %select_n3A_680 : vector<8x128xi1>, vector<8x128xi32>
    %select_n3A_756 = arith.select %gt3A_746, %select_n3A_678, %select_n3A_755 : vector<8x128xi1>, vector<8x128xi32>
    %select_n3A_757 = arith.select %gt3A_748, %add3A_745, %select_n3A_682 : vector<8x128xi1>, vector<8x128xi32>
    %select_n3A_758 = arith.select %gt3A_747, %select_n3A_680, %select_n3A_757 : vector<8x128xi1>, vector<8x128xi32>
    %get3A_759 = arith.constant 0 : index
    %get3A_760 = arith.constant 1280 : index
    %get3A_761 = vector.load %arg1[%get3A_759, %get3A_760] : memref<8x8192xf32, #tpu.memory_space<vmem>>, vector<8x128xf32>
    %add3A_762 = arith.constant 1280 : i32
    %add3A_763 = vector.broadcast %add3A_762 : i32 to vector<8x128xi32>
    %add3A_764 = arith.addi %iota3A, %add3A_763 : vector<8x128xi32>
    %gt3A_765 = arith.cmpf ogt, %get3A_761, %max3A_693 : vector<8x128xf32>
    %gt3A_766 = arith.cmpf ogt, %get3A_761, %max3A_695 : vector<8x128xf32>
    %gt3A_767 = arith.cmpf ogt, %get3A_761, %max3A_696 : vector<8x128xf32>
    %min3A_768 = arith.minimumf %max3A_693, %get3A_761 : vector<8x128xf32>
    %max3A_769 = arith.maximumf %max3A_693, %get3A_761 : vector<8x128xf32>
    %min3A_770 = arith.minimumf %max3A_695, %min3A_768 : vector<8x128xf32>
    %max3A_771 = arith.maximumf %max3A_695, %min3A_768 : vector<8x128xf32>
    %max3A_772 = arith.maximumf %max3A_696, %min3A_770 : vector<8x128xf32>
    %select_n3A_773 = arith.select %gt3A_765, %add3A_764, %select_n3A_697 : vector<8x128xi1>, vector<8x128xi32>
    %select_n3A_774 = arith.select %gt3A_766, %add3A_764, %select_n3A_699 : vector<8x128xi1>, vector<8x128xi32>
    %select_n3A_775 = arith.select %gt3A_765, %select_n3A_697, %select_n3A_774 : vector<8x128xi1>, vector<8x128xi32>
    %select_n3A_776 = arith.select %gt3A_767, %add3A_764, %select_n3A_701 : vector<8x128xi1>, vector<8x128xi32>
    %select_n3A_777 = arith.select %gt3A_766, %select_n3A_699, %select_n3A_776 : vector<8x128xi1>, vector<8x128xi32>
    %get3A_778 = arith.constant 0 : index
    %get3A_779 = arith.constant 3328 : index
    %get3A_780 = vector.load %arg1[%get3A_778, %get3A_779] : memref<8x8192xf32, #tpu.memory_space<vmem>>, vector<8x128xf32>
    %add3A_781 = arith.constant 3328 : i32
    %add3A_782 = vector.broadcast %add3A_781 : i32 to vector<8x128xi32>
    %add3A_783 = arith.addi %iota3A, %add3A_782 : vector<8x128xi32>
    %gt3A_784 = arith.cmpf ogt, %get3A_780, %max3A_712 : vector<8x128xf32>
    %gt3A_785 = arith.cmpf ogt, %get3A_780, %max3A_714 : vector<8x128xf32>
    %gt3A_786 = arith.cmpf ogt, %get3A_780, %max3A_715 : vector<8x128xf32>
    %min3A_787 = arith.minimumf %max3A_712, %get3A_780 : vector<8x128xf32>
    %max3A_788 = arith.maximumf %max3A_712, %get3A_780 : vector<8x128xf32>
    %min3A_789 = arith.minimumf %max3A_714, %min3A_787 : vector<8x128xf32>
    %max3A_790 = arith.maximumf %max3A_714, %min3A_787 : vector<8x128xf32>
    %max3A_791 = arith.maximumf %max3A_715, %min3A_789 : vector<8x128xf32>
    %select_n3A_792 = arith.select %gt3A_784, %add3A_783, %select_n3A_716 : vector<8x128xi1>, vector<8x128xi32>
    %select_n3A_793 = arith.select %gt3A_785, %add3A_783, %select_n3A_718 : vector<8x128xi1>, vector<8x128xi32>
    %select_n3A_794 = arith.select %gt3A_784, %select_n3A_716, %select_n3A_793 : vector<8x128xi1>, vector<8x128xi32>
    %select_n3A_795 = arith.select %gt3A_786, %add3A_783, %select_n3A_720 : vector<8x128xi1>, vector<8x128xi32>
    %select_n3A_796 = arith.select %gt3A_785, %select_n3A_718, %select_n3A_795 : vector<8x128xi1>, vector<8x128xi32>
    %get3A_797 = arith.constant 0 : index
    %get3A_798 = arith.constant 5376 : index
    %get3A_799 = vector.load %arg1[%get3A_797, %get3A_798] : memref<8x8192xf32, #tpu.memory_space<vmem>>, vector<8x128xf32>
    %add3A_800 = arith.constant 5376 : i32
    %add3A_801 = vector.broadcast %add3A_800 : i32 to vector<8x128xi32>
    %add3A_802 = arith.addi %iota3A, %add3A_801 : vector<8x128xi32>
    %gt3A_803 = arith.cmpf ogt, %get3A_799, %max3A_731 : vector<8x128xf32>
    %gt3A_804 = arith.cmpf ogt, %get3A_799, %max3A_733 : vector<8x128xf32>
    %gt3A_805 = arith.cmpf ogt, %get3A_799, %max3A_734 : vector<8x128xf32>
    %min3A_806 = arith.minimumf %max3A_731, %get3A_799 : vector<8x128xf32>
    %max3A_807 = arith.maximumf %max3A_731, %get3A_799 : vector<8x128xf32>
    %min3A_808 = arith.minimumf %max3A_733, %min3A_806 : vector<8x128xf32>
    %max3A_809 = arith.maximumf %max3A_733, %min3A_806 : vector<8x128xf32>
    %max3A_810 = arith.maximumf %max3A_734, %min3A_808 : vector<8x128xf32>
    %select_n3A_811 = arith.select %gt3A_803, %add3A_802, %select_n3A_735 : vector<8x128xi1>, vector<8x128xi32>
    %select_n3A_812 = arith.select %gt3A_804, %add3A_802, %select_n3A_737 : vector<8x128xi1>, vector<8x128xi32>
    %select_n3A_813 = arith.select %gt3A_803, %select_n3A_735, %select_n3A_812 : vector<8x128xi1>, vector<8x128xi32>
    %select_n3A_814 = arith.select %gt3A_805, %add3A_802, %select_n3A_739 : vector<8x128xi1>, vector<8x128xi32>
    %select_n3A_815 = arith.select %gt3A_804, %select_n3A_737, %select_n3A_814 : vector<8x128xi1>, vector<8x128xi32>
    %get3A_816 = arith.constant 0 : index
    %get3A_817 = arith.constant 7424 : index
    %get3A_818 = vector.load %arg1[%get3A_816, %get3A_817] : memref<8x8192xf32, #tpu.memory_space<vmem>>, vector<8x128xf32>
    %add3A_819 = arith.constant 7424 : i32
    %add3A_820 = vector.broadcast %add3A_819 : i32 to vector<8x128xi32>
    %add3A_821 = arith.addi %iota3A, %add3A_820 : vector<8x128xi32>
    %gt3A_822 = arith.cmpf ogt, %get3A_818, %max3A_750 : vector<8x128xf32>
    %gt3A_823 = arith.cmpf ogt, %get3A_818, %max3A_752 : vector<8x128xf32>
    %gt3A_824 = arith.cmpf ogt, %get3A_818, %max3A_753 : vector<8x128xf32>
    %min3A_825 = arith.minimumf %max3A_750, %get3A_818 : vector<8x128xf32>
    %max3A_826 = arith.maximumf %max3A_750, %get3A_818 : vector<8x128xf32>
    %min3A_827 = arith.minimumf %max3A_752, %min3A_825 : vector<8x128xf32>
    %max3A_828 = arith.maximumf %max3A_752, %min3A_825 : vector<8x128xf32>
    %max3A_829 = arith.maximumf %max3A_753, %min3A_827 : vector<8x128xf32>
    %select_n3A_830 = arith.select %gt3A_822, %add3A_821, %select_n3A_754 : vector<8x128xi1>, vector<8x128xi32>
    %select_n3A_831 = arith.select %gt3A_823, %add3A_821, %select_n3A_756 : vector<8x128xi1>, vector<8x128xi32>
    %select_n3A_832 = arith.select %gt3A_822, %select_n3A_754, %select_n3A_831 : vector<8x128xi1>, vector<8x128xi32>
    %select_n3A_833 = arith.select %gt3A_824, %add3A_821, %select_n3A_758 : vector<8x128xi1>, vector<8x128xi32>
    %select_n3A_834 = arith.select %gt3A_823, %select_n3A_756, %select_n3A_833 : vector<8x128xi1>, vector<8x128xi32>
    %get3A_835 = arith.constant 0 : index
    %get3A_836 = arith.constant 1408 : index
    %get3A_837 = vector.load %arg1[%get3A_835, %get3A_836] : memref<8x8192xf32, #tpu.memory_space<vmem>>, vector<8x128xf32>
    %add3A_838 = arith.constant 1408 : i32
    %add3A_839 = vector.broadcast %add3A_838 : i32 to vector<8x128xi32>
    %add3A_840 = arith.addi %iota3A, %add3A_839 : vector<8x128xi32>
    %gt3A_841 = arith.cmpf ogt, %get3A_837, %max3A_769 : vector<8x128xf32>
    %gt3A_842 = arith.cmpf ogt, %get3A_837, %max3A_771 : vector<8x128xf32>
    %gt3A_843 = arith.cmpf ogt, %get3A_837, %max3A_772 : vector<8x128xf32>
    %min3A_844 = arith.minimumf %max3A_769, %get3A_837 : vector<8x128xf32>
    %max3A_845 = arith.maximumf %max3A_769, %get3A_837 : vector<8x128xf32>
    %min3A_846 = arith.minimumf %max3A_771, %min3A_844 : vector<8x128xf32>
    %max3A_847 = arith.maximumf %max3A_771, %min3A_844 : vector<8x128xf32>
    %max3A_848 = arith.maximumf %max3A_772, %min3A_846 : vector<8x128xf32>
    %select_n3A_849 = arith.select %gt3A_841, %add3A_840, %select_n3A_773 : vector<8x128xi1>, vector<8x128xi32>
    %select_n3A_850 = arith.select %gt3A_842, %add3A_840, %select_n3A_775 : vector<8x128xi1>, vector<8x128xi32>
    %select_n3A_851 = arith.select %gt3A_841, %select_n3A_773, %select_n3A_850 : vector<8x128xi1>, vector<8x128xi32>
    %select_n3A_852 = arith.select %gt3A_843, %add3A_840, %select_n3A_777 : vector<8x128xi1>, vector<8x128xi32>
    %select_n3A_853 = arith.select %gt3A_842, %select_n3A_775, %select_n3A_852 : vector<8x128xi1>, vector<8x128xi32>
    %get3A_854 = arith.constant 0 : index
    %get3A_855 = arith.constant 3456 : index
    %get3A_856 = vector.load %arg1[%get3A_854, %get3A_855] : memref<8x8192xf32, #tpu.memory_space<vmem>>, vector<8x128xf32>
    %add3A_857 = arith.constant 3456 : i32
    %add3A_858 = vector.broadcast %add3A_857 : i32 to vector<8x128xi32>
    %add3A_859 = arith.addi %iota3A, %add3A_858 : vector<8x128xi32>
    %gt3A_860 = arith.cmpf ogt, %get3A_856, %max3A_788 : vector<8x128xf32>
    %gt3A_861 = arith.cmpf ogt, %get3A_856, %max3A_790 : vector<8x128xf32>
    %gt3A_862 = arith.cmpf ogt, %get3A_856, %max3A_791 : vector<8x128xf32>
    %min3A_863 = arith.minimumf %max3A_788, %get3A_856 : vector<8x128xf32>
    %max3A_864 = arith.maximumf %max3A_788, %get3A_856 : vector<8x128xf32>
    %min3A_865 = arith.minimumf %max3A_790, %min3A_863 : vector<8x128xf32>
    %max3A_866 = arith.maximumf %max3A_790, %min3A_863 : vector<8x128xf32>
    %max3A_867 = arith.maximumf %max3A_791, %min3A_865 : vector<8x128xf32>
    %select_n3A_868 = arith.select %gt3A_860, %add3A_859, %select_n3A_792 : vector<8x128xi1>, vector<8x128xi32>
    %select_n3A_869 = arith.select %gt3A_861, %add3A_859, %select_n3A_794 : vector<8x128xi1>, vector<8x128xi32>
    %select_n3A_870 = arith.select %gt3A_860, %select_n3A_792, %select_n3A_869 : vector<8x128xi1>, vector<8x128xi32>
    %select_n3A_871 = arith.select %gt3A_862, %add3A_859, %select_n3A_796 : vector<8x128xi1>, vector<8x128xi32>
    %select_n3A_872 = arith.select %gt3A_861, %select_n3A_794, %select_n3A_871 : vector<8x128xi1>, vector<8x128xi32>
    %get3A_873 = arith.constant 0 : index
    %get3A_874 = arith.constant 5504 : index
    %get3A_875 = vector.load %arg1[%get3A_873, %get3A_874] : memref<8x8192xf32, #tpu.memory_space<vmem>>, vector<8x128xf32>
    %add3A_876 = arith.constant 5504 : i32
    %add3A_877 = vector.broadcast %add3A_876 : i32 to vector<8x128xi32>
    %add3A_878 = arith.addi %iota3A, %add3A_877 : vector<8x128xi32>
    %gt3A_879 = arith.cmpf ogt, %get3A_875, %max3A_807 : vector<8x128xf32>
    %gt3A_880 = arith.cmpf ogt, %get3A_875, %max3A_809 : vector<8x128xf32>
    %gt3A_881 = arith.cmpf ogt, %get3A_875, %max3A_810 : vector<8x128xf32>
    %min3A_882 = arith.minimumf %max3A_807, %get3A_875 : vector<8x128xf32>
    %max3A_883 = arith.maximumf %max3A_807, %get3A_875 : vector<8x128xf32>
    %min3A_884 = arith.minimumf %max3A_809, %min3A_882 : vector<8x128xf32>
    %max3A_885 = arith.maximumf %max3A_809, %min3A_882 : vector<8x128xf32>
    %max3A_886 = arith.maximumf %max3A_810, %min3A_884 : vector<8x128xf32>
    %select_n3A_887 = arith.select %gt3A_879, %add3A_878, %select_n3A_811 : vector<8x128xi1>, vector<8x128xi32>
    %select_n3A_888 = arith.select %gt3A_880, %add3A_878, %select_n3A_813 : vector<8x128xi1>, vector<8x128xi32>
    %select_n3A_889 = arith.select %gt3A_879, %select_n3A_811, %select_n3A_888 : vector<8x128xi1>, vector<8x128xi32>
    %select_n3A_890 = arith.select %gt3A_881, %add3A_878, %select_n3A_815 : vector<8x128xi1>, vector<8x128xi32>
    %select_n3A_891 = arith.select %gt3A_880, %select_n3A_813, %select_n3A_890 : vector<8x128xi1>, vector<8x128xi32>
    %get3A_892 = arith.constant 0 : index
    %get3A_893 = arith.constant 7552 : index
    %get3A_894 = vector.load %arg1[%get3A_892, %get3A_893] : memref<8x8192xf32, #tpu.memory_space<vmem>>, vector<8x128xf32>
    %add3A_895 = arith.constant 7552 : i32
    %add3A_896 = vector.broadcast %add3A_895 : i32 to vector<8x128xi32>
    %add3A_897 = arith.addi %iota3A, %add3A_896 : vector<8x128xi32>
    %gt3A_898 = arith.cmpf ogt, %get3A_894, %max3A_826 : vector<8x128xf32>
    %gt3A_899 = arith.cmpf ogt, %get3A_894, %max3A_828 : vector<8x128xf32>
    %gt3A_900 = arith.cmpf ogt, %get3A_894, %max3A_829 : vector<8x128xf32>
    %min3A_901 = arith.minimumf %max3A_826, %get3A_894 : vector<8x128xf32>
    %max3A_902 = arith.maximumf %max3A_826, %get3A_894 : vector<8x128xf32>
    %min3A_903 = arith.minimumf %max3A_828, %min3A_901 : vector<8x128xf32>
    %max3A_904 = arith.maximumf %max3A_828, %min3A_901 : vector<8x128xf32>
    %max3A_905 = arith.maximumf %max3A_829, %min3A_903 : vector<8x128xf32>
    %select_n3A_906 = arith.select %gt3A_898, %add3A_897, %select_n3A_830 : vector<8x128xi1>, vector<8x128xi32>
    %select_n3A_907 = arith.select %gt3A_899, %add3A_897, %select_n3A_832 : vector<8x128xi1>, vector<8x128xi32>
    %select_n3A_908 = arith.select %gt3A_898, %select_n3A_830, %select_n3A_907 : vector<8x128xi1>, vector<8x128xi32>
    %select_n3A_909 = arith.select %gt3A_900, %add3A_897, %select_n3A_834 : vector<8x128xi1>, vector<8x128xi32>
    %select_n3A_910 = arith.select %gt3A_899, %select_n3A_832, %select_n3A_909 : vector<8x128xi1>, vector<8x128xi32>
    %get3A_911 = arith.constant 0 : index
    %get3A_912 = arith.constant 1536 : index
    %get3A_913 = vector.load %arg1[%get3A_911, %get3A_912] : memref<8x8192xf32, #tpu.memory_space<vmem>>, vector<8x128xf32>
    %add3A_914 = arith.constant 1536 : i32
    %add3A_915 = vector.broadcast %add3A_914 : i32 to vector<8x128xi32>
    %add3A_916 = arith.addi %iota3A, %add3A_915 : vector<8x128xi32>
    %gt3A_917 = arith.cmpf ogt, %get3A_913, %max3A_845 : vector<8x128xf32>
    %gt3A_918 = arith.cmpf ogt, %get3A_913, %max3A_847 : vector<8x128xf32>
    %gt3A_919 = arith.cmpf ogt, %get3A_913, %max3A_848 : vector<8x128xf32>
    %min3A_920 = arith.minimumf %max3A_845, %get3A_913 : vector<8x128xf32>
    %max3A_921 = arith.maximumf %max3A_845, %get3A_913 : vector<8x128xf32>
    %min3A_922 = arith.minimumf %max3A_847, %min3A_920 : vector<8x128xf32>
    %max3A_923 = arith.maximumf %max3A_847, %min3A_920 : vector<8x128xf32>
    %max3A_924 = arith.maximumf %max3A_848, %min3A_922 : vector<8x128xf32>
    %select_n3A_925 = arith.select %gt3A_917, %add3A_916, %select_n3A_849 : vector<8x128xi1>, vector<8x128xi32>
    %select_n3A_926 = arith.select %gt3A_918, %add3A_916, %select_n3A_851 : vector<8x128xi1>, vector<8x128xi32>
    %select_n3A_927 = arith.select %gt3A_917, %select_n3A_849, %select_n3A_926 : vector<8x128xi1>, vector<8x128xi32>
    %select_n3A_928 = arith.select %gt3A_919, %add3A_916, %select_n3A_853 : vector<8x128xi1>, vector<8x128xi32>
    %select_n3A_929 = arith.select %gt3A_918, %select_n3A_851, %select_n3A_928 : vector<8x128xi1>, vector<8x128xi32>
    %get3A_930 = arith.constant 0 : index
    %get3A_931 = arith.constant 3584 : index
    %get3A_932 = vector.load %arg1[%get3A_930, %get3A_931] : memref<8x8192xf32, #tpu.memory_space<vmem>>, vector<8x128xf32>
    %add3A_933 = arith.constant 3584 : i32
    %add3A_934 = vector.broadcast %add3A_933 : i32 to vector<8x128xi32>
    %add3A_935 = arith.addi %iota3A, %add3A_934 : vector<8x128xi32>
    %gt3A_936 = arith.cmpf ogt, %get3A_932, %max3A_864 : vector<8x128xf32>
    %gt3A_937 = arith.cmpf ogt, %get3A_932, %max3A_866 : vector<8x128xf32>
    %gt3A_938 = arith.cmpf ogt, %get3A_932, %max3A_867 : vector<8x128xf32>
    %min3A_939 = arith.minimumf %max3A_864, %get3A_932 : vector<8x128xf32>
    %max3A_940 = arith.maximumf %max3A_864, %get3A_932 : vector<8x128xf32>
    %min3A_941 = arith.minimumf %max3A_866, %min3A_939 : vector<8x128xf32>
    %max3A_942 = arith.maximumf %max3A_866, %min3A_939 : vector<8x128xf32>
    %max3A_943 = arith.maximumf %max3A_867, %min3A_941 : vector<8x128xf32>
    %select_n3A_944 = arith.select %gt3A_936, %add3A_935, %select_n3A_868 : vector<8x128xi1>, vector<8x128xi32>
    %select_n3A_945 = arith.select %gt3A_937, %add3A_935, %select_n3A_870 : vector<8x128xi1>, vector<8x128xi32>
    %select_n3A_946 = arith.select %gt3A_936, %select_n3A_868, %select_n3A_945 : vector<8x128xi1>, vector<8x128xi32>
    %select_n3A_947 = arith.select %gt3A_938, %add3A_935, %select_n3A_872 : vector<8x128xi1>, vector<8x128xi32>
    %select_n3A_948 = arith.select %gt3A_937, %select_n3A_870, %select_n3A_947 : vector<8x128xi1>, vector<8x128xi32>
    %get3A_949 = arith.constant 0 : index
    %get3A_950 = arith.constant 5632 : index
    %get3A_951 = vector.load %arg1[%get3A_949, %get3A_950] : memref<8x8192xf32, #tpu.memory_space<vmem>>, vector<8x128xf32>
    %add3A_952 = arith.constant 5632 : i32
    %add3A_953 = vector.broadcast %add3A_952 : i32 to vector<8x128xi32>
    %add3A_954 = arith.addi %iota3A, %add3A_953 : vector<8x128xi32>
    %gt3A_955 = arith.cmpf ogt, %get3A_951, %max3A_883 : vector<8x128xf32>
    %gt3A_956 = arith.cmpf ogt, %get3A_951, %max3A_885 : vector<8x128xf32>
    %gt3A_957 = arith.cmpf ogt, %get3A_951, %max3A_886 : vector<8x128xf32>
    %min3A_958 = arith.minimumf %max3A_883, %get3A_951 : vector<8x128xf32>
    %max3A_959 = arith.maximumf %max3A_883, %get3A_951 : vector<8x128xf32>
    %min3A_960 = arith.minimumf %max3A_885, %min3A_958 : vector<8x128xf32>
    %max3A_961 = arith.maximumf %max3A_885, %min3A_958 : vector<8x128xf32>
    %max3A_962 = arith.maximumf %max3A_886, %min3A_960 : vector<8x128xf32>
    %select_n3A_963 = arith.select %gt3A_955, %add3A_954, %select_n3A_887 : vector<8x128xi1>, vector<8x128xi32>
    %select_n3A_964 = arith.select %gt3A_956, %add3A_954, %select_n3A_889 : vector<8x128xi1>, vector<8x128xi32>
    %select_n3A_965 = arith.select %gt3A_955, %select_n3A_887, %select_n3A_964 : vector<8x128xi1>, vector<8x128xi32>
    %select_n3A_966 = arith.select %gt3A_957, %add3A_954, %select_n3A_891 : vector<8x128xi1>, vector<8x128xi32>
    %select_n3A_967 = arith.select %gt3A_956, %select_n3A_889, %select_n3A_966 : vector<8x128xi1>, vector<8x128xi32>
    %get3A_968 = arith.constant 0 : index
    %get3A_969 = arith.constant 7680 : index
    %get3A_970 = vector.load %arg1[%get3A_968, %get3A_969] : memref<8x8192xf32, #tpu.memory_space<vmem>>, vector<8x128xf32>
    %add3A_971 = arith.constant 7680 : i32
    %add3A_972 = vector.broadcast %add3A_971 : i32 to vector<8x128xi32>
    %add3A_973 = arith.addi %iota3A, %add3A_972 : vector<8x128xi32>
    %gt3A_974 = arith.cmpf ogt, %get3A_970, %max3A_902 : vector<8x128xf32>
    %gt3A_975 = arith.cmpf ogt, %get3A_970, %max3A_904 : vector<8x128xf32>
    %gt3A_976 = arith.cmpf ogt, %get3A_970, %max3A_905 : vector<8x128xf32>
    %min3A_977 = arith.minimumf %max3A_902, %get3A_970 : vector<8x128xf32>
    %max3A_978 = arith.maximumf %max3A_902, %get3A_970 : vector<8x128xf32>
    %min3A_979 = arith.minimumf %max3A_904, %min3A_977 : vector<8x128xf32>
    %max3A_980 = arith.maximumf %max3A_904, %min3A_977 : vector<8x128xf32>
    %max3A_981 = arith.maximumf %max3A_905, %min3A_979 : vector<8x128xf32>
    %select_n3A_982 = arith.select %gt3A_974, %add3A_973, %select_n3A_906 : vector<8x128xi1>, vector<8x128xi32>
    %select_n3A_983 = arith.select %gt3A_975, %add3A_973, %select_n3A_908 : vector<8x128xi1>, vector<8x128xi32>
    %select_n3A_984 = arith.select %gt3A_974, %select_n3A_906, %select_n3A_983 : vector<8x128xi1>, vector<8x128xi32>
    %select_n3A_985 = arith.select %gt3A_976, %add3A_973, %select_n3A_910 : vector<8x128xi1>, vector<8x128xi32>
    %select_n3A_986 = arith.select %gt3A_975, %select_n3A_908, %select_n3A_985 : vector<8x128xi1>, vector<8x128xi32>
    %get3A_987 = arith.constant 0 : index
    %get3A_988 = arith.constant 1664 : index
    %get3A_989 = vector.load %arg1[%get3A_987, %get3A_988] : memref<8x8192xf32, #tpu.memory_space<vmem>>, vector<8x128xf32>
    %add3A_990 = arith.constant 1664 : i32
    %add3A_991 = vector.broadcast %add3A_990 : i32 to vector<8x128xi32>
    %add3A_992 = arith.addi %iota3A, %add3A_991 : vector<8x128xi32>
    %gt3A_993 = arith.cmpf ogt, %get3A_989, %max3A_921 : vector<8x128xf32>
    %gt3A_994 = arith.cmpf ogt, %get3A_989, %max3A_923 : vector<8x128xf32>
    %gt3A_995 = arith.cmpf ogt, %get3A_989, %max3A_924 : vector<8x128xf32>
    %min3A_996 = arith.minimumf %max3A_921, %get3A_989 : vector<8x128xf32>
    %max3A_997 = arith.maximumf %max3A_921, %get3A_989 : vector<8x128xf32>
    %min3A_998 = arith.minimumf %max3A_923, %min3A_996 : vector<8x128xf32>
    %max3A_999 = arith.maximumf %max3A_923, %min3A_996 : vector<8x128xf32>
    %max3A_1000 = arith.maximumf %max3A_924, %min3A_998 : vector<8x128xf32>
    %select_n3A_1001 = arith.select %gt3A_993, %add3A_992, %select_n3A_925 : vector<8x128xi1>, vector<8x128xi32>
    %select_n3A_1002 = arith.select %gt3A_994, %add3A_992, %select_n3A_927 : vector<8x128xi1>, vector<8x128xi32>
    %select_n3A_1003 = arith.select %gt3A_993, %select_n3A_925, %select_n3A_1002 : vector<8x128xi1>, vector<8x128xi32>
    %select_n3A_1004 = arith.select %gt3A_995, %add3A_992, %select_n3A_929 : vector<8x128xi1>, vector<8x128xi32>
    %select_n3A_1005 = arith.select %gt3A_994, %select_n3A_927, %select_n3A_1004 : vector<8x128xi1>, vector<8x128xi32>
    %get3A_1006 = arith.constant 0 : index
    %get3A_1007 = arith.constant 3712 : index
    %get3A_1008 = vector.load %arg1[%get3A_1006, %get3A_1007] : memref<8x8192xf32, #tpu.memory_space<vmem>>, vector<8x128xf32>
    %add3A_1009 = arith.constant 3712 : i32
    %add3A_1010 = vector.broadcast %add3A_1009 : i32 to vector<8x128xi32>
    %add3A_1011 = arith.addi %iota3A, %add3A_1010 : vector<8x128xi32>
    %gt3A_1012 = arith.cmpf ogt, %get3A_1008, %max3A_940 : vector<8x128xf32>
    %gt3A_1013 = arith.cmpf ogt, %get3A_1008, %max3A_942 : vector<8x128xf32>
    %gt3A_1014 = arith.cmpf ogt, %get3A_1008, %max3A_943 : vector<8x128xf32>
    %min3A_1015 = arith.minimumf %max3A_940, %get3A_1008 : vector<8x128xf32>
    %max3A_1016 = arith.maximumf %max3A_940, %get3A_1008 : vector<8x128xf32>
    %min3A_1017 = arith.minimumf %max3A_942, %min3A_1015 : vector<8x128xf32>
    %max3A_1018 = arith.maximumf %max3A_942, %min3A_1015 : vector<8x128xf32>
    %max3A_1019 = arith.maximumf %max3A_943, %min3A_1017 : vector<8x128xf32>
    %select_n3A_1020 = arith.select %gt3A_1012, %add3A_1011, %select_n3A_944 : vector<8x128xi1>, vector<8x128xi32>
    %select_n3A_1021 = arith.select %gt3A_1013, %add3A_1011, %select_n3A_946 : vector<8x128xi1>, vector<8x128xi32>
    %select_n3A_1022 = arith.select %gt3A_1012, %select_n3A_944, %select_n3A_1021 : vector<8x128xi1>, vector<8x128xi32>
    %select_n3A_1023 = arith.select %gt3A_1014, %add3A_1011, %select_n3A_948 : vector<8x128xi1>, vector<8x128xi32>
    %select_n3A_1024 = arith.select %gt3A_1013, %select_n3A_946, %select_n3A_1023 : vector<8x128xi1>, vector<8x128xi32>
    %get3A_1025 = arith.constant 0 : index
    %get3A_1026 = arith.constant 5760 : index
    %get3A_1027 = vector.load %arg1[%get3A_1025, %get3A_1026] : memref<8x8192xf32, #tpu.memory_space<vmem>>, vector<8x128xf32>
    %add3A_1028 = arith.constant 5760 : i32
    %add3A_1029 = vector.broadcast %add3A_1028 : i32 to vector<8x128xi32>
    %add3A_1030 = arith.addi %iota3A, %add3A_1029 : vector<8x128xi32>
    %gt3A_1031 = arith.cmpf ogt, %get3A_1027, %max3A_959 : vector<8x128xf32>
    %gt3A_1032 = arith.cmpf ogt, %get3A_1027, %max3A_961 : vector<8x128xf32>
    %gt3A_1033 = arith.cmpf ogt, %get3A_1027, %max3A_962 : vector<8x128xf32>
    %min3A_1034 = arith.minimumf %max3A_959, %get3A_1027 : vector<8x128xf32>
    %max3A_1035 = arith.maximumf %max3A_959, %get3A_1027 : vector<8x128xf32>
    %min3A_1036 = arith.minimumf %max3A_961, %min3A_1034 : vector<8x128xf32>
    %max3A_1037 = arith.maximumf %max3A_961, %min3A_1034 : vector<8x128xf32>
    %max3A_1038 = arith.maximumf %max3A_962, %min3A_1036 : vector<8x128xf32>
    %select_n3A_1039 = arith.select %gt3A_1031, %add3A_1030, %select_n3A_963 : vector<8x128xi1>, vector<8x128xi32>
    %select_n3A_1040 = arith.select %gt3A_1032, %add3A_1030, %select_n3A_965 : vector<8x128xi1>, vector<8x128xi32>
    %select_n3A_1041 = arith.select %gt3A_1031, %select_n3A_963, %select_n3A_1040 : vector<8x128xi1>, vector<8x128xi32>
    %select_n3A_1042 = arith.select %gt3A_1033, %add3A_1030, %select_n3A_967 : vector<8x128xi1>, vector<8x128xi32>
    %select_n3A_1043 = arith.select %gt3A_1032, %select_n3A_965, %select_n3A_1042 : vector<8x128xi1>, vector<8x128xi32>
    %get3A_1044 = arith.constant 0 : index
    %get3A_1045 = arith.constant 7808 : index
    %get3A_1046 = vector.load %arg1[%get3A_1044, %get3A_1045] : memref<8x8192xf32, #tpu.memory_space<vmem>>, vector<8x128xf32>
    %add3A_1047 = arith.constant 7808 : i32
    %add3A_1048 = vector.broadcast %add3A_1047 : i32 to vector<8x128xi32>
    %add3A_1049 = arith.addi %iota3A, %add3A_1048 : vector<8x128xi32>
    %gt3A_1050 = arith.cmpf ogt, %get3A_1046, %max3A_978 : vector<8x128xf32>
    %gt3A_1051 = arith.cmpf ogt, %get3A_1046, %max3A_980 : vector<8x128xf32>
    %gt3A_1052 = arith.cmpf ogt, %get3A_1046, %max3A_981 : vector<8x128xf32>
    %min3A_1053 = arith.minimumf %max3A_978, %get3A_1046 : vector<8x128xf32>
    %max3A_1054 = arith.maximumf %max3A_978, %get3A_1046 : vector<8x128xf32>
    %min3A_1055 = arith.minimumf %max3A_980, %min3A_1053 : vector<8x128xf32>
    %max3A_1056 = arith.maximumf %max3A_980, %min3A_1053 : vector<8x128xf32>
    %max3A_1057 = arith.maximumf %max3A_981, %min3A_1055 : vector<8x128xf32>
    %select_n3A_1058 = arith.select %gt3A_1050, %add3A_1049, %select_n3A_982 : vector<8x128xi1>, vector<8x128xi32>
    %select_n3A_1059 = arith.select %gt3A_1051, %add3A_1049, %select_n3A_984 : vector<8x128xi1>, vector<8x128xi32>
    %select_n3A_1060 = arith.select %gt3A_1050, %select_n3A_982, %select_n3A_1059 : vector<8x128xi1>, vector<8x128xi32>
    %select_n3A_1061 = arith.select %gt3A_1052, %add3A_1049, %select_n3A_986 : vector<8x128xi1>, vector<8x128xi32>
    %select_n3A_1062 = arith.select %gt3A_1051, %select_n3A_984, %select_n3A_1061 : vector<8x128xi1>, vector<8x128xi32>
    %get3A_1063 = arith.constant 0 : index
    %get3A_1064 = arith.constant 1792 : index
    %get3A_1065 = vector.load %arg1[%get3A_1063, %get3A_1064] : memref<8x8192xf32, #tpu.memory_space<vmem>>, vector<8x128xf32>
    %add3A_1066 = arith.constant 1792 : i32
    %add3A_1067 = vector.broadcast %add3A_1066 : i32 to vector<8x128xi32>
    %add3A_1068 = arith.addi %iota3A, %add3A_1067 : vector<8x128xi32>
    %gt3A_1069 = arith.cmpf ogt, %get3A_1065, %max3A_997 : vector<8x128xf32>
    %gt3A_1070 = arith.cmpf ogt, %get3A_1065, %max3A_999 : vector<8x128xf32>
    %gt3A_1071 = arith.cmpf ogt, %get3A_1065, %max3A_1000 : vector<8x128xf32>
    %min3A_1072 = arith.minimumf %max3A_997, %get3A_1065 : vector<8x128xf32>
    %max3A_1073 = arith.maximumf %max3A_997, %get3A_1065 : vector<8x128xf32>
    %min3A_1074 = arith.minimumf %max3A_999, %min3A_1072 : vector<8x128xf32>
    %max3A_1075 = arith.maximumf %max3A_999, %min3A_1072 : vector<8x128xf32>
    %max3A_1076 = arith.maximumf %max3A_1000, %min3A_1074 : vector<8x128xf32>
    %select_n3A_1077 = arith.select %gt3A_1069, %add3A_1068, %select_n3A_1001 : vector<8x128xi1>, vector<8x128xi32>
    %select_n3A_1078 = arith.select %gt3A_1070, %add3A_1068, %select_n3A_1003 : vector<8x128xi1>, vector<8x128xi32>
    %select_n3A_1079 = arith.select %gt3A_1069, %select_n3A_1001, %select_n3A_1078 : vector<8x128xi1>, vector<8x128xi32>
    %select_n3A_1080 = arith.select %gt3A_1071, %add3A_1068, %select_n3A_1005 : vector<8x128xi1>, vector<8x128xi32>
    %select_n3A_1081 = arith.select %gt3A_1070, %select_n3A_1003, %select_n3A_1080 : vector<8x128xi1>, vector<8x128xi32>
    %get3A_1082 = arith.constant 0 : index
    %get3A_1083 = arith.constant 3840 : index
    %get3A_1084 = vector.load %arg1[%get3A_1082, %get3A_1083] : memref<8x8192xf32, #tpu.memory_space<vmem>>, vector<8x128xf32>
    %add3A_1085 = arith.constant 3840 : i32
    %add3A_1086 = vector.broadcast %add3A_1085 : i32 to vector<8x128xi32>
    %add3A_1087 = arith.addi %iota3A, %add3A_1086 : vector<8x128xi32>
    %gt3A_1088 = arith.cmpf ogt, %get3A_1084, %max3A_1016 : vector<8x128xf32>
    %gt3A_1089 = arith.cmpf ogt, %get3A_1084, %max3A_1018 : vector<8x128xf32>
    %gt3A_1090 = arith.cmpf ogt, %get3A_1084, %max3A_1019 : vector<8x128xf32>
    %min3A_1091 = arith.minimumf %max3A_1016, %get3A_1084 : vector<8x128xf32>
    %max3A_1092 = arith.maximumf %max3A_1016, %get3A_1084 : vector<8x128xf32>
    %min3A_1093 = arith.minimumf %max3A_1018, %min3A_1091 : vector<8x128xf32>
    %max3A_1094 = arith.maximumf %max3A_1018, %min3A_1091 : vector<8x128xf32>
    %max3A_1095 = arith.maximumf %max3A_1019, %min3A_1093 : vector<8x128xf32>
    %select_n3A_1096 = arith.select %gt3A_1088, %add3A_1087, %select_n3A_1020 : vector<8x128xi1>, vector<8x128xi32>
    %select_n3A_1097 = arith.select %gt3A_1089, %add3A_1087, %select_n3A_1022 : vector<8x128xi1>, vector<8x128xi32>
    %select_n3A_1098 = arith.select %gt3A_1088, %select_n3A_1020, %select_n3A_1097 : vector<8x128xi1>, vector<8x128xi32>
    %select_n3A_1099 = arith.select %gt3A_1090, %add3A_1087, %select_n3A_1024 : vector<8x128xi1>, vector<8x128xi32>
    %select_n3A_1100 = arith.select %gt3A_1089, %select_n3A_1022, %select_n3A_1099 : vector<8x128xi1>, vector<8x128xi32>
    %get3A_1101 = arith.constant 0 : index
    %get3A_1102 = arith.constant 5888 : index
    %get3A_1103 = vector.load %arg1[%get3A_1101, %get3A_1102] : memref<8x8192xf32, #tpu.memory_space<vmem>>, vector<8x128xf32>
    %add3A_1104 = arith.constant 5888 : i32
    %add3A_1105 = vector.broadcast %add3A_1104 : i32 to vector<8x128xi32>
    %add3A_1106 = arith.addi %iota3A, %add3A_1105 : vector<8x128xi32>
    %gt3A_1107 = arith.cmpf ogt, %get3A_1103, %max3A_1035 : vector<8x128xf32>
    %gt3A_1108 = arith.cmpf ogt, %get3A_1103, %max3A_1037 : vector<8x128xf32>
    %gt3A_1109 = arith.cmpf ogt, %get3A_1103, %max3A_1038 : vector<8x128xf32>
    %min3A_1110 = arith.minimumf %max3A_1035, %get3A_1103 : vector<8x128xf32>
    %max3A_1111 = arith.maximumf %max3A_1035, %get3A_1103 : vector<8x128xf32>
    %min3A_1112 = arith.minimumf %max3A_1037, %min3A_1110 : vector<8x128xf32>
    %max3A_1113 = arith.maximumf %max3A_1037, %min3A_1110 : vector<8x128xf32>
    %max3A_1114 = arith.maximumf %max3A_1038, %min3A_1112 : vector<8x128xf32>
    %select_n3A_1115 = arith.select %gt3A_1107, %add3A_1106, %select_n3A_1039 : vector<8x128xi1>, vector<8x128xi32>
    %select_n3A_1116 = arith.select %gt3A_1108, %add3A_1106, %select_n3A_1041 : vector<8x128xi1>, vector<8x128xi32>
    %select_n3A_1117 = arith.select %gt3A_1107, %select_n3A_1039, %select_n3A_1116 : vector<8x128xi1>, vector<8x128xi32>
    %select_n3A_1118 = arith.select %gt3A_1109, %add3A_1106, %select_n3A_1043 : vector<8x128xi1>, vector<8x128xi32>
    %select_n3A_1119 = arith.select %gt3A_1108, %select_n3A_1041, %select_n3A_1118 : vector<8x128xi1>, vector<8x128xi32>
    %get3A_1120 = arith.constant 0 : index
    %get3A_1121 = arith.constant 7936 : index
    %get3A_1122 = vector.load %arg1[%get3A_1120, %get3A_1121] : memref<8x8192xf32, #tpu.memory_space<vmem>>, vector<8x128xf32>
    %add3A_1123 = arith.constant 7936 : i32
    %add3A_1124 = vector.broadcast %add3A_1123 : i32 to vector<8x128xi32>
    %add3A_1125 = arith.addi %iota3A, %add3A_1124 : vector<8x128xi32>
    %gt3A_1126 = arith.cmpf ogt, %get3A_1122, %max3A_1054 : vector<8x128xf32>
    %gt3A_1127 = arith.cmpf ogt, %get3A_1122, %max3A_1056 : vector<8x128xf32>
    %gt3A_1128 = arith.cmpf ogt, %get3A_1122, %max3A_1057 : vector<8x128xf32>
    %min3A_1129 = arith.minimumf %max3A_1054, %get3A_1122 : vector<8x128xf32>
    %max3A_1130 = arith.maximumf %max3A_1054, %get3A_1122 : vector<8x128xf32>
    %min3A_1131 = arith.minimumf %max3A_1056, %min3A_1129 : vector<8x128xf32>
    %max3A_1132 = arith.maximumf %max3A_1056, %min3A_1129 : vector<8x128xf32>
    %max3A_1133 = arith.maximumf %max3A_1057, %min3A_1131 : vector<8x128xf32>
    %select_n3A_1134 = arith.select %gt3A_1126, %add3A_1125, %select_n3A_1058 : vector<8x128xi1>, vector<8x128xi32>
    %select_n3A_1135 = arith.select %gt3A_1127, %add3A_1125, %select_n3A_1060 : vector<8x128xi1>, vector<8x128xi32>
    %select_n3A_1136 = arith.select %gt3A_1126, %select_n3A_1058, %select_n3A_1135 : vector<8x128xi1>, vector<8x128xi32>
    %select_n3A_1137 = arith.select %gt3A_1128, %add3A_1125, %select_n3A_1062 : vector<8x128xi1>, vector<8x128xi32>
    %select_n3A_1138 = arith.select %gt3A_1127, %select_n3A_1060, %select_n3A_1137 : vector<8x128xi1>, vector<8x128xi32>
    %get3A_1139 = arith.constant 0 : index
    %get3A_1140 = arith.constant 1920 : index
    %get3A_1141 = vector.load %arg1[%get3A_1139, %get3A_1140] : memref<8x8192xf32, #tpu.memory_space<vmem>>, vector<8x128xf32>
    %add3A_1142 = arith.constant 1920 : i32
    %add3A_1143 = vector.broadcast %add3A_1142 : i32 to vector<8x128xi32>
    %add3A_1144 = arith.addi %iota3A, %add3A_1143 : vector<8x128xi32>
    %gt3A_1145 = arith.cmpf ogt, %get3A_1141, %max3A_1073 : vector<8x128xf32>
    %gt3A_1146 = arith.cmpf ogt, %get3A_1141, %max3A_1075 : vector<8x128xf32>
    %gt3A_1147 = arith.cmpf ogt, %get3A_1141, %max3A_1076 : vector<8x128xf32>
    %min3A_1148 = arith.minimumf %max3A_1073, %get3A_1141 : vector<8x128xf32>
    %max3A_1149 = arith.maximumf %max3A_1073, %get3A_1141 : vector<8x128xf32>
    %min3A_1150 = arith.minimumf %max3A_1075, %min3A_1148 : vector<8x128xf32>
    %max3A_1151 = arith.maximumf %max3A_1075, %min3A_1148 : vector<8x128xf32>
    %max3A_1152 = arith.maximumf %max3A_1076, %min3A_1150 : vector<8x128xf32>
    %select_n3A_1153 = arith.select %gt3A_1145, %add3A_1144, %select_n3A_1077 : vector<8x128xi1>, vector<8x128xi32>
    %select_n3A_1154 = arith.select %gt3A_1146, %add3A_1144, %select_n3A_1079 : vector<8x128xi1>, vector<8x128xi32>
    %select_n3A_1155 = arith.select %gt3A_1145, %select_n3A_1077, %select_n3A_1154 : vector<8x128xi1>, vector<8x128xi32>
    %select_n3A_1156 = arith.select %gt3A_1147, %add3A_1144, %select_n3A_1081 : vector<8x128xi1>, vector<8x128xi32>
    %select_n3A_1157 = arith.select %gt3A_1146, %select_n3A_1079, %select_n3A_1156 : vector<8x128xi1>, vector<8x128xi32>
    %get3A_1158 = arith.constant 0 : index
    %get3A_1159 = arith.constant 3968 : index
    %get3A_1160 = vector.load %arg1[%get3A_1158, %get3A_1159] : memref<8x8192xf32, #tpu.memory_space<vmem>>, vector<8x128xf32>
    %add3A_1161 = arith.constant 3968 : i32
    %add3A_1162 = vector.broadcast %add3A_1161 : i32 to vector<8x128xi32>
    %add3A_1163 = arith.addi %iota3A, %add3A_1162 : vector<8x128xi32>
    %gt3A_1164 = arith.cmpf ogt, %get3A_1160, %max3A_1092 : vector<8x128xf32>
    %gt3A_1165 = arith.cmpf ogt, %get3A_1160, %max3A_1094 : vector<8x128xf32>
    %gt3A_1166 = arith.cmpf ogt, %get3A_1160, %max3A_1095 : vector<8x128xf32>
    %min3A_1167 = arith.minimumf %max3A_1092, %get3A_1160 : vector<8x128xf32>
    %max3A_1168 = arith.maximumf %max3A_1092, %get3A_1160 : vector<8x128xf32>
    %min3A_1169 = arith.minimumf %max3A_1094, %min3A_1167 : vector<8x128xf32>
    %max3A_1170 = arith.maximumf %max3A_1094, %min3A_1167 : vector<8x128xf32>
    %max3A_1171 = arith.maximumf %max3A_1095, %min3A_1169 : vector<8x128xf32>
    %select_n3A_1172 = arith.select %gt3A_1164, %add3A_1163, %select_n3A_1096 : vector<8x128xi1>, vector<8x128xi32>
    %select_n3A_1173 = arith.select %gt3A_1165, %add3A_1163, %select_n3A_1098 : vector<8x128xi1>, vector<8x128xi32>
    %select_n3A_1174 = arith.select %gt3A_1164, %select_n3A_1096, %select_n3A_1173 : vector<8x128xi1>, vector<8x128xi32>
    %select_n3A_1175 = arith.select %gt3A_1166, %add3A_1163, %select_n3A_1100 : vector<8x128xi1>, vector<8x128xi32>
    %select_n3A_1176 = arith.select %gt3A_1165, %select_n3A_1098, %select_n3A_1175 : vector<8x128xi1>, vector<8x128xi32>
    %get3A_1177 = arith.constant 0 : index
    %get3A_1178 = arith.constant 6016 : index
    %get3A_1179 = vector.load %arg1[%get3A_1177, %get3A_1178] : memref<8x8192xf32, #tpu.memory_space<vmem>>, vector<8x128xf32>
    %add3A_1180 = arith.constant 6016 : i32
    %add3A_1181 = vector.broadcast %add3A_1180 : i32 to vector<8x128xi32>
    %add3A_1182 = arith.addi %iota3A, %add3A_1181 : vector<8x128xi32>
    %gt3A_1183 = arith.cmpf ogt, %get3A_1179, %max3A_1111 : vector<8x128xf32>
    %gt3A_1184 = arith.cmpf ogt, %get3A_1179, %max3A_1113 : vector<8x128xf32>
    %gt3A_1185 = arith.cmpf ogt, %get3A_1179, %max3A_1114 : vector<8x128xf32>
    %min3A_1186 = arith.minimumf %max3A_1111, %get3A_1179 : vector<8x128xf32>
    %max3A_1187 = arith.maximumf %max3A_1111, %get3A_1179 : vector<8x128xf32>
    %min3A_1188 = arith.minimumf %max3A_1113, %min3A_1186 : vector<8x128xf32>
    %max3A_1189 = arith.maximumf %max3A_1113, %min3A_1186 : vector<8x128xf32>
    %max3A_1190 = arith.maximumf %max3A_1114, %min3A_1188 : vector<8x128xf32>
    %select_n3A_1191 = arith.select %gt3A_1183, %add3A_1182, %select_n3A_1115 : vector<8x128xi1>, vector<8x128xi32>
    %select_n3A_1192 = arith.select %gt3A_1184, %add3A_1182, %select_n3A_1117 : vector<8x128xi1>, vector<8x128xi32>
    %select_n3A_1193 = arith.select %gt3A_1183, %select_n3A_1115, %select_n3A_1192 : vector<8x128xi1>, vector<8x128xi32>
    %select_n3A_1194 = arith.select %gt3A_1185, %add3A_1182, %select_n3A_1119 : vector<8x128xi1>, vector<8x128xi32>
    %select_n3A_1195 = arith.select %gt3A_1184, %select_n3A_1117, %select_n3A_1194 : vector<8x128xi1>, vector<8x128xi32>
    %get3A_1196 = arith.constant 0 : index
    %get3A_1197 = arith.constant 8064 : index
    %get3A_1198 = vector.load %arg1[%get3A_1196, %get3A_1197] : memref<8x8192xf32, #tpu.memory_space<vmem>>, vector<8x128xf32>
    %add3A_1199 = arith.constant 8064 : i32
    %add3A_1200 = vector.broadcast %add3A_1199 : i32 to vector<8x128xi32>
    %add3A_1201 = arith.addi %iota3A, %add3A_1200 : vector<8x128xi32>
    %gt3A_1202 = arith.cmpf ogt, %get3A_1198, %max3A_1130 : vector<8x128xf32>
    %gt3A_1203 = arith.cmpf ogt, %get3A_1198, %max3A_1132 : vector<8x128xf32>
    %gt3A_1204 = arith.cmpf ogt, %get3A_1198, %max3A_1133 : vector<8x128xf32>
    %min3A_1205 = arith.minimumf %max3A_1130, %get3A_1198 : vector<8x128xf32>
    %max3A_1206 = arith.maximumf %max3A_1130, %get3A_1198 : vector<8x128xf32>
    %min3A_1207 = arith.minimumf %max3A_1132, %min3A_1205 : vector<8x128xf32>
    %max3A_1208 = arith.maximumf %max3A_1132, %min3A_1205 : vector<8x128xf32>
    %max3A_1209 = arith.maximumf %max3A_1133, %min3A_1207 : vector<8x128xf32>
    %select_n3A_1210 = arith.select %gt3A_1202, %add3A_1201, %select_n3A_1134 : vector<8x128xi1>, vector<8x128xi32>
    %select_n3A_1211 = arith.select %gt3A_1203, %add3A_1201, %select_n3A_1136 : vector<8x128xi1>, vector<8x128xi32>
    %select_n3A_1212 = arith.select %gt3A_1202, %select_n3A_1134, %select_n3A_1211 : vector<8x128xi1>, vector<8x128xi32>
    %select_n3A_1213 = arith.select %gt3A_1204, %add3A_1201, %select_n3A_1138 : vector<8x128xi1>, vector<8x128xi32>
    %select_n3A_1214 = arith.select %gt3A_1203, %select_n3A_1136, %select_n3A_1213 : vector<8x128xi1>, vector<8x128xi32>
    %gt3A_1215 = arith.cmpf ogt, %max3A_1168, %max3A_1149 : vector<8x128xf32>
    %gt3A_1216 = arith.cmpf ogt, %max3A_1168, %max3A_1151 : vector<8x128xf32>
    %gt3A_1217 = arith.cmpf ogt, %max3A_1168, %max3A_1152 : vector<8x128xf32>
    %min3A_1218 = arith.minimumf %max3A_1149, %max3A_1168 : vector<8x128xf32>
    %max3A_1219 = arith.maximumf %max3A_1149, %max3A_1168 : vector<8x128xf32>
    %min3A_1220 = arith.minimumf %max3A_1151, %min3A_1218 : vector<8x128xf32>
    %max3A_1221 = arith.maximumf %max3A_1151, %min3A_1218 : vector<8x128xf32>
    %max3A_1222 = arith.maximumf %max3A_1152, %min3A_1220 : vector<8x128xf32>
    %select_n3A_1223 = arith.select %gt3A_1215, %select_n3A_1172, %select_n3A_1153 : vector<8x128xi1>, vector<8x128xi32>
    %select_n3A_1224 = arith.select %gt3A_1216, %select_n3A_1172, %select_n3A_1155 : vector<8x128xi1>, vector<8x128xi32>
    %select_n3A_1225 = arith.select %gt3A_1215, %select_n3A_1153, %select_n3A_1224 : vector<8x128xi1>, vector<8x128xi32>
    %select_n3A_1226 = arith.select %gt3A_1217, %select_n3A_1172, %select_n3A_1157 : vector<8x128xi1>, vector<8x128xi32>
    %select_n3A_1227 = arith.select %gt3A_1216, %select_n3A_1155, %select_n3A_1226 : vector<8x128xi1>, vector<8x128xi32>
    %gt3A_1228 = arith.cmpf ogt, %max3A_1170, %max3A_1219 : vector<8x128xf32>
    %gt3A_1229 = arith.cmpf ogt, %max3A_1170, %max3A_1221 : vector<8x128xf32>
    %gt3A_1230 = arith.cmpf ogt, %max3A_1170, %max3A_1222 : vector<8x128xf32>
    %min3A_1231 = arith.minimumf %max3A_1219, %max3A_1170 : vector<8x128xf32>
    %max3A_1232 = arith.maximumf %max3A_1219, %max3A_1170 : vector<8x128xf32>
    %min3A_1233 = arith.minimumf %max3A_1221, %min3A_1231 : vector<8x128xf32>
    %max3A_1234 = arith.maximumf %max3A_1221, %min3A_1231 : vector<8x128xf32>
    %max3A_1235 = arith.maximumf %max3A_1222, %min3A_1233 : vector<8x128xf32>
    %select_n3A_1236 = arith.select %gt3A_1228, %select_n3A_1174, %select_n3A_1223 : vector<8x128xi1>, vector<8x128xi32>
    %select_n3A_1237 = arith.select %gt3A_1229, %select_n3A_1174, %select_n3A_1225 : vector<8x128xi1>, vector<8x128xi32>
    %select_n3A_1238 = arith.select %gt3A_1228, %select_n3A_1223, %select_n3A_1237 : vector<8x128xi1>, vector<8x128xi32>
    %select_n3A_1239 = arith.select %gt3A_1230, %select_n3A_1174, %select_n3A_1227 : vector<8x128xi1>, vector<8x128xi32>
    %select_n3A_1240 = arith.select %gt3A_1229, %select_n3A_1225, %select_n3A_1239 : vector<8x128xi1>, vector<8x128xi32>
    %gt3A_1241 = arith.cmpf ogt, %max3A_1171, %max3A_1232 : vector<8x128xf32>
    %gt3A_1242 = arith.cmpf ogt, %max3A_1171, %max3A_1234 : vector<8x128xf32>
    %gt3A_1243 = arith.cmpf ogt, %max3A_1171, %max3A_1235 : vector<8x128xf32>
    %min3A_1244 = arith.minimumf %max3A_1232, %max3A_1171 : vector<8x128xf32>
    %max3A_1245 = arith.maximumf %max3A_1232, %max3A_1171 : vector<8x128xf32>
    %min3A_1246 = arith.minimumf %max3A_1234, %min3A_1244 : vector<8x128xf32>
    %max3A_1247 = arith.maximumf %max3A_1234, %min3A_1244 : vector<8x128xf32>
    %max3A_1248 = arith.maximumf %max3A_1235, %min3A_1246 : vector<8x128xf32>
    %select_n3A_1249 = arith.select %gt3A_1241, %select_n3A_1176, %select_n3A_1236 : vector<8x128xi1>, vector<8x128xi32>
    %select_n3A_1250 = arith.select %gt3A_1242, %select_n3A_1176, %select_n3A_1238 : vector<8x128xi1>, vector<8x128xi32>
    %select_n3A_1251 = arith.select %gt3A_1241, %select_n3A_1236, %select_n3A_1250 : vector<8x128xi1>, vector<8x128xi32>
    %select_n3A_1252 = arith.select %gt3A_1243, %select_n3A_1176, %select_n3A_1240 : vector<8x128xi1>, vector<8x128xi32>
    %select_n3A_1253 = arith.select %gt3A_1242, %select_n3A_1238, %select_n3A_1252 : vector<8x128xi1>, vector<8x128xi32>
    %gt3A_1254 = arith.cmpf ogt, %max3A_1187, %max3A_1245 : vector<8x128xf32>
    %gt3A_1255 = arith.cmpf ogt, %max3A_1187, %max3A_1247 : vector<8x128xf32>
    %gt3A_1256 = arith.cmpf ogt, %max3A_1187, %max3A_1248 : vector<8x128xf32>
    %min3A_1257 = arith.minimumf %max3A_1245, %max3A_1187 : vector<8x128xf32>
    %max3A_1258 = arith.maximumf %max3A_1245, %max3A_1187 : vector<8x128xf32>
    %min3A_1259 = arith.minimumf %max3A_1247, %min3A_1257 : vector<8x128xf32>
    %max3A_1260 = arith.maximumf %max3A_1247, %min3A_1257 : vector<8x128xf32>
    %max3A_1261 = arith.maximumf %max3A_1248, %min3A_1259 : vector<8x128xf32>
    %select_n3A_1262 = arith.select %gt3A_1254, %select_n3A_1191, %select_n3A_1249 : vector<8x128xi1>, vector<8x128xi32>
    %select_n3A_1263 = arith.select %gt3A_1255, %select_n3A_1191, %select_n3A_1251 : vector<8x128xi1>, vector<8x128xi32>
    %select_n3A_1264 = arith.select %gt3A_1254, %select_n3A_1249, %select_n3A_1263 : vector<8x128xi1>, vector<8x128xi32>
    %select_n3A_1265 = arith.select %gt3A_1256, %select_n3A_1191, %select_n3A_1253 : vector<8x128xi1>, vector<8x128xi32>
    %select_n3A_1266 = arith.select %gt3A_1255, %select_n3A_1251, %select_n3A_1265 : vector<8x128xi1>, vector<8x128xi32>
    %gt3A_1267 = arith.cmpf ogt, %max3A_1189, %max3A_1258 : vector<8x128xf32>
    %gt3A_1268 = arith.cmpf ogt, %max3A_1189, %max3A_1260 : vector<8x128xf32>
    %gt3A_1269 = arith.cmpf ogt, %max3A_1189, %max3A_1261 : vector<8x128xf32>
    %min3A_1270 = arith.minimumf %max3A_1258, %max3A_1189 : vector<8x128xf32>
    %max3A_1271 = arith.maximumf %max3A_1258, %max3A_1189 : vector<8x128xf32>
    %min3A_1272 = arith.minimumf %max3A_1260, %min3A_1270 : vector<8x128xf32>
    %max3A_1273 = arith.maximumf %max3A_1260, %min3A_1270 : vector<8x128xf32>
    %max3A_1274 = arith.maximumf %max3A_1261, %min3A_1272 : vector<8x128xf32>
    %select_n3A_1275 = arith.select %gt3A_1267, %select_n3A_1193, %select_n3A_1262 : vector<8x128xi1>, vector<8x128xi32>
    %select_n3A_1276 = arith.select %gt3A_1268, %select_n3A_1193, %select_n3A_1264 : vector<8x128xi1>, vector<8x128xi32>
    %select_n3A_1277 = arith.select %gt3A_1267, %select_n3A_1262, %select_n3A_1276 : vector<8x128xi1>, vector<8x128xi32>
    %select_n3A_1278 = arith.select %gt3A_1269, %select_n3A_1193, %select_n3A_1266 : vector<8x128xi1>, vector<8x128xi32>
    %select_n3A_1279 = arith.select %gt3A_1268, %select_n3A_1264, %select_n3A_1278 : vector<8x128xi1>, vector<8x128xi32>
    %gt3A_1280 = arith.cmpf ogt, %max3A_1190, %max3A_1271 : vector<8x128xf32>
    %gt3A_1281 = arith.cmpf ogt, %max3A_1190, %max3A_1273 : vector<8x128xf32>
    %gt3A_1282 = arith.cmpf ogt, %max3A_1190, %max3A_1274 : vector<8x128xf32>
    %min3A_1283 = arith.minimumf %max3A_1271, %max3A_1190 : vector<8x128xf32>
    %max3A_1284 = arith.maximumf %max3A_1271, %max3A_1190 : vector<8x128xf32>
    %min3A_1285 = arith.minimumf %max3A_1273, %min3A_1283 : vector<8x128xf32>
    %max3A_1286 = arith.maximumf %max3A_1273, %min3A_1283 : vector<8x128xf32>
    %max3A_1287 = arith.maximumf %max3A_1274, %min3A_1285 : vector<8x128xf32>
    %select_n3A_1288 = arith.select %gt3A_1280, %select_n3A_1195, %select_n3A_1275 : vector<8x128xi1>, vector<8x128xi32>
    %select_n3A_1289 = arith.select %gt3A_1281, %select_n3A_1195, %select_n3A_1277 : vector<8x128xi1>, vector<8x128xi32>
    %select_n3A_1290 = arith.select %gt3A_1280, %select_n3A_1275, %select_n3A_1289 : vector<8x128xi1>, vector<8x128xi32>
    %select_n3A_1291 = arith.select %gt3A_1282, %select_n3A_1195, %select_n3A_1279 : vector<8x128xi1>, vector<8x128xi32>
    %select_n3A_1292 = arith.select %gt3A_1281, %select_n3A_1277, %select_n3A_1291 : vector<8x128xi1>, vector<8x128xi32>
    %gt3A_1293 = arith.cmpf ogt, %max3A_1206, %max3A_1284 : vector<8x128xf32>
    %gt3A_1294 = arith.cmpf ogt, %max3A_1206, %max3A_1286 : vector<8x128xf32>
    %gt3A_1295 = arith.cmpf ogt, %max3A_1206, %max3A_1287 : vector<8x128xf32>
    %min3A_1296 = arith.minimumf %max3A_1284, %max3A_1206 : vector<8x128xf32>
    %max3A_1297 = arith.maximumf %max3A_1284, %max3A_1206 : vector<8x128xf32>
    %min3A_1298 = arith.minimumf %max3A_1286, %min3A_1296 : vector<8x128xf32>
    %max3A_1299 = arith.maximumf %max3A_1286, %min3A_1296 : vector<8x128xf32>
    %max3A_1300 = arith.maximumf %max3A_1287, %min3A_1298 : vector<8x128xf32>
    %select_n3A_1301 = arith.select %gt3A_1293, %select_n3A_1210, %select_n3A_1288 : vector<8x128xi1>, vector<8x128xi32>
    %select_n3A_1302 = arith.select %gt3A_1294, %select_n3A_1210, %select_n3A_1290 : vector<8x128xi1>, vector<8x128xi32>
    %select_n3A_1303 = arith.select %gt3A_1293, %select_n3A_1288, %select_n3A_1302 : vector<8x128xi1>, vector<8x128xi32>
    %select_n3A_1304 = arith.select %gt3A_1295, %select_n3A_1210, %select_n3A_1292 : vector<8x128xi1>, vector<8x128xi32>
    %select_n3A_1305 = arith.select %gt3A_1294, %select_n3A_1290, %select_n3A_1304 : vector<8x128xi1>, vector<8x128xi32>
    %gt3A_1306 = arith.cmpf ogt, %max3A_1208, %max3A_1297 : vector<8x128xf32>
    %gt3A_1307 = arith.cmpf ogt, %max3A_1208, %max3A_1299 : vector<8x128xf32>
    %gt3A_1308 = arith.cmpf ogt, %max3A_1208, %max3A_1300 : vector<8x128xf32>
    %min3A_1309 = arith.minimumf %max3A_1297, %max3A_1208 : vector<8x128xf32>
    %max3A_1310 = arith.maximumf %max3A_1297, %max3A_1208 : vector<8x128xf32>
    %min3A_1311 = arith.minimumf %max3A_1299, %min3A_1309 : vector<8x128xf32>
    %max3A_1312 = arith.maximumf %max3A_1299, %min3A_1309 : vector<8x128xf32>
    %max3A_1313 = arith.maximumf %max3A_1300, %min3A_1311 : vector<8x128xf32>
    %select_n3A_1314 = arith.select %gt3A_1306, %select_n3A_1212, %select_n3A_1301 : vector<8x128xi1>, vector<8x128xi32>
    %select_n3A_1315 = arith.select %gt3A_1307, %select_n3A_1212, %select_n3A_1303 : vector<8x128xi1>, vector<8x128xi32>
    %select_n3A_1316 = arith.select %gt3A_1306, %select_n3A_1301, %select_n3A_1315 : vector<8x128xi1>, vector<8x128xi32>
    %select_n3A_1317 = arith.select %gt3A_1308, %select_n3A_1212, %select_n3A_1305 : vector<8x128xi1>, vector<8x128xi32>
    %select_n3A_1318 = arith.select %gt3A_1307, %select_n3A_1303, %select_n3A_1317 : vector<8x128xi1>, vector<8x128xi32>
    %gt3A_1319 = arith.cmpf ogt, %max3A_1209, %max3A_1310 : vector<8x128xf32>
    %gt3A_1320 = arith.cmpf ogt, %max3A_1209, %max3A_1312 : vector<8x128xf32>
    %gt3A_1321 = arith.cmpf ogt, %max3A_1209, %max3A_1313 : vector<8x128xf32>
    %min3A_1322 = arith.minimumf %max3A_1310, %max3A_1209 : vector<8x128xf32>
    %max3A_1323 = arith.maximumf %max3A_1310, %max3A_1209 : vector<8x128xf32>
    %min3A_1324 = arith.minimumf %max3A_1312, %min3A_1322 : vector<8x128xf32>
    %max3A_1325 = arith.maximumf %max3A_1312, %min3A_1322 : vector<8x128xf32>
    %max3A_1326 = arith.maximumf %max3A_1313, %min3A_1324 : vector<8x128xf32>
    %select_n3A_1327 = arith.select %gt3A_1319, %select_n3A_1214, %select_n3A_1314 : vector<8x128xi1>, vector<8x128xi32>
    %select_n3A_1328 = arith.select %gt3A_1320, %select_n3A_1214, %select_n3A_1316 : vector<8x128xi1>, vector<8x128xi32>
    %select_n3A_1329 = arith.select %gt3A_1319, %select_n3A_1314, %select_n3A_1328 : vector<8x128xi1>, vector<8x128xi32>
    %select_n3A_1330 = arith.select %gt3A_1321, %select_n3A_1214, %select_n3A_1318 : vector<8x128xi1>, vector<8x128xi32>
    %select_n3A_1331 = arith.select %gt3A_1320, %select_n3A_1316, %select_n3A_1330 : vector<8x128xi1>, vector<8x128xi32>
    %reduce_max3A = arith.constant dense<0xFF800000> : vector<8xf32>
    %reduce_max3A_1332 = vector.multi_reduction <maximumf>, %max3A_1323, %reduce_max3A [1] : vector<8x128xf32> to vector<8xf32>
    %broadcast_in_dim3A_1333 = vector.shape_cast %reduce_max3A_1332 : vector<8xf32> to vector<8x1xf32>
    %eq3A = vector.broadcast %broadcast_in_dim3A_1333 : vector<8x1xf32> to vector<8x128xf32>
    %eq3A_1334 = arith.cmpf oeq, %max3A_1323, %eq3A : vector<8x128xf32>
    %select_n3A_1335 = arith.select %eq3A_1334, %select_n3A_1327, %broadcast_in_dim3A_4 : vector<8x128xi1>, vector<8x128xi32>
    %reduce_min3A = arith.constant dense<2147483647> : vector<8xi32>
    %reduce_min3A_1336 = vector.multi_reduction <minsi>, %select_n3A_1335, %reduce_min3A [1] : vector<8x128xi32> to vector<8xi32>
    %broadcast_in_dim3A_1337 = vector.shape_cast %reduce_min3A_1336 : vector<8xi32> to vector<8x1xi32>
    %eq3A_1338 = vector.broadcast %broadcast_in_dim3A_1333 : vector<8x1xf32> to vector<8x128xf32>
    %eq3A_1339 = arith.cmpf oeq, %max3A_1323, %eq3A_1338 : vector<8x128xf32>
    %eq3A_1340 = vector.broadcast %broadcast_in_dim3A_1337 : vector<8x1xi32> to vector<8x128xi32>
    %eq3A_1341 = arith.cmpi eq, %select_n3A_1327, %eq3A_1340 : vector<8x128xi32>
    %and3A = arith.andi %eq3A_1339, %eq3A_1341 : vector<8x128xi1>
    %select_n3A_1342 = arith.select %and3A, %max3A_1325, %max3A_1323 : vector<8x128xi1>, vector<8x128xf32>
    %select_n3A_1343 = arith.select %and3A, %select_n3A_1329, %select_n3A_1327 : vector<8x128xi1>, vector<8x128xi32>
    %select_n3A_1344 = arith.select %and3A, %max3A_1326, %max3A_1325 : vector<8x128xi1>, vector<8x128xf32>
    %select_n3A_1345 = arith.select %and3A, %select_n3A_1331, %select_n3A_1329 : vector<8x128xi1>, vector<8x128xi32>
    %reduce_max3A_1346 = arith.constant dense<0xFF800000> : vector<8xf32>
    %reduce_max3A_1347 = vector.multi_reduction <maximumf>, %select_n3A_1342, %reduce_max3A_1346 [1] : vector<8x128xf32> to vector<8xf32>
    %broadcast_in_dim3A_1348 = vector.shape_cast %reduce_max3A_1347 : vector<8xf32> to vector<8x1xf32>
    %eq3A_1349 = vector.broadcast %broadcast_in_dim3A_1348 : vector<8x1xf32> to vector<8x128xf32>
    %eq3A_1350 = arith.cmpf oeq, %select_n3A_1342, %eq3A_1349 : vector<8x128xf32>
    %select_n3A_1351 = arith.select %eq3A_1350, %select_n3A_1343, %broadcast_in_dim3A_4 : vector<8x128xi1>, vector<8x128xi32>
    %reduce_min3A_1352 = arith.constant dense<2147483647> : vector<8xi32>
    %reduce_min3A_1353 = vector.multi_reduction <minsi>, %select_n3A_1351, %reduce_min3A_1352 [1] : vector<8x128xi32> to vector<8xi32>
    %broadcast_in_dim3A_1354 = vector.shape_cast %reduce_min3A_1353 : vector<8xi32> to vector<8x1xi32>
    %eq3A_1355 = vector.broadcast %broadcast_in_dim3A_1348 : vector<8x1xf32> to vector<8x128xf32>
    %eq3A_1356 = arith.cmpf oeq, %select_n3A_1342, %eq3A_1355 : vector<8x128xf32>
    %eq3A_1357 = vector.broadcast %broadcast_in_dim3A_1354 : vector<8x1xi32> to vector<8x128xi32>
    %eq3A_1358 = arith.cmpi eq, %select_n3A_1343, %eq3A_1357 : vector<8x128xi32>
    %and3A_1359 = arith.andi %eq3A_1356, %eq3A_1358 : vector<8x128xi1>
    %select_n3A_1360 = arith.select %and3A_1359, %select_n3A_1344, %select_n3A_1342 : vector<8x128xi1>, vector<8x128xf32>
    %select_n3A_1361 = arith.select %and3A_1359, %select_n3A_1345, %select_n3A_1343 : vector<8x128xi1>, vector<8x128xi32>
    %reduce_max3A_1362 = arith.constant dense<0xFF800000> : vector<8xf32>
    %reduce_max3A_1363 = vector.multi_reduction <maximumf>, %select_n3A_1360, %reduce_max3A_1362 [1] : vector<8x128xf32> to vector<8xf32>
    %broadcast_in_dim3A_1364 = vector.shape_cast %reduce_max3A_1363 : vector<8xf32> to vector<8x1xf32>
    %eq3A_1365 = vector.broadcast %broadcast_in_dim3A_1364 : vector<8x1xf32> to vector<8x128xf32>
    %eq3A_1366 = arith.cmpf oeq, %select_n3A_1360, %eq3A_1365 : vector<8x128xf32>
    %select_n3A_1367 = arith.select %eq3A_1366, %select_n3A_1361, %broadcast_in_dim3A_4 : vector<8x128xi1>, vector<8x128xi32>
    %reduce_min3A_1368 = arith.constant dense<2147483647> : vector<8xi32>
    %reduce_min3A_1369 = vector.multi_reduction <minsi>, %select_n3A_1367, %reduce_min3A_1368 [1] : vector<8x128xi32> to vector<8xi32>
    %broadcast_in_dim3A_1370 = vector.shape_cast %reduce_min3A_1369 : vector<8xi32> to vector<8x1xi32>
    %concatenate3A = tpu.concatenate %broadcast_in_dim3A_1333, %broadcast_in_dim3A_1348, %broadcast_in_dim3A_1364 in 1 : vector<8x1xf32>, vector<8x1xf32>, vector<8x1xf32> -> vector<8x3xf32>
    %swap3A = arith.constant 0 : index
    %swap3A_1371 = arith.constant 0 : index
    %swap3A_1372 = vector.load %arg2[%swap3A, %swap3A_1371] : memref<8x3xf32, #tpu.memory_space<vmem>>, vector<8x3xf32>
    tpu.vector_store %arg2[%swap3A, %swap3A_1371], %concatenate3A {strides = array<i32>} : memref<8x3xf32, #tpu.memory_space<vmem>>, vector<8x3xf32>,
    %concatenate3A_1373 = tpu.concatenate %broadcast_in_dim3A_1337, %broadcast_in_dim3A_1354, %broadcast_in_dim3A_1370 in 1 : vector<8x1xi32>, vector<8x1xi32>, vector<8x1xi32> -> vector<8x3xi32>
    %swap3A_1374 = arith.constant 0 : index
    %swap3A_1375 = arith.constant 0 : index
    %swap3A_1376 = vector.load %arg3[%swap3A_1374, %swap3A_1375] : memref<8x3xi32, #tpu.memory_space<vmem>>, vector<8x3xi32>
    tpu.vector_store %arg3[%swap3A_1374, %swap3A_1375], %concatenate3A_1373 {strides = array<i32>} : memref<8x3xi32, #tpu.memory_space<vmem>>, vector<8x3xi32>,
    return
  }
  func.func @transform_0(%arg0: i32) -> (i32, i32) {
    %add3A = arith.constant 8 : i32
    %add3A_0 = arith.addi %arg0, %add3A : i32
    %c0_i32 = arith.constant 0 : i32
    %c0_i32_1 = arith.constant 0 : i32
    return %add3A_0, %c0_i32 : i32, i32
  }
  func.func @transform_1(%arg0: i32) -> (i32, i32) {
    %c0_i32 = arith.constant 0 : i32
    %c0_i32_0 = arith.constant 0 : i32
    return %arg0, %c0_i32 : i32, i32
  }
  func.func @transform_2(%arg0: i32) -> (i32, i32) {
    %c0_i32 = arith.constant 0 : i32
    %c0_i32_0 = arith.constant 0 : i32
    return %arg0, %c0_i32 : i32, i32
  }
}

</mosaic_0001>

<sc_bundles>
// kernel: kernel.4.cloned.1.call-start
scs
__scs_entry_jumppad:
0x0: {  	(pc) =	sbr.rel $0x88, $3  }
0x1: {  	(tag) =	ssettag $0x0;
	lr =	simm.s32 $0x1  }
0x2: {  	[smem:$0x3FA0] =	sst lr;
	_ =	strace $0xD0000000  }
0x3: {  	_ = 	snop  }
0x4: {  	_ = 	snop  }
0x5: {  	_ = 	snop  }
0x6: {  	_ = 	snop  }
0x7: {  	_ = 	snop  }
__scs_overlays_trampoline_lowered:
0x8: {  	[smem:$0x3FAF] =	sst s0  }
0x9: {  	[smem:$0x3FB0] =	sst s1  }
0xa: {  	[smem:$0x3FB1] =	sst s2  }
0xb: {  	[smem:$0x3FB2] =	sst s3  }
0xc: {  	[smem:$0x3FB3] =	sst s4  }
0xd: {  	[smem:$0x3FB4] =	sst s5  }
0xe: {  	[smem:$0x3FB5] =	sst s6  }
0xf: {  	[smem:$0x3FB6] =	sst s7  }
0x10: {  	[smem:$0x3FB7] =	sst s8  }
0x11: {  	[smem:$0x3FB8] =	sst s9;
	s0 =	simm.s32 @!p0 $0x0  }
0x12: {  	s1 =	sld [smem:$0x3F9E];
	s0 =	simm.s32 @p0 $0x1  }
0x13: {  	[smem:$0x3FB9] =	sst s0;
	s0 =	simm.s32 @!p1 $0x0  }
0x14: {  	s2 =	sld [smem:$0x3F9D];
	s0 =	simm.s32 @p1 $0x1  }
0x15: {  	[smem:$0x3FBA] =	sst s0;
	s0 =	simm.s32 @!p2 $0x0  }
0x16: {  	s3 =	sld [smem:$0x3FDB];
	s0 =	simm.s32 @p2 $0x1  }
0x17: {  	s4 =	simm.s32 $0x1BF5;
	[smem:$0x3FBC] =	sst s0  }
0x18: {  	s0 =	sld [smem:$0x3F9F];
	_ =	swait.ge [sflag:s4], $0x0  }
0x19: {  	s7 =	sld [smem:$0x3FA0]  }
0x1a: {  	s8 =	sadd.s32 $0xFFFFE003, lr  }
0x1b: {  	s9 =	sadd.s32 $0xFFFFFEF7, lr;
	s5 =	simm.s32 $0xFFFFFFFF;
	p2 =	slt.u32 s8, $0xFFFFF086  }
0x1c: {  	p1 =	slt.u32 s9, $0xF7A;
	s5 =	simm.s32 @!p2 $0x0  }
0x1d: {  	s5 =	simm.s32 @p1 $0x1;
	p0 =	seq.s32 s7, s2  }
0x1e: {  	s7 =	smul.u32 @!p0 $0xF7A, s2;
	p2 =	seq.s32 @!p0 s5, $0x0  }
0x1f: {  	s9 =	smul.u32 $0xF7A, s1;
	s8 =	simm.s32 @!p0 $0x1BF5;
	p2 =	por !p2, p0  }
0x20: {  	[sflag:s8] =	ssyncset.s32 @!p0 $0xFFFFF086;
	s6 =	sadd.s32 @!p0 s3, s7;
	s7 =	simm.s32 @!p0 $0x108  }
0x21: {  	s3 =	sadd.s32 s3, s9;
	s6 =	sadd.s32 @!p0 $0x88, s6;
	s7 =	simm.s32 @p2 $0x1082  }
0x22: {  	[simem:s7], [sflag:s8] =	dma.local @!p0 [hbm:s6], $0xF7A  }
0x23: {  	s9 =	sor.u32 $0xD0000000, s2;
	s6 =	simm.s32 $0x108;
	_ =	swait.ge @!p0 [sflag:s8], $0x0  }
0x24: {  	s3 =	sadd.s32 $0x88, s3;
	s6 =	simm.s32 @!p1 $0x1082;
	[sflag:s4] =	ssyncset.s32 $0xFFFFF086  }
0x25: {  	[simem:s6], [sflag:s4] =	dma.local [hbm:s3], $0xF7A  }
0x26: {  	[smem:$0x3FA0] =	sst s1;
	(tag) =	ssettag s2;
	_ =	strace s9  }
0x27: {  	s1 =	sld [smem:$0x3FB0]  }
0x28: {  	s2 =	sld [smem:$0x3FB1]  }
0x29: {  	s4 =	sld [smem:$0x3FB3]  }
0x2a: {  	p0 =	seq.s32 s5, $0x0;
	s5 =	sld [smem:$0x3FB4]  }
0x2b: {  	s6 =	sld [smem:$0x3FB5]  }
0x2c: {  	s7 =	sld [smem:$0x3FB6]  }
0x2d: {  	s3 =	simm.s32 $0x108;
	s8 =	sld [smem:$0x3FB7]  }
0x2e: {  	s3 =	simm.s32 @!p0 $0x1082;
	s9 =	sld [smem:$0x3FB8]  }
0x2f: {  	lr =	sadd.s32 s0, s3;
	s0 =	sld [smem:$0x3FAF]  }
0x30: {  	s3 =	sld [smem:$0x3FB2]  }
0x31: {  	[smem:$0x3FBB] =	sst s10  }
0x32: {  	s10 =	sld [smem:$0x3FB9];
	_ =	sdelay $0x3  }
0x33: {  	p0 =	seq.s32 s10, $0x1;
	s10 =	sld [smem:$0x3FBB];
	_ =	sdelay $0x3  }
0x34: {  	[smem:$0x3FBB] =	sst s10  }
0x35: {  	s10 =	sld [smem:$0x3FBA];
	_ =	sdelay $0x3  }
0x36: {  	p1 =	seq.s32 s10, $0x1;
	s10 =	sld [smem:$0x3FBB];
	_ =	sdelay $0x3  }
0x37: {  	[smem:$0x3FBB] =	sst s10  }
0x38: {  	s10 =	sld [smem:$0x3FBC]  }
0x39: {  	_ = 	snop;
	(pc) =	sbr.ind lr, $3  }
0x3a: {  	_ = 	snop  }
0x3b: {  	_ = 	snop  }
0x3c: {  	p2 =	seq.s32 s10, $0x1;
	s10 =	sld [smem:$0x3FBB]  }
0x3d: {  	_ =	shalt  }
0x3e: {  	_ =	shalt  }
0x3f: {  	_ =	shalt  }
0x40: {  	_ =	shalt  }
0x41: {  	_ =	shalt  }
0x42: {  	_ =	shalt  }
0x43: {  	_ =	shalt  }
0x44: {  	_ =	shalt  }
0x45: {  	_ =	shalt  }
0x46: {  	_ =	shalt  }
0x47: {  	_ =	shalt  }
0x48: {  	_ =	shalt  }
0x49: {  	_ =	shalt  }
0x4a: {  	_ =	shalt  }
0x4b: {  	_ =	shalt  }
0x4c: {  	_ =	shalt  }
0x4d: {  	_ =	shalt  }
0x4e: {  	_ =	shalt  }
0x4f: {  	_ =	shalt  }
0x50: {  	_ =	shalt  }
0x51: {  	_ =	shalt  }
0x52: {  	_ =	shalt  }
0x53: {  	_ =	shalt  }
0x54: {  	_ =	shalt  }
0x55: {  	_ =	shalt  }
0x56: {  	_ =	shalt  }
0x57: {  	_ =	shalt  }
0x58: {  	_ =	shalt  }
0x59: {  	_ =	shalt  }
0x5a: {  	_ =	shalt  }
0x5b: {  	_ =	shalt  }
0x5c: {  	_ =	shalt  }
0x5d: {  	_ =	shalt  }
0x5e: {  	_ =	shalt  }
0x5f: {  	_ =	shalt  }
0x60: {  	_ =	shalt  }
0x61: {  	_ =	shalt  }
0x62: {  	_ =	shalt  }
0x63: {  	_ =	shalt  }
0x64: {  	_ =	shalt  }
0x65: {  	_ =	shalt  }
0x66: {  	_ =	shalt  }
0x67: {  	_ =	shalt  }
0x68: {  	_ =	shalt  }
0x69: {  	_ =	shalt  }
0x6a: {  	_ =	shalt  }
0x6b: {  	_ =	shalt  }
0x6c: {  	_ =	shalt  }
0x6d: {  	_ =	shalt  }
0x6e: {  	_ =	shalt  }
0x6f: {  	_ =	shalt  }
0x70: {  	_ =	shalt  }
0x71: {  	_ =	shalt  }
0x72: {  	_ =	shalt  }
0x73: {  	_ =	shalt  }
0x74: {  	_ =	shalt  }
0x75: {  	_ =	shalt  }
0x76: {  	_ =	shalt  }
0x77: {  	_ =	shalt  }
0x78: {  	_ =	shalt  }
0x79: {  	_ =	shalt  }
0x7a: {  	_ =	shalt  }
0x7b: {  	_ =	shalt  }
0x7c: {  	_ =	shalt  }
0x7d: {  	_ =	shalt  }
0x7e: {  	_ =	shalt  }
0x7f: {  	_ =	shalt  }
0x80: {  	_ =	shalt  }
0x81: {  	_ =	shalt  }
0x82: {  	_ =	shalt  }
0x83: {  	_ =	shalt  }
0x84: {  	_ =	shalt  }
0x85: {  	_ =	shalt  }
0x86: {  	_ =	shalt  }
0x87: {  	_ =	shalt  }
.Lfunc_end0:
.L_simem_size_0:
called_computation_lowered:
.L_overlay_start_0:
0x88: {  	s2 =	sld [smem:$0x3FD9]  }
0x89: {  	s3 =	sld [smem:$0x3FFE];
	_ =	sdelay $0x1  }
0x8a: {  	s1 =	srdreg.scid  }
0x8b: {  	s0 =	sand.u32 $0x1, s1  }
0x8c: {  	s17 =	sshll.u32 s0, $0xA;
	s2 =	sadd.s32 s3, s2  }
0x8d: {  	s2 =	sadd.s32 s2, s17  }
0x8e: {  	[smem:$0x3FC7] =	sst s2  }
0x8f: {  	_ = 	snop  }
0x90: {  	s2 =	sld [smem:$0x3FC9];
	(tm) =	ssettm $0x1  }
0x91: {  	s18 =	sld [smem:$0x3FFB];
	_ =	sdelay $0x3  }
0x92: {  	_ =	strace s18  }
0x93: {  	s3 =	sld [smem:$0x3FFC];
	_ =	sdelay $0x3  }
0x94: {  	_ =	strace s3  }
0x95: {  	s3 =	sld [smem:$0x3FFD];
	_ =	sdelay $0x3  }
0x96: {  	_ =	strace s3  }
0x97: {  	_ =	strace $0x8FFFFFFF  }
0x98: {  	s19 =	sld [smem:$0x3FDB];
	_ =	sdelay $0x1  }
0x99: {  	s4 =	simm.s32 $_scs_section_size  }
0x9a: {  	s5 =	simm.s32 $_size__tile_overlayer_lowered;
	s6 =	simm.s32 $_tile_overlayer_lowered  }
0x9b: {  	s22 =	simm.s32 $0x1BFF;
	s21 =	sshll.u32 s6, $0x1;
	s3 =	sadd.s32 s4, s19  }
0x9c: {  	s7 =	simm.s32 $0x0;
	s20 =	sshll.u32 s5, $0x1;
	s5 =	sadd.s32 s21, s3  }
0x9d: {  	[timem:s7], [sflag:s22] =	dma.local [hbm:s5], s20  }
0x9e: {  	_ =	swait.ge [sflag:s22], s20  }
0x9f: {  	s4 =	ssub.s32 $0x0, s20;
	[sflag:s22] =	ssyncset.done $0x0  }
0xa0: {  	[sflag:s22] =	ssyncadd.s32 s4;
	_ =	sdelay $0x1  }
0xa1: {  	s23 =	simm.s32 $0x1B8B  }
0xa2: {  	_ =	swait.ge [sflag:s23], $0x1  }
0xa3: {  	[sflag:s23] =	ssyncset.done $0x0  }
0xa4: {  	s25 =	simm.s32 $0x1B8E;
	s24 =	sld [smem:$0x3FFE];
	[sflag:s23] =	ssyncadd.s32 $0xFFFFFFFF  }
0xa5: {  	s26 =	simm.s32 $execute0_lowered;
	[smem:$0x3FD2] =	sst s25  }
0xa6: {  	s5 =	sshll.u32 s26, $0x1;
	_ =	strace $0x80000046;
	[dreg:$0x1] =	wrdreg $0xFFFFFFFF  }
0xa7: {  	s28 =	simm.s32 $_size_execute0_lowered;
	s3 =	sadd.s32 s3, s5;
	[dreg:$0x0] =	wrdreg $0x0  }
0xa8: {  	s5 =	sshll.u32 s28, $0x1;
	[dreg:$0x2] =	wrdreg s3  }
0xa9: {  	[dreg:$0x3] =	wrdreg s5  }
0xaa: {  	[dreg:$0x4] =	wrdreg $0xC0  }
0xab: {  	_ =	task [dreg:s7], $0x5FFFF  }
0xac: {  	[dreg:$0x1] =	wrdreg $0xFFFFFFFF  }
0xad: {  	[dreg:$0x0] =	wrdreg $0x60  }
0xae: {  	[dreg:$0x2] =	wrdreg s2  }
0xaf: {  	[dreg:$0x3] =	wrdreg s24  }
0xb0: {  	[dreg:$0x4] =	wrdreg $0x9  }
0xb1: {  	_ =	task.clear_ibuf [dreg:s7], $0x5FFFF;
	_ =	strace $0x90000046  }
0xb2: {  	s29 =	simm.s32 $0x9;
	_ =	strace $0x80000048  }
0xb3: {  	_ =	swait.ge [sflag:s29], $0x1  }
0xb4: {  	[sflag:s29] =	ssyncadd.s32 $0xFFFFFFFF  }
0xb5: {  	_ =	strace $0x90000048  }
0xb6: {  	_ =	sfence  }
0xb7: {  	s30 =	sld [smem:$0x0];
	_ =	sdelay $0x2  }
0xb8: {  	s31 =	sshll.u32 s1, $0xD;
	s1 =	sshrl.u32 s1, $0x2  }
0xb9: {  	s3 =	sand.u32 $0x4000, s31;
	s1 =	sadd.s32 s1, s30  }
0xba: {  	s0 =	sor.u32 s3, s0;
	s1 =	sshll.u32 s1, $0x11  }
0xbb: {  	s0 =	sor.u32 s1, s0  }
0xbc: {  	s0 =	sadd.s32 $0x8F2B, s0  }
0xbd: {  	[sflag:s0] =	ssyncadd.remote.s32 $0x1  }
0xbe: {  	_ =	sfence.sel $0xFFFF  }
0xbf: {  	[dreg:$0x0] =	wrdreg $0xFFFFFFFF;
	(pc) =	sbr.abs _section_cstart, $3  }
0xc0: {  	[dreg:$0x1] =	wrdreg $0xFFFFFFFF  }
0xc1: {  	_ =	task.clear_ibuf [dreg:s7], $0x2FFFF;
	_ =	strace $0x9FFFFFFF  }
0xc2: {  	(tm) =	ssettm $0x7FFFFFFF  }
0xc3: {  	_ =	shalt  }
tec
execute0_lowered:
.L_overlay_start_1:
0x0: {  	(tag) =	ssettag $0x1  }
0x1: {  	s3 =	rddreg [dreg:$0x0]  }
0x2: {  	s4 =	rddreg [dreg:$0x1]  }
0x3: {  	s0 =	rddreg [dreg:$0x2];
	s2 =	simm.s32 $0x0  }
0x4: {  	s5 =	srdreg.scid;
	s1 =	stileid.u32;
	s9 =	simm.s32 $0x1  }
0x5: {  	s10 =	simm.s32 $0x4000;
	s11 =	simm.s32 $0x4100;
	s12 =	simm.s32 $0x0  }
0x6: {  	[smem:$0x7FF] =	sst s2;
	s5 =	sand.u32 $0x1, s5;
	s6 =	sshll.u32 s1, $0x9  }
0x7: {  	s8 =	sshrl.u32 s1, $0x1;
	s7 =	sshll.u32 s5, $0x8;
	s6 =	sand.u32 $0x200, s6  }
0x8: {  	_ =	strace $0x80000047;
	s30 =	sshll.u32 s8, $0xA;
	s6 =	sor.u32 s7, s6  }
0x9: {  	s8 =	sshll.u32 s8, $0x10;
	s5 =	ssub.s32 $0x2, s5;
	s7 =	sor.u32 s30, s6  }
0xa: {  	v0 =	vlaneseq.u32;
	s31 =	sshrl.u32 s5, $0x1;
	s6 =	sor.u32 s8, s6;
	s7 =	sshrl.u32 s7, $0x3  }
0xb: {  	v1 =	vmul.u32 $0xFFFFFFFF, v0;
	s8 =	ssub.s32 s5, s31;
	s6 =	sshrl.u32 s6, $0x3;
	s7 =	sadd.s32 s7, s4  }
0xc: {  	s3 =	sadd.s32 s3, s6;
	s6 =	smax.u32 s8, $0x1;
	s8 =	simm.s32 $0x400  }
0xd: {  	v1 =	vadd.s32 $0xF, v1;
	s4 =	sadd.s32 $0x800, s7;
	s5 =	sadd.s32 $0xC00, s7;
	s7 =	simm.s32 $0x100  }
.LBB2_1:
0xe: {  	[tilespmem:s2], [sflag:$0x1] =	stream.strided.gather [hbm4b:s3+s7], $0x4000, s8, s7, $0x38;
	[tilespmem:$0x4200] =	vst v63  }
0xf: {  	_ =	swait.ge [sflag:s9], $0x4000  }
0x10: {  	s13 =	sand.u32 $0x60, s2;
	s14 =	sand.u32 $0xF00, s2;
	[sflag:s9] =	ssyncset.done $0x0  }
0x11: {  	s13 =	sor.u32 s13, s14;
	[sflag:s9] =	ssyncadd.s32 $0xFFFFC000  }
0x12: {  	v3 =	vld [tilespmem:s13+$0x3000]  }
0x13: {  	v7 =	vld [tilespmem:s13+$0x1000]  }
0x14: {  	s15 =	simm.s32 $0x3020;
	s25 =	simm.s32 $0x1810;
	v8 =	vimm.f32 $-Inf;
	v9 =	vimm.s32 $0x0;
	v5 =	vld [tilespmem:s13+$0x2000]  }
0x15: {  	v12 =	vadd.s32 $0x1810, v0;
	v16 =	vadd.s32 $0x20, v0;
	v4 =	vadd.s32 $0x1000, v0;
	s15 =	sand.u32 $0x3F00, s15;
	s14 =	sand.u32 $0x70, s25;
	v22 =	vld [tilespmem:s13+$0x0]  }
0x16: {  	s16 =	simm.s32 $0x810;
	s17 =	simm.s32 $0x1020;
	v11 =	vadd.s32 $0x1800, v0;
	v14 =	vadd.s32 $0x810, v0;
	v13 =	vadd.s32 $0x800, v0;
	s14 =	sor.u32 s14, s15  }
0x17: {  	v24 =	vadd.s32 $0x10, v0;
	v31 =	vadd.s32 $0x1010, v0;
	s26 =	sand.u32 $0x70, s16;
	s28 =	sand.u32 $0x1F00, s17;
	v10 =	vld [tilespmem:s14+$0x0];
	vm2 =	vgt.f32 v3, v8  }
0x18: {  	s29 =	sor.u32 s26, s28;
	v6 =	vmax.f32 v8, v3;
	v17 =	vmin.f32 v8, v7;
	v18 =	vmin.f32 v8, v3  }
0x19: {  	s30 =	simm.s32 $0x1010;
	s31 =	simm.s32 $0x2020;
	v15 =	vld [tilespmem:s29+$0x0];
	vm4 =	vgt.f32 v3, v8;
	v3 =	vmin.f32 v8, v5;
	v25 =	vmax.f32 v8, v5  }
0x1a: {  	s15 =	sand.u32 $0x2F00, s31;
	s14 =	sand.u32 $0x70, s30;
	v33 =	vmax.f32 v8, v7;
	vm10 =	vgt.f32 v5, v8;
	vm5 =	vgt.f32 v22, v8  }
0x1b: {  	s14 =	sor.u32 s14, s15;
	vm12 =	vgt.f32 v7, v8;
	vm13 =	vgt.f32 v7, v8;
	v26 =	vsel vm2, v11, v9  }
0x1c: {  	v20 =	vld [tilespmem:s14+$0x0];
	v19 =	vmin.f32 v8, v17;
	v21 =	vmin.f32 v8, v18;
	v2 =	vmax.f32 v6, v10  }
0x1d: {  	vm3 =	vgt.f32 v10, v6;
	v30 =	vmax.f32 v8, v18;
	v37 =	vsel vm10, v4, v9  }
0x1e: {  	v35 =	vmin.f32 v33, v15;
	v38 =	vsel vm5, v0, v9;
	v34 =	vsel vm12, v13, v9  }
0x1f: {  	v7 =	vmax.f32 v8, v17;
	v28 =	vmax.f32 v8, v19;
	v23 =	vmax.f32 v8, v21  }
0x20: {  	v19 =	vmin.f32 v6, v10;
	v32 =	vsel vm2, v9, v26;
	v6 =	vmin.f32 v8, v3  }
0x21: {  	v21 =	vmax.f32 v8, v3;
	v29 =	vmin.f32 v25, v20;
	vm7 =	vgt.f32 v20, v25  }
0x22: {  	vm11 =	vgt.f32 v10, v30;
	v17 =	vsel vm4, v9, v26;
	vm6 =	vgt.f32 v15, v28  }
0x23: {  	v27 =	vmax.f32 v8, v6;
	v6 =	vmax.f32 v33, v15;
	vm8 =	vgt.f32 v20, v21  }
0x24: {  	v18 =	vld [tilespmem:s13+$0x10];
	v4 =	vmin.f32 v21, v29;
	v3 =	vmax.f32 v30, v19;
	v5 =	vmax.f32 v21, v29  }
0x25: {  	vm15 =	vgt.f32 v10, v23;
	v10 =	vmax.f32 v7, v35;
	vm9 =	vgt.f32 v20, v27  }
0x26: {  	v4 =	vmax.f32 v27, v4;
	v27 =	vmin.f32 v30, v19;
	v19 =	vmin.f32 v8, v22  }
0x27: {  	v30 =	vsel vm4, v11, v9;
	vm4 =	vgt.f32 v15, v7;
	v11 =	vmin.f32 v7, v35  }
0x28: {  	v7 =	vsel vm10, v9, v37;
	v29 =	vmin.f32 v8, v19;
	v21 =	vmax.f32 v8, v19  }
0x29: {  	v11 =	vmax.f32 v28, v11;
	v19 =	vmax.f32 v8, v29;
	vm2 =	vgt.f32 v18, v21  }
0x2a: {  	v29 =	vmax.f32 v8, v22;
	v22 =	vsel vm5, v9, v38;
	v8 =	vsel vm13, v13, v9  }
0x2b: {  	vm5 =	vgt.f32 v15, v33;
	v13 =	vsel vm11, v12, v17;
	v15 =	vsel vm15, v12, v32  }
0x2c: {  	vm14 =	vgt.f32 v18, v29;
	v26 =	vsel vm13, v9, v8;
	v35 =	vsel vm12, v9, v8  }
0x2d: {  	vm12 =	vgt.f32 v18, v19;
	v9 =	vsel vm5, v14, v34;
	v13 =	vsel vm3, v30, v13  }
0x2e: {  	v8 =	vsel vm9, v31, v7;
	v17 =	vsel vm11, v17, v15;
	v15 =	vsel vm8, v31, v7  }
0x2f: {  	v36 =	vsel vm6, v14, v26;
	v28 =	vsel vm4, v14, v35;
	v14 =	vsel vm8, v7, v8  }
0x30: {  	v8 =	vsel vm2, v24, v22;
	v26 =	vsel vm12, v24, v22;
	v7 =	vsel vm7, v37, v15  }
0x31: {  	s15 =	simm.s32 $0x20;
	s14 =	simm.s32 $0x40;
	s13 =	simm.s32 $0x0;
	v24 =	vsel vm14, v24, v38;
	v15 =	vsel vm14, v38, v8;
	v8 =	vsel vm7, v31, v37  }
.LBB2_2:
0x32: {  	s16 =	sand.u32 $0x60, s15;
	s17 =	sand.u32 $0xF00, s14;
	s18 =	sadd.s32 $0x3020, s14;
	v31 =	vmin.f32 v29, v18;
	v29 =	vmax.f32 v29, v18;
	v28 =	vsel vm5, v34, v28;
	v32 =	vmovc v16  }
0x33: {  	v22 =	vsel vm2, v22, v26;
	v37 =	vsel vm3, v12, v30;
	v30 =	vmovc v2;
	s16 =	sor.u32 s16, s17;
	s17 =	sadd.s32 $0x1810, s15;
	s18 =	sand.u32 $0x3F00, s18;
	v34 =	vmax.f32 v21, v31  }
0x34: {  	s13 =	sadd.s32 $0x2, s13;
	v26 =	vsel vm4, v35, v36;
	v35 =	vmovc v6;
	v12 =	vmin.f32 v21, v31;
	v21 =	vmax.f32 v23, v27;
	v38 =	vld [tilespmem:s16+$0x3000];
	s17 =	sand.u32 $0x70, s17  }
0x35: {  	s19 =	sadd.s32 $0x810, s15;
	s20 =	sadd.s32 $0x1020, s14;
	v27 =	vmax.f32 v25, v20;
	v19 =	vmax.f32 v19, v12;
	v36 =	vld [tilespmem:s16+$0x1000];
	s17 =	sor.u32 s17, s18  }
0x36: {  	v16 =	vadd.s32 $0x20, v16;
	p0 =	slt.u32 s13, $0x7E;
	v12 =	vadd.s32 $0x1810, v32;
	s18 =	sand.u32 $0x70, s19;
	s19 =	sand.u32 $0x1F00, s20;
	v39 =	vld [tilespmem:s17+$0x0]  }
0x37: {  	v40 =	vadd.s32 $0x1000, v32;
	v41 =	vadd.s32 $0x1800, v32;
	v42 =	vadd.s32 $0x810, v32;
	s17 =	sor.u32 s18, s19;
	v18 =	vld [tilespmem:s16+$0x10]  }
0x38: {  	v43 =	vadd.s32 $0x800, v32;
	v31 =	vadd.s32 $0x10, v32;
	v33 =	vadd.s32 $0x1010, v32;
	s18 =	sadd.s32 $0x2020, s14;
	v44 =	vld [tilespmem:s17+$0x0];
	s17 =	sadd.s32 $0x1010, s15  }
0x39: {  	s18 =	sand.u32 $0x2F00, s18;
	v45 =	vld [tilespmem:s16+$0x2000];
	vm2 =	vgt.f32 v38, v3;
	vm3 =	vgt.f32 v38, v21;
	v25 =	vmax.f32 v2, v38;
	s17 =	sand.u32 $0x70, s17  }
0x3a: {  	v47 =	vmin.f32 v2, v38;
	v46 =	vmin.f32 v6, v36;
	v17 =	vsel vm3, v41, v17;
	s17 =	sor.u32 s17, s18  }
0x3b: {  	v48 =	vmin.f32 v3, v47;
	v23 =	vmin.f32 v10, v46;
	v20 =	vld [tilespmem:s17+$0x0];
	v2 =	vmax.f32 v25, v39  }
0x3c: {  	v49 =	vmax.f32 v11, v23;
	v23 =	vmax.f32 v21, v48;
	v21 =	vmin.f32 v25, v39  }
0x3d: {  	vm4 =	vgt.f32 v38, v30;
	vm3 =	vgt.f32 v39, v25;
	vm6 =	vgt.f32 v44, v49  }
0x3e: {  	v17 =	vsel vm2, v13, v17;
	v38 =	vld [tilespmem:s16+$0x0];
	v30 =	vmin.f32 v27, v45;
	v25 =	vmax.f32 v27, v45  }
0x3f: {  	v13 =	vsel vm2, v41, v13;
	v48 =	vmin.f32 v5, v30;
	v30 =	vmax.f32 v5, v30  }
0x40: {  	v50 =	vmax.f32 v6, v36;
	v48 =	vmax.f32 v4, v48;
	v51 =	vmin.f32 v25, v20  }
0x41: {  	v6 =	vmax.f32 v50, v44;
	vm11 =	vgt.f32 v45, v5;
	vm9 =	vgt.f32 v20, v48  }
0x42: {  	vm10 =	vgt.f32 v45, v27;
	v27 =	vmax.f32 v3, v47;
	vm8 =	vgt.f32 v20, v30  }
0x43: {  	vm2 =	vgt.f32 v45, v4;
	vm12 =	vgt.f32 v39, v27;
	vm7 =	vgt.f32 v20, v25  }
0x44: {  	v14 =	vsel vm2, v40, v14;
	v3 =	vmax.f32 v27, v21;
	v4 =	vmin.f32 v30, v51  }
0x45: {  	v27 =	vmin.f32 v27, v21;
	v5 =	vmax.f32 v30, v51;
	v4 =	vmax.f32 v48, v4  }
0x46: {  	v45 =	vmin.f32 v50, v44;
	vm5 =	vgt.f32 v38, v34;
	v21 =	vmin.f32 v29, v38  }
0x47: {  	vm14 =	vgt.f32 v36, v35;
	vm2 =	vgt.f32 v38, v19;
	v47 =	vsel vm5, v32, v15  }
0x48: {  	v48 =	vsel vm11, v40, v7;
	vm15 =	vgt.f32 v38, v29;
	v30 =	vmin.f32 v34, v21  }
0x49: {  	vm0 =	vgt.f32 v36, v11;
	v21 =	vmax.f32 v34, v21;
	v34 =	vsel vm2, v32, v22  }
0x4a: {  	v19 =	vmax.f32 v19, v30;
	v30 =	vsel vm4, v41, v37;
	vm2 =	vgt.f32 v18, v21  }
0x4b: {  	v29 =	vmax.f32 v29, v38;
	v22 =	vsel vm15, v24, v47;
	v15 =	vsel vm5, v15, v34  }
0x4c: {  	vm1 =	vgt.f32 v36, v10;
	vm13 =	vgt.f32 v18, v29;
	v34 =	vsel vm14, v43, v9  }
0x4d: {  	v10 =	vmax.f32 v10, v46;
	v32 =	vsel vm15, v32, v24;
	v24 =	vsel vm1, v43, v28  }
0x4e: {  	v37 =	vsel vm4, v37, v13;
	vm5 =	vgt.f32 v44, v50;
	vm4 =	vgt.f32 v44, v10  }
0x4f: {  	v11 =	vmin.f32 v10, v45;
	v38 =	vsel vm10, v40, v8;
	vm15 =	vgt.f32 v39, v23  }
0x50: {  	v13 =	vsel vm0, v43, v26;
	v26 =	vsel vm12, v12, v37;
	v17 =	vsel vm15, v12, v17  }
0x51: {  	v11 =	vmax.f32 v49, v11;
	v10 =	vmax.f32 v10, v45;
	v13 =	vsel vm1, v28, v13  }
0x52: {  	v35 =	vsel vm14, v9, v24;
	vm0 =	vgt.f32 v18, v19;
	v36 =	vsel vm6, v42, v13  }
.Ltmp0:
0x53: {  	v7 =	vsel vm11, v7, v14;
	v9 =	vsel vm5, v42, v34;
	v13 =	vsel vm3, v30, v26;
	(pc) =	sbr.rel @p0 .LBB2_2-.Ltmp0, $4  }
0x54: {  	v8 =	vsel vm10, v8, v48;
	v7 =	vsel vm9, v33, v7;
	v17 =	vsel vm12, v37, v17  }
0x55: {  	v14 =	vsel vm8, v8, v7;
	v24 =	vsel vm8, v33, v8;
	v28 =	vsel vm4, v42, v35  }
0x56: {  	v8 =	vsel vm2, v31, v22;
	v26 =	vsel vm0, v31, v15;
	v7 =	vsel vm7, v38, v24  }
0x57: {  	s14 =	sadd.s32 $0x40, s14;
	s15 =	sadd.s32 $0x20, s15;
	v24 =	vsel vm13, v31, v32;
	v15 =	vsel vm13, v32, v8;
	v8 =	vsel vm7, v33, v38  }
0x58: {  	v32 =	vmax.f32 v29, v18  }
0x59: {  	v33 =	vmax.f32 v32, v6  }
0x5a: {  	v37 =	vmax.f32 v33, v10  }
0x5b: {  	v25 =	vmax.f32 v25, v20;
	v38 =	vmax.f32 v37, v11  }
0x5c: {  	v39 =	vmax.f32 v38, v25  }
0x5d: {  	v40 =	vmax.f32 v39, v5  }
0x5e: {  	v41 =	vmax.f32 v40, v4  }
0x5f: {  	v42 =	vmax.f32 v41, v2  }
0x60: {  	v23 =	vmax.f32 v23, v27;
	v43 =	vmax.f32 v42, v3  }
0x61: {  	v44 =	vmax.f32 v43, v23  }
0x62: {  	(xrf0) =	vmax.scan.msk.f32 $0xffff, v44;
	_ =	sdelay $0x2  }
0x63: {  	v20 =	vlaneseq.u32  }
0x64: {  	v16 =	vmul.u32 $0xFFFFFFFF, v20;
	_ =	sdelay $0x1  }
0x65: {  	v28 =	vsel vm5, v34, v28;
	vm5 =	vgt.f32 v6, v32;
	v16 =	vadd.s32 $0xF, v16;
	v27, _, _ =	vpop (xrf0)  }
0x66: {  	v34 =	vsel vm5, v9, v24;
	vm6 =	vgt.f32 v10, v33;
	v27 =	vperm.xlane v27, v16  }
0x67: {  	v31 =	vsel vm4, v35, v36;
	v35 =	vsel vm6, v28, v34;
	vm8 =	vgt.f32 v11, v37  }
0x68: {  	v36 =	vsel vm8, v31, v35;
	vm7 =	vgt.f32 v25, v38;
	(xrf0) =	vmax.scan.msk.f32 $0xffff, v27  }
0x69: {  	v45 =	vsel vm7, v8, v36;
	vm14 =	vgt.f32 v5, v39  }
0x6a: {  	v46 =	vsel vm14, v7, v45;
	vm10 =	vgt.f32 v4, v40  }
0x6b: {  	vm11 =	vgt.f32 v2, v41;
	v27 =	vsel vm3, v12, v30;
	v30 =	vsel vm10, v14, v46  }
0x6c: {  	vm12 =	vgt.f32 v3, v42;
	v47 =	vsel vm11, v27, v30  }
0x6d: {  	vm13 =	vgt.f32 v23, v43;
	v48 =	vsel vm12, v13, v47  }
0x6e: {  	v49 =	vsel vm13, v17, v48;
	v12, _, _ =	vpop (xrf0)  }
0x6f: {  	v50 =	vsub.s32 $0x80000000, v49;
	vm3 =	veq.f32 v44, v12  }
0x70: {  	v50 =	vnsel vm3, $0x40000000, v50  }
0x71: {  	(xrf0) =	vmax.scan.msk.u32 $0xffff, v50;
	_ =	sdelay $0x5  }
0x72: {  	v50, _, _ =	vpop (xrf0)  }
0x73: {  	v50 =	vxor.u32 $0x80000000, v50  }
0x74: {  	v50 =	vperm.xlane v50, v16;
	_ =	sdelay $0x1  }
0x75: {  	v50 =	vxor.u32 $0x80000000, v50  }
0x76: {  	v18 =	vmin.f32 v29, v18;
	(xrf0) =	vmax.scan.msk.u32 $0xffff, v50  }
0x77: {  	v29 =	vmax.f32 v21, v18;
	v32 =	vmin.f32 v32, v6;
	v33 =	vmin.f32 v33, v10  }
0x78: {  	vm4 =	vgt.f32 v6, v29;
	v37 =	vmin.f32 v37, v11;
	v50 =	vmax.f32 v29, v32  }
0x79: {  	v53 =	vsel vm4, v9, v15;
	v38 =	vmin.f32 v38, v25;
	v51 =	vmax.f32 v50, v33  }
0x7a: {  	v24 =	vsel vm5, v24, v53;
	v39 =	vmin.f32 v39, v5;
	v52 =	vmax.f32 v51, v37  }
0x7b: {  	v40 =	vmin.f32 v40, v4;
	v41 =	vmin.f32 v41, v2;
	v54 =	vmax.f32 v52, v38  }
0x7c: {  	v42 =	vmin.f32 v42, v3;
	v43 =	vmin.f32 v43, v23;
	v53 =	vmax.f32 v54, v39;
	v55, _, _ =	vpop (xrf0)  }
0x7d: {  	vm5 =	vgt.f32 v10, v50;
	v56 =	vmax.f32 v53, v40;
	v55 =	vxor.u32 $0x7FFFFFFF, v55  }
0x7e: {  	v60 =	vsel vm5, v28, v24;
	v57 =	vmax.f32 v56, v41;
	v55 =	vadd.s32 $0x1, v55  }
0x7f: {  	v34 =	vsel vm6, v34, v60;
	v58 =	vmax.f32 v57, v42;
	vm0 =	veq.s32 v49, v55  }
0x80: {  	vm6 =	vgt.f32 v11, v51;
	v59 =	vmax.f32 v58, v43;
	vm3 =	vmand vm3, vm0  }
0x81: {  	v60 =	vsel vm6, v31, v34;
	v44 =	vsel vm3, v59, v44  }
0x82: {  	v35 =	vsel vm8, v35, v60;
	vm8 =	vgt.f32 v25, v52;
	(xrf0) =	vmax.scan.msk.f32 $0xffff, v44  }
0x83: {  	v60 =	vsel vm8, v8, v35  }
0x84: {  	vm9 =	vgt.f32 v5, v54;
	v36 =	vsel vm7, v36, v60  }
0x85: {  	v60 =	vsel vm9, v7, v36;
	_ =	sdelay $0x1  }
0x86: {  	vm7 =	vgt.f32 v4, v53;
	v45 =	vsel vm14, v45, v60  }
0x87: {  	v61 =	vsel vm7, v14, v45;
	v60, _, _ =	vpop (xrf0)  }
0x88: {  	v46 =	vsel vm10, v46, v61;
	vm10 =	vgt.f32 v2, v56;
	v60 =	vperm.xlane v60, v16  }
0x89: {  	v61 =	vsel vm10, v27, v46  }
0x8a: {  	v30 =	vsel vm11, v30, v61;
	vm11 =	vgt.f32 v3, v57;
	(xrf0) =	vmax.scan.msk.f32 $0xffff, v60  }
0x8b: {  	v60 =	vsel vm11, v13, v30  }
0x8c: {  	v47 =	vsel vm12, v47, v60;
	vm12 =	vgt.f32 v23, v58  }
0x8d: {  	v60 =	vsel vm12, v17, v47;
	_ =	sdelay $0x1  }
0x8e: {  	v48 =	vsel vm13, v48, v60  }
0x8f: {  	v49 =	vsel vm3, v48, v49;
	v60, _, _ =	vpop (xrf0)  }
0x90: {  	v61 =	vsub.s32 $0x80000000, v49;
	vm13 =	veq.f32 v44, v60  }
0x91: {  	v61 =	vnsel vm13, $0x40000000, v61  }
0x92: {  	(xrf0) =	vmax.scan.msk.u32 $0xffff, v61;
	_ =	sdelay $0x5  }
0x93: {  	v61, _, _ =	vpop (xrf0)  }
0x94: {  	v61 =	vxor.u32 $0x80000000, v61  }
0x95: {  	v61 =	vperm.xlane v61, v16;
	_ =	sdelay $0x1  }
0x96: {  	v18 =	vmin.f32 v21, v18;
	v21 =	vxor.u32 $0x80000000, v61  }
0x97: {  	v22 =	vsel vm2, v22, v26;
	v18 =	vmax.f32 v19, v18;
	v19 =	vmin.f32 v29, v32;
	(xrf0) =	vmax.scan.msk.u32 $0xffff, v21  }
0x98: {  	v19 =	vmax.f32 v18, v19;
	v29 =	vmin.f32 v51, v37;
	v21 =	vmin.f32 v50, v33  }
0x99: {  	v26 =	vmin.f32 v52, v38;
	vm0 =	vgt.f32 v6, v18;
	v21 =	vmax.f32 v19, v21  }
0x9a: {  	v9 =	vsel vm0, v9, v22;
	v22 =	vmin.f32 v53, v40;
	v29 =	vmax.f32 v21, v29  }
0x9b: {  	v6 =	vmin.f32 v54, v39;
	v18 =	vmax.f32 v29, v26  }
0x9c: {  	vm0 =	vgt.f32 v10, v19;
	v9 =	vsel vm4, v15, v9;
	v6 =	vmax.f32 v18, v6  }
0x9d: {  	v9 =	vsel vm0, v28, v9;
	v10 =	vmax.f32 v6, v22;
	v22, _, _ =	vpop (xrf0)  }
0x9e: {  	v9 =	vsel vm5, v24, v9;
	v19 =	vmin.f32 v56, v41;
	v22 =	vxor.u32 $0x7FFFFFFF, v22  }
0x9f: {  	v26 =	vmin.f32 v57, v42;
	v19 =	vmax.f32 v10, v19;
	v22 =	vadd.s32 $0x1, v22  }
0xa0: {  	v58 =	vmin.f32 v58, v43;
	v26 =	vmax.f32 v19, v26;
	vm1 =	veq.s32 v49, v22  }
0xa1: {  	v15 =	vmax.f32 v26, v58;
	vm0 =	vmand vm13, vm1;
	vm1 =	vgt.f32 v11, v21  }
0xa2: {  	v15 =	vsel vm3, v15, v59;
	v9 =	vsel vm1, v31, v9  }
0xa3: {  	v11 =	vsel vm0, v15, v44;
	vm1 =	vgt.f32 v25, v29;
	v9 =	vsel vm6, v34, v9  }
0xa4: {  	(xrf0) =	vmax.scan.msk.f32 $0xffff, v11;
	v8 =	vsel vm1, v8, v9  }
0xa5: {  	vm1 =	vgt.f32 v5, v18;
	v8 =	vsel vm8, v35, v8  }
0xa6: {  	v5 =	vsel vm1, v7, v8  }
0xa7: {  	v5 =	vsel vm9, v36, v5;
	_ =	sdelay $0x1  }
0xa8: {  	vm1 =	vgt.f32 v4, v6  }
0xa9: {  	v4 =	vsel vm1, v14, v5;
	v5, _, _ =	vpop (xrf0)  }
0xaa: {  	vm1 =	vgt.f32 v2, v10;
	v4 =	vsel vm7, v45, v4;
	v2 =	vperm.xlane v5, v16  }
0xab: {  	v4 =	vsel vm1, v27, v4  }
0xac: {  	vm1 =	vgt.f32 v3, v19;
	v4 =	vsel vm10, v46, v4;
	(xrf0) =	vmax.scan.msk.f32 $0xffff, v2  }
0xad: {  	v2 =	vsel vm1, v13, v4  }
0xae: {  	vm1 =	vgt.f32 v23, v26;
	v2 =	vsel vm11, v30, v2  }
0xaf: {  	v2 =	vsel vm1, v17, v2  }
0xb0: {  	v2 =	vsel vm12, v47, v2  }
0xb1: {  	v2 =	vsel vm3, v2, v48  }
0xb2: {  	v2 =	vsel vm0, v2, v49;
	v3, _, _ =	vpop (xrf0)  }
0xb3: {  	v2 =	vsub.s32 $0x80000000, v2;
	vm0 =	veq.f32 v11, v3  }
0xb4: {  	v2 =	vnsel vm0, $0x40000000, v2  }
0xb5: {  	(xrf0) =	vmax.scan.msk.u32 $0xffff, v2;
	_ =	sdelay $0x5  }
0xb6: {  	v2, _, _ =	vpop (xrf0)  }
0xb7: {  	v2 =	vxor.u32 $0x80000000, v2  }
0xb8: {  	v2 =	vperm.xlane v2, v16;
	_ =	sdelay $0x1  }
0xb9: {  	v2 =	vxor.u32 $0x80000000, v2  }
0xba: {  	(xrf0) =	vmax.scan.msk.u32 $0xffff, v2;
	_ =	sdelay $0x2  }
0xbb: {  	v5 =	vimm.s32 $0x0;
	vm0 =	vmmov $0x1  }
0xbc: {  	v5 =	vsel vm0, $0xFFFFFFFF, v5  }
0xbd: {  	[tilespmem:$0x1FFF0] =	vst v5;
	v5 =	vnsel vm0, $0x0, v55;
	v2 =	vnsel vm0, $0xFF800000, v12;
	vm0 =	vcmask $0x30C  }
0xbe: {  	v2 =	vsel vm0, v2, v60;
	v4, _, _ =	vpop (xrf0)  }
0xbf: {  	v5 =	vsel vm0, v5, v22;
	vm0 =	vcmask $0x70C;
	v4 =	vxor.u32 $0x7FFFFFFF, v4  }
0xc0: {  	s13 =	simm.s32 $0x0;
	v2 =	vsel vm0, v2, v3;
	v4 =	vadd.s32 $0x1, v4  }
0xc1: {  	s14 =	sand.u32 $0x60, s13;
	s13 =	sand.u32 $0xF00, s13;
	[tilespmem:$0x4000] =	vst v2;
	v3 =	vsel vm0, v5, v4  }
0xc2: {  	s13 =	sor.u32 s14, s13;
	[tilespmem:$0x4100] =	vst v3  }
0xc3: {  	v3 =	vld [tilespmem:s13+$0x3080]  }
0xc4: {  	s15 =	simm.s32 $0x3020;
	s25 =	simm.s32 $0x1810;
	v4 =	vld [tilespmem:s13+$0x1080]  }
0xc5: {  	s15 =	sand.u32 $0x3F00, s15;
	s14 =	sand.u32 $0x70, s25;
	v28 =	vadd.s32 $0x810, v20;
	v9 =	vadd.s32 $0x1000, v20;
	v12 =	vld [tilespmem:s13+$0x2080]  }
0xc6: {  	s16 =	simm.s32 $0x810;
	s17 =	simm.s32 $0x1020;
	s14 =	sor.u32 s14, s15;
	v7 =	vimm.f32 $-Inf;
	v6 =	vadd.s32 $0x1800, v20;
	v10 =	vadd.s32 $0x800, v20  }
0xc7: {  	s26 =	sand.u32 $0x70, s16;
	s28 =	sand.u32 $0x1F00, s17;
	v14 =	vadd.s32 $0x1010, v20;
	v13 =	vadd.s32 $0x1810, v20;
	v17 =	vadd.s32 $0x10, v20;
	v8 =	vld [tilespmem:s14+$0x80]  }
0xc8: {  	s29 =	sor.u32 s26, s28;
	v16 =	vadd.s32 $0x20, v20;
	v5 =	vimm.s32 $0x0;
	vm0 =	vgt.f32 v3, v7  }
0xc9: {  	v11 =	vld [tilespmem:s29+$0x80];
	v15 =	vmax.f32 v7, v3;
	v24 =	vmin.f32 v7, v4;
	v19 =	vmin.f32 v7, v3  }
0xca: {  	vm1 =	vgt.f32 v3, v7;
	v3 =	vmin.f32 v7, v12;
	v25 =	vmax.f32 v7, v12  }
0xcb: {  	v27 =	vld [tilespmem:s13+$0x80];
	v59 =	vmax.f32 v7, v4;
	v21 =	vsel vm0, v6, v5;
	v18 =	vmin.f32 v7, v24  }
0xcc: {  	v22 =	vmin.f32 v7, v19;
	v2 =	vmax.f32 v15, v8;
	v29 =	vmin.f32 v15, v8  }
0xcd: {  	s30 =	simm.s32 $0x1010;
	s31 =	simm.s32 $0x2020;
	vm3 =	vgt.f32 v8, v15;
	v30 =	vmax.f32 v7, v3;
	v26 =	vsel vm1, v6, v5  }
0xce: {  	s15 =	sand.u32 $0x2F00, s31;
	s14 =	sand.u32 $0x70, s30;
	v6 =	vmax.f32 v59, v11;
	v63 =	vmax.f32 v7, v24;
	vm10 =	vgt.f32 v11, v59  }
0xcf: {  	s14 =	sor.u32 s14, s15;
	v31 =	vmax.f32 v7, v18;
	v23 =	vmax.f32 v7, v22;
	v15 =	vsel vm0, v5, v21  }
0xd0: {  	v22 =	vld [tilespmem:s14+$0x80];
	v18 =	vmin.f32 v7, v3;
	vm0 =	vgt.f32 v27, v7;
	v3 =	vsel vm1, v5, v21  }
0xd1: {  	vm4 =	vgt.f32 v11, v31;
	v60 =	vsel vm0, v20, v5;
	v20 =	vmax.f32 v7, v18  }
0xd2: {  	vm1 =	vgt.f32 v8, v23;
	v18 =	vsel vm0, v5, v60;
	vm0 =	vgt.f32 v4, v7  }
0xd3: {  	v15 =	vsel vm1, v13, v15;
	vm1 =	vgt.f32 v12, v7;
	v61 =	vsel vm0, v10, v5  }
0xd4: {  	v9 =	vsel vm1, v9, v5;
	v12 =	vsel vm0, v5, v61;
	vm0 =	vgt.f32 v4, v7  }
0xd5: {  	v21 =	vmin.f32 v25, v22;
	v34 =	vsel vm0, v10, v5;
	v35 =	vsel vm0, v5, v61  }
0xd6: {  	vm0 =	vgt.f32 v22, v20;
	v10 =	vmax.f32 v7, v19;
	v36 =	vsel vm4, v28, v12  }
0xd7: {  	vm5 =	vgt.f32 v22, v25;
	v12 =	vmin.f32 v7, v27;
	vm4 =	vgt.f32 v8, v10  }
0xd8: {  	v8 =	vsel vm1, v5, v9;
	vm1 =	vgt.f32 v22, v30;
	v4 =	vmin.f32 v30, v21  }
0xd9: {  	v19 =	vld [tilespmem:s13+$0x90];
	v5 =	vmax.f32 v30, v21;
	v21 =	vmax.f32 v7, v12;
	v30 =	vmax.f32 v7, v27  }
0xda: {  	v62 =	vsel vm4, v13, v3;
	v15 =	vsel vm4, v3, v15;
	v3 =	vmax.f32 v10, v29  }
0xdb: {  	v4 =	vmax.f32 v20, v4;
	v29 =	vmin.f32 v10, v29;
	v20 =	vmin.f32 v7, v12  }
0xdc: {  	v10 =	vmin.f32 v59, v11;
	v20 =	vmax.f32 v7, v20;
	v7 =	vsel vm0, v14, v8  }
0xdd: {  	v12 =	vsel vm1, v8, v7;
	v7 =	vsel vm1, v14, v8;
	v8 =	vsel vm5, v14, v9  }
0xde: {  	vm4 =	vgt.f32 v19, v21;
	vm0 =	vgt.f32 v19, v30;
	v7 =	vsel vm5, v9, v7  }
0xdf: {  	vm1 =	vgt.f32 v19, v20;
	vm5 =	vgt.f32 v11, v63;
	v9 =	vsel vm4, v17, v18  }
0xe0: {  	v24 =	vsel vm0, v17, v60;
	v27 =	vsel vm1, v17, v18;
	v17 =	vsel vm3, v26, v62  }
0xe1: {  	v14 =	vsel vm0, v60, v9;
	v9 =	vmin.f32 v63, v10;
	v10 =	vmax.f32 v63, v10  }
0xe2: {  	s15 =	simm.s32 $0x20;
	s14 =	simm.s32 $0x40;
	s13 =	simm.s32 $0x0;
	v11 =	vmax.f32 v31, v9;
	v9 =	vsel vm10, v28, v34;
	v28 =	vsel vm5, v28, v35  }
.LBB2_4:
0xe3: {  	s16 =	sand.u32 $0x60, s15;
	s17 =	sand.u32 $0xF00, s14;
	s18 =	sadd.s32 $0x3020, s14;
	v31 =	vmin.f32 v30, v19;
	v30 =	vmax.f32 v30, v19;
	v28 =	vsel vm10, v34, v28;
	v32 =	vmovc v16  }
0xe4: {  	v18 =	vsel vm4, v18, v27;
	v37 =	vsel vm3, v13, v26;
	v26 =	vmovc v2;
	s16 =	sor.u32 s16, s17;
	s17 =	sadd.s32 $0x1810, s15;
	s18 =	sand.u32 $0x3F00, s18;
	v34 =	vmax.f32 v21, v31  }
0xe5: {  	s13 =	sadd.s32 $0x2, s13;
	v27 =	vsel vm5, v35, v36;
	v35 =	vmovc v6;
	v13 =	vmin.f32 v21, v31;
	v21 =	vmax.f32 v23, v29;
	v38 =	vld [tilespmem:s16+$0x3080];
	s17 =	sand.u32 $0x70, s17  }
0xe6: {  	s19 =	sadd.s32 $0x810, s15;
	s20 =	sadd.s32 $0x1020, s14;
	v29 =	vmax.f32 v25, v22;
	v20 =	vmax.f32 v20, v13;
	v36 =	vld [tilespmem:s16+$0x1080];
	s17 =	sor.u32 s17, s18  }
0xe7: {  	v16 =	vadd.s32 $0x20, v16;
	p0 =	slt.u32 s13, $0x7E;
	v13 =	vadd.s32 $0x1810, v32;
	s18 =	sand.u32 $0x70, s19;
	s19 =	sand.u32 $0x1F00, s20;
	v39 =	vld [tilespmem:s17+$0x80]  }
0xe8: {  	v40 =	vadd.s32 $0x1000, v32;
	v41 =	vadd.s32 $0x1800, v32;
	v42 =	vadd.s32 $0x810, v32;
	s17 =	sor.u32 s18, s19;
	v19 =	vld [tilespmem:s16+$0x90]  }
0xe9: {  	v43 =	vadd.s32 $0x800, v32;
	v31 =	vadd.s32 $0x10, v32;
	v33 =	vadd.s32 $0x1010, v32;
	s18 =	sadd.s32 $0x2020, s14;
	v44 =	vld [tilespmem:s17+$0x80];
	s17 =	sadd.s32 $0x1010, s15  }
0xea: {  	s18 =	sand.u32 $0x2F00, s18;
	v45 =	vld [tilespmem:s16+$0x2080];
	vm0 =	vgt.f32 v38, v3;
	vm1 =	vgt.f32 v38, v21;
	v25 =	vmax.f32 v2, v38;
	s17 =	sand.u32 $0x70, s17  }
0xeb: {  	v47 =	vmin.f32 v2, v38;
	v46 =	vmin.f32 v6, v36;
	v15 =	vsel vm1, v41, v15;
	s17 =	sor.u32 s17, s18  }
0xec: {  	v48 =	vmin.f32 v3, v47;
	v23 =	vmin.f32 v10, v46;
	v22 =	vld [tilespmem:s17+$0x80];
	v2 =	vmax.f32 v25, v39  }
0xed: {  	v49 =	vmax.f32 v11, v23;
	v23 =	vmax.f32 v21, v48;
	v21 =	vmin.f32 v25, v39  }
0xee: {  	vm5 =	vgt.f32 v38, v26;
	vm3 =	vgt.f32 v39, v25;
	vm6 =	vgt.f32 v44, v49  }
0xef: {  	v15 =	vsel vm0, v17, v15;
	v38 =	vld [tilespmem:s16+$0x80];
	v26 =	vmin.f32 v29, v45;
	v25 =	vmax.f32 v29, v45  }
0xf0: {  	v17 =	vsel vm0, v41, v17;
	v48 =	vmin.f32 v5, v26;
	v26 =	vmax.f32 v5, v26  }
0xf1: {  	v50 =	vmax.f32 v6, v36;
	v48 =	vmax.f32 v4, v48;
	v51 =	vmin.f32 v25, v22  }
0xf2: {  	v6 =	vmax.f32 v50, v44;
	vm12 =	vgt.f32 v45, v5;
	vm9 =	vgt.f32 v22, v48  }
0xf3: {  	vm11 =	vgt.f32 v45, v29;
	v29 =	vmax.f32 v3, v47;
	vm8 =	vgt.f32 v22, v26  }
0xf4: {  	vm0 =	vgt.f32 v45, v4;
	vm13 =	vgt.f32 v39, v29;
	vm7 =	vgt.f32 v22, v25  }
0xf5: {  	v12 =	vsel vm0, v40, v12;
	v3 =	vmax.f32 v29, v21;
	v4 =	vmin.f32 v26, v51  }
0xf6: {  	v29 =	vmin.f32 v29, v21;
	v5 =	vmax.f32 v26, v51;
	v4 =	vmax.f32 v48, v4  }
0xf7: {  	v45 =	vmin.f32 v50, v44;
	vm0 =	vgt.f32 v38, v34;
	v21 =	vmin.f32 v30, v38  }
0xf8: {  	vm15 =	vgt.f32 v36, v35;
	vm1 =	vgt.f32 v38, v20;
	v47 =	vsel vm0, v32, v14  }
0xf9: {  	v48 =	vsel vm12, v40, v7;
	vm10 =	vgt.f32 v38, v30;
	v26 =	vmin.f32 v34, v21  }
0xfa: {  	v21 =	vmax.f32 v34, v21;
	v34 =	vsel vm1, v32, v18;
	vm1 =	vgt.f32 v36, v11  }
0xfb: {  	v20 =	vmax.f32 v20, v26;
	v26 =	vsel vm5, v41, v37;
	vm4 =	vgt.f32 v19, v21  }
0xfc: {  	v30 =	vmax.f32 v30, v38;
	v18 =	vsel vm10, v24, v47;
	v14 =	vsel vm0, v14, v34  }
0xfd: {  	vm14 =	vgt.f32 v19, v30;
	vm0 =	vgt.f32 v36, v10;
	v34 =	vsel vm15, v43, v9  }
0xfe: {  	v32 =	vsel vm10, v32, v24;
	v10 =	vmax.f32 v10, v46;
	v24 =	vsel vm0, v43, v28  }
0xff: {  	v37 =	vsel vm5, v37, v17;
	vm10 =	vgt.f32 v44, v50;
	vm5 =	vgt.f32 v44, v10  }
0x100: {  	vm2 =	vgt.f32 v39, v23;
	v38 =	vsel vm11, v40, v8;
	v11 =	vmin.f32 v10, v45  }
0x101: {  	v15 =	vsel vm2, v13, v15;
	v17 =	vsel vm1, v43, v27;
	v27 =	vsel vm13, v13, v37  }
0x102: {  	v17 =	vsel vm0, v28, v17;
	v10 =	vmax.f32 v10, v45;
	v11 =	vmax.f32 v49, v11  }
0x103: {  	vm0 =	vgt.f32 v19, v20;
	v35 =	vsel vm15, v9, v24;
	v36 =	vsel vm6, v42, v17  }
.Ltmp1:
0x104: {  	v7 =	vsel vm12, v7, v12;
	v9 =	vsel vm10, v42, v34;
	v17 =	vsel vm3, v26, v27;
	(pc) =	sbr.rel @p0 .LBB2_4-.Ltmp1, $4  }
0x105: {  	v8 =	vsel vm11, v8, v48;
	v7 =	vsel vm9, v33, v7;
	v15 =	vsel vm13, v37, v15  }
0x106: {  	v12 =	vsel vm8, v8, v7;
	v24 =	vsel vm8, v33, v8;
	v28 =	vsel vm5, v42, v35  }
0x107: {  	v8 =	vsel vm4, v31, v18;
	v27 =	vsel vm0, v31, v14;
	v7 =	vsel vm7, v38, v24  }
0x108: {  	s14 =	sadd.s32 $0x40, s14;
	s15 =	sadd.s32 $0x20, s15;
	v24 =	vsel vm14, v31, v32;
	v14 =	vsel vm14, v32, v8;
	v8 =	vsel vm7, v33, v38  }
0x109: {  	v31 =	vmax.f32 v30, v19  }
0x10a: {  	v32 =	vmax.f32 v31, v6  }
0x10b: {  	v33 =	vmax.f32 v32, v10  }
0x10c: {  	v22 =	vmax.f32 v25, v22;
	v37 =	vmax.f32 v33, v11  }
0x10d: {  	v38 =	vmax.f32 v37, v22  }
0x10e: {  	v39 =	vmax.f32 v38, v5  }
0x10f: {  	v40 =	vmax.f32 v39, v4  }
0x110: {  	v41 =	vmax.f32 v40, v2  }
0x111: {  	v16 =	vmax.f32 v23, v29;
	v29 =	vmax.f32 v41, v3  }
0x112: {  	v42 =	vmax.f32 v29, v16  }
0x113: {  	(xrf0) =	vmax.scan.msk.f32 $0xffff, v42;
	_ =	sdelay $0x5  }
0x114: {  	v25 =	vsel vm10, v34, v28;
	vm6 =	vgt.f32 v6, v31;
	v61, _, _ =	vpop (xrf0)  }
0x115: {  	v62 =	vsel vm6, v9, v24;
	vm7 =	vgt.f32 v10, v32;
	v23 =	vperm.xlane v61, v1  }
0x116: {  	v28 =	vsel vm5, v35, v36;
	v63 =	vsel vm7, v25, v62;
	vm9 =	vgt.f32 v11, v33  }
0x117: {  	v36 =	vsel vm9, v28, v63;
	vm8 =	vgt.f32 v22, v37;
	(xrf0) =	vmax.scan.msk.f32 $0xffff, v23  }
0x118: {  	v43 =	vsel vm8, v8, v36;
	vm15 =	vgt.f32 v5, v38  }
0x119: {  	v44 =	vsel vm15, v7, v43;
	vm11 =	vgt.f32 v4, v39  }
0x11a: {  	v60 =	vsel vm11, v12, v44;
	vm12 =	vgt.f32 v2, v40;
	v23 =	vsel vm3, v13, v26  }
0x11b: {  	vm13 =	vgt.f32 v3, v41;
	v45 =	vsel vm12, v23, v60  }
0x11c: {  	vm14 =	vgt.f32 v16, v29;
	v46 =	vsel vm13, v17, v45  }
0x11d: {  	v47 =	vsel vm14, v15, v46;
	v13, _, _ =	vpop (xrf0)  }
0x11e: {  	v48 =	vsub.s32 $0x80000000, v47;
	vm10 =	veq.f32 v42, v13  }
0x11f: {  	v48 =	vnsel vm10, $0x40000000, v48  }
0x120: {  	(xrf0) =	vmax.scan.msk.u32 $0xffff, v48;
	_ =	sdelay $0x5  }
0x121: {  	v48, _, _ =	vpop (xrf0)  }
0x122: {  	v48 =	vxor.u32 $0x80000000, v48  }
0x123: {  	v48 =	vperm.xlane v48, v1;
	_ =	sdelay $0x1  }
0x124: {  	v48 =	vxor.u32 $0x80000000, v48  }
0x125: {  	v61 =	vmin.f32 v30, v19;
	(xrf0) =	vmax.scan.msk.u32 $0xffff, v48  }
0x126: {  	v31 =	vmin.f32 v31, v6;
	v30 =	vmax.f32 v21, v61  }
0x127: {  	v32 =	vmin.f32 v32, v10;
	v48 =	vmax.f32 v30, v31  }
0x128: {  	v33 =	vmin.f32 v33, v11;
	v37 =	vmin.f32 v37, v22;
	v49 =	vmax.f32 v48, v32  }
0x129: {  	v38 =	vmin.f32 v38, v5;
	vm5 =	vgt.f32 v6, v30;
	v50 =	vmax.f32 v49, v33  }
0x12a: {  	v39 =	vmin.f32 v39, v4;
	v51 =	vsel vm5, v9, v14;
	v52 =	vmax.f32 v50, v37  }
0x12b: {  	v40 =	vmin.f32 v40, v2;
	v24 =	vsel vm6, v24, v51;
	v51 =	vmax.f32 v52, v38;
	v53, _, _ =	vpop (xrf0)  }
0x12c: {  	v41 =	vmin.f32 v41, v3;
	v54 =	vmax.f32 v51, v39;
	v53 =	vxor.u32 $0x7FFFFFFF, v53  }
0x12d: {  	v29 =	vmin.f32 v29, v16;
	v55 =	vmax.f32 v54, v40;
	v53 =	vadd.s32 $0x1, v53  }
0x12e: {  	vm6 =	vgt.f32 v10, v48;
	v56 =	vmax.f32 v55, v41;
	vm0 =	veq.s32 v47, v53  }
0x12f: {  	v58 =	vsel vm6, v25, v24;
	v57 =	vmax.f32 v56, v29;
	vm3 =	vmand vm10, vm0  }
0x130: {  	v34 =	vsel vm7, v62, v58;
	vm7 =	vgt.f32 v11, v49;
	v42 =	vsel vm3, v57, v42  }
0x131: {  	v58 =	vsel vm7, v28, v34;
	(xrf0) =	vmax.scan.msk.f32 $0xffff, v42  }
0x132: {  	v35 =	vsel vm9, v63, v58;
	vm9 =	vgt.f32 v22, v50  }
0x133: {  	v58 =	vsel vm9, v8, v35  }
0x134: {  	v36 =	vsel vm8, v36, v58;
	vm10 =	vgt.f32 v5, v52  }
0x135: {  	v58 =	vsel vm10, v7, v36  }
0x136: {  	vm8 =	vgt.f32 v4, v51;
	v43 =	vsel vm15, v43, v58  }
0x137: {  	v59 =	vsel vm8, v12, v43;
	v62, _, _ =	vpop (xrf0)  }
0x138: {  	v44 =	vsel vm11, v44, v59;
	vm11 =	vgt.f32 v2, v54;
	v58 =	vperm.xlane v62, v1  }
0x139: {  	v59 =	vsel vm11, v23, v44  }
0x13a: {  	v26 =	vsel vm12, v60, v59;
	vm12 =	vgt.f32 v3, v55;
	(xrf0) =	vmax.scan.msk.f32 $0xffff, v58  }
0x13b: {  	v63 =	vsel vm12, v17, v26  }
0x13c: {  	v45 =	vsel vm13, v45, v63;
	vm13 =	vgt.f32 v16, v56  }
0x13d: {  	v58 =	vsel vm13, v15, v45;
	_ =	sdelay $0x1  }
0x13e: {  	v46 =	vsel vm14, v46, v58  }
0x13f: {  	v47 =	vsel vm3, v46, v47;
	v58, _, _ =	vpop (xrf0)  }
0x140: {  	v60 =	vsub.s32 $0x80000000, v47;
	vm14 =	veq.f32 v42, v58  }
0x141: {  	v59 =	vnsel vm14, $0x40000000, v60  }
0x142: {  	(xrf0) =	vmax.scan.msk.u32 $0xffff, v59;
	_ =	sdelay $0x5  }
0x143: {  	v59, _, _ =	vpop (xrf0)  }
0x144: {  	v59 =	vxor.u32 $0x80000000, v59  }
0x145: {  	v59 =	vperm.xlane v59, v1;
	_ =	sdelay $0x1  }
0x146: {  	v19 =	vmin.f32 v21, v61;
	v61 =	vxor.u32 $0x80000000, v59  }
0x147: {  	v19 =	vmax.f32 v20, v19;
	v62 =	vmin.f32 v30, v31;
	(xrf0) =	vmax.scan.msk.u32 $0xffff, v61  }
0x148: {  	v63 =	vmin.f32 v48, v32;
	v20 =	vmax.f32 v19, v62  }
0x149: {  	v33 =	vmin.f32 v49, v33;
	v21 =	vmax.f32 v20, v63  }
0x14a: {  	v18 =	vsel vm4, v18, v27;
	v37 =	vmin.f32 v50, v37;
	v30 =	vmax.f32 v21, v33  }
0x14b: {  	v38 =	vmin.f32 v52, v38;
	v50 =	vmin.f32 v51, v39;
	v48 =	vmax.f32 v30, v37  }
0x14c: {  	v52 =	vmin.f32 v54, v40;
	vm15 =	vgt.f32 v6, v19;
	v6 =	vmax.f32 v48, v38  }
0x14d: {  	v49 =	vsel vm15, v9, v18;
	v55 =	vmin.f32 v55, v41;
	v51 =	vmax.f32 v6, v50;
	v54, _, _ =	vpop (xrf0)  }
0x14e: {  	vm4 =	vgt.f32 v10, v20;
	v18 =	vmax.f32 v51, v52;
	v20 =	vxor.u32 $0x7FFFFFFF, v54  }
0x14f: {  	v29 =	vmin.f32 v56, v29;
	v27 =	vmax.f32 v18, v55;
	v20 =	vadd.s32 $0x1, v20  }
0x150: {  	v9 =	vsel vm5, v14, v49;
	v56 =	vmax.f32 v27, v29;
	vm1 =	veq.s32 v47, v20  }
0x151: {  	v9 =	vsel vm4, v25, v9;
	v14 =	vsel vm3, v56, v57;
	vm15 =	vmand vm14, vm1  }
0x152: {  	vm4 =	vgt.f32 v11, v21;
	v9 =	vsel vm6, v24, v9;
	v59 =	vsel vm15, v14, v42  }
0x153: {  	v9 =	vsel vm4, v28, v9;
	(xrf0) =	vmax.scan.msk.f32 $0xffff, v59  }
0x154: {  	vm5 =	vgt.f32 v22, v30;
	v9 =	vsel vm7, v34, v9  }
0x155: {  	v60 =	vsel vm5, v8, v9  }
0x156: {  	vm6 =	vgt.f32 v5, v48;
	v8 =	vsel vm9, v35, v60  }
0x157: {  	v5 =	vsel vm6, v7, v8  }
0x158: {  	vm7 =	vgt.f32 v4, v6;
	v5 =	vsel vm10, v36, v5  }
0x159: {  	v4 =	vsel vm7, v12, v5;
	v61, _, _ =	vpop (xrf0)  }
0x15a: {  	vm9 =	vgt.f32 v2, v51;
	v4 =	vsel vm8, v43, v4;
	v2 =	vperm.xlane v61, v1  }
0x15b: {  	v4 =	vsel vm9, v23, v4  }
0x15c: {  	vm10 =	vgt.f32 v3, v18;
	v4 =	vsel vm11, v44, v4;
	(xrf0) =	vmax.scan.msk.f32 $0xffff, v2  }
0x15d: {  	v2 =	vsel vm10, v17, v4  }
0x15e: {  	vm11 =	vgt.f32 v16, v27;
	v2 =	vsel vm12, v26, v2  }
0x15f: {  	v2 =	vsel vm11, v15, v2  }
0x160: {  	v2 =	vsel vm13, v45, v2  }
0x161: {  	v2 =	vsel vm3, v2, v46  }
0x162: {  	v2 =	vsel vm15, v2, v47;
	v3, _, _ =	vpop (xrf0)  }
0x163: {  	v2 =	vsub.s32 $0x80000000, v2;
	vm12 =	veq.f32 v59, v3  }
0x164: {  	v2 =	vnsel vm12, $0x40000000, v2  }
0x165: {  	(xrf0) =	vmax.scan.msk.u32 $0xffff, v2;
	_ =	sdelay $0x5  }
0x166: {  	v2, _, _ =	vpop (xrf0)  }
0x167: {  	v2 =	vxor.u32 $0x80000000, v2  }
0x168: {  	v2 =	vperm.xlane v2, v1;
	_ =	sdelay $0x1  }
0x169: {  	v2 =	vxor.u32 $0x80000000, v2  }
0x16a: {  	(xrf0) =	vmax.scan.msk.u32 $0xffff, v2;
	v2 =	vld [tilespmem:$0x1FFF0];
	_ =	sdelay $0x4  }
0x16b: {  	vm13 =	vnez.u8 v2  }
0x16c: {  	vm14 =	vcmask $0x30C;
	vm15 =	vcmask $0x70C;
	v2 =	vnsel vm13, $0xFF800000, v13;
	v62, _, _ =	vpop (xrf0)  }
0x16d: {  	v63 =	vnsel vm13, $0x0, v53;
	v2 =	vsel vm14, v2, v58;
	v4 =	vxor.u32 $0x7FFFFFFF, v62  }
0x16e: {  	v5 =	vsel vm14, v63, v20;
	v4 =	vadd.s32 $0x1, v4;
	v2 =	vsel vm15, v2, v3  }
0x16f: {  	v3 =	vsel vm15, v5, v4;
	[tilespmem:$0x4080] =	vst v2  }
0x170: {  	[tilespmem:$0x4180] =	vst v3  }
0x171: {  	[hbm4b:s4+s2] =	stream.linear.scatter [tilespmem:s10], [sflag:$0x1], $0x100, $0x38;
	[tilespmem:$0x4200] =	vst v63  }
0x172: {  	s12 =	sadd.s32 $0x1, s12;
	_ =	swait.ge [sflag:s9], $0x100  }
0x173: {  	p0 =	sne.s32 s12, s6;
	[sflag:s9] =	ssyncset.done $0x0  }
.Ltmp2:
0x174: {  	[sflag:s9] =	ssyncadd.s32 $0xFFFFFF00;
	(pc) =	sbr.rel @p0 .LBB2_1-.Ltmp2, $4  }
0x175: {  	[hbm4b:s5+s2] =	stream.linear.scatter [tilespmem:s11], [sflag:$0x1], $0x100, $0x38;
	[tilespmem:$0x4200] =	vst v63  }
0x176: {  	_ =	swait.ge [sflag:s9], $0x100  }
0x177: {  	[sflag:s9] =	ssyncset.done $0x0  }
0x178: {  	[sflag:s9] =	ssyncadd.s32 $0xFFFFFF00  }
0x179: {  	_ =	sfence.sel $0x180000  }
0x17a: {  	[bflag:$0x0] =	sbarrier.arrive $0xFFFF  }
0x17b: {  	p0 =	sne.s32 s1, $0x0;
	_ =	strace $0x90000047  }
0x17c: {  	s0 =	sadd.s32 @!p0 $0x100000, s0;
	[bflag:$0x2] =	sbarrier.arrive $0xFFFF  }
0x17d: {  	[sflag:s0] =	ssyncadd.tile.s32 @!p0 $0x1;
	_ =	shalt  }
.Lfunc_end2:
_tile_overlayer_lowered:
.L_overlay_start_2:
0x17e: {  	(tag) =	ssettag $0x2  }
0x17f: {  	s0 =	rddreg [dreg:$0x0];
	s2 =	stileid.u32  }
0x180: {  	s1 =	rddreg [dreg:$0x1];
	p0 =	sne.s32 s2, $0x0  }
0x181: {  	s3 =	rddreg [dreg:$0x2];
	[bflag:$0x3] =	sbarrier.arrive $0xFFFF;
	s2 =	simm.s32 @!p0 $0x1C01  }
0x182: {  	[timem:s3], [sflag:s2] =	dma.local @!p0 [hbm:s0], s1  }
0x183: {  	s0 =	simm.s32 @!p0 $0x1  }
0x184: {  	_ =	swait.ge @!p0 [sflag:s0], s1  }
0x185: {  	s1 =	ssub.s32 @!p0 $0x0, s1;
	[sflag:s0] =	ssyncset.done @!p0 $0x0  }
0x186: {  	[sflag:s0] =	ssyncadd.s32 @!p0 s1  }
0x187: {  	[bflag:$0x3] =	sbarrier.arrive $0xFFFF  }
0x188: {  	_ =	shalt  }

</sc_bundles>
